<compile_context>
chip_gen: v7x
topology: tpu7x:2x2x1
jax: 0.10.2.dev20260603
libtpu: 0.0.44.dev20260713+nightly
codegen_flags: <defaults>
</compile_context>

<pallas_src>
import functools

import jax
import jax.numpy as jnp
from jax import lax
from jax.experimental import pallas as pl
from jax.experimental.pallas import tpu as pltpu
from jax.experimental.pallas import tpu_sc as plsc

N = 10000
T = 12
F = 128
H = 64
OUT = 64
E = 320000

NC = 2
NS = 16
NW = NC * NS

NPAD = 10240
RPT = NPAD // NS
CH = 128
NCHUNK = 80
EPW = CH * NCHUNK
EPAD = EPW * NW

_MESH = plsc.VectorSubcoreMesh(
    core_axis_name="c", subcore_axis_name="s", num_cores=NC, num_subcores=NS)


@functools.partial(
    pl.kernel,
    mesh=_MESH,
    out_type=jax.ShapeDtypeStruct((NC, NPAD), jnp.float32),
    scratch_types=[
        pltpu.VMEM((NCHUNK, CH), jnp.int32),
        pltpu.VMEM((CH,), jnp.float32),
        pltpu.VMEM_SHARED((NPAD,), jnp.float32),
        pltpu.SemaphoreType.DMA,
    ],
    compiler_params=pltpu.CompilerParams(use_tc_tiling_on_sc=False),
)
def _deg_call(dst_hbm, zeros_hbm, ones_hbm, deg_out, dst_v, ones_v, deg_sh,
              sem):
    c = lax.axis_index("c")
    s = lax.axis_index("s")
    wid = c * NS + s
    base = s * RPT
    pltpu.sync_copy(zeros_hbm, deg_sh.at[pl.ds(base, RPT)])
    pltpu.sync_copy(ones_hbm, ones_v)
    pltpu.sync_copy(dst_hbm.at[wid], dst_v)
    plsc.subcore_barrier()

    def body(j, carry):
        pltpu.async_copy(ones_v, deg_sh.at[dst_v.at[j]], sem, add=True)
        return carry

    lax.fori_loop(0, NCHUNK, body, 0)
    pltpu.make_async_copy(dst_hbm.at[wid], dst_v, sem).wait()
    plsc.subcore_barrier()
    pltpu.sync_copy(deg_sh.at[pl.ds(base, RPT)],
                    deg_out.at[c, pl.ds(base, RPT)])


NB = 8
LK = NB - 2
OUTH = OUT // NC
ECHUNK = EPAD // (NS * CH)


@functools.partial(
    pl.kernel,
    mesh=_MESH,
    out_type=jax.ShapeDtypeStruct((NC, NPAD, OUTH), jnp.float32),
    scratch_types=[
        pltpu.VMEM((ECHUNK, CH), jnp.int32),
        pltpu.VMEM((ECHUNK, CH), jnp.int32),
        pltpu.VMEM((NB, CH, OUTH), jnp.float32),
        pltpu.VMEM_SHARED((NPAD, OUTH), jnp.float32),
        pltpu.VMEM_SHARED((NPAD, OUTH), jnp.float32),
        [pltpu.SemaphoreType.DMA] * NB,
        [pltpu.SemaphoreType.DMA] * NB,
    ],
    compiler_params=pltpu.CompilerParams(use_tc_tiling_on_sc=False),
)
def _edge_call(src_hbm, dst_hbm, y2_hbm, zeros_hbm, acc_out,
               src_v, dst_v, rows_v, acc_sh, y_sh, sem_g, sem_s):
    c = lax.axis_index("c")
    s = lax.axis_index("s")
    base = s * RPT
    pltpu.sync_copy(y2_hbm.at[c, pl.ds(base, RPT)],
                    y_sh.at[pl.ds(base, RPT)])
    pltpu.sync_copy(zeros_hbm, acc_sh.at[pl.ds(base, RPT)])
    pltpu.sync_copy(src_hbm.at[s], src_v)
    pltpu.sync_copy(dst_hbm.at[s], dst_v)
    plsc.subcore_barrier()

    def gather_start(j, b):
        pltpu.async_copy(y_sh.at[src_v.at[j]], rows_v.at[b], sem_g[b])

    def gather_wait(b):
        pltpu.make_async_copy(
            y_sh.at[pl.ds(0, CH)], rows_v.at[b], sem_g[b]).wait()

    def scatter_start(j, b):
        pltpu.async_copy(rows_v.at[b], acc_sh.at[dst_v.at[j]], sem_s[b],
                         add=True)

    def scatter_wait(b):
        pltpu.make_async_copy(
            rows_v.at[b], acc_sh.at[pl.ds(0, CH)], sem_s[b]).wait()

    for j in range(LK):
        gather_start(j, j % NB)
    for j in range(2):
        gather_start(j + LK, (j + LK) % NB)
        gather_wait(j % NB)
        scatter_start(j, j % NB)
    for j in range(2, NB):
        scatter_wait((j + LK) % NB)
        gather_start(j + LK, (j + LK) % NB)
        gather_wait(j % NB)
        scatter_start(j, j % NB)

    n_steady = (ECHUNK - LK - NB) // NB

    def steady(i, carry):
        j0 = NB + i * NB
        for b in range(NB):
            j = j0 + b
            scatter_wait((b + LK) % NB)
            gather_start(j + LK, (b + LK) % NB)
            gather_wait(b)
            scatter_start(j, b)
        return carry

    lax.fori_loop(0, n_steady, steady, 0)

    for j in range(NB + n_steady * NB, ECHUNK - LK):
        scatter_wait((j + LK) % NB)
        gather_start(j + LK, (j + LK) % NB)
        gather_wait(j % NB)
        scatter_start(j, j % NB)
    for j in range(ECHUNK - LK, ECHUNK):
        gather_wait(j % NB)
        scatter_start(j, j % NB)
    for b in range(NB):
        scatter_wait(b)

    plsc.subcore_barrier()
    pltpu.sync_copy(acc_sh.at[pl.ds(base, RPT)],
                    acc_out.at[c, pl.ds(base, RPT)])


BN = 2000


def _gru_body(x_ref, wih_ref, whh_ref, bih_ref, bhh_ref, wgcn_ref,
              d0_ref, d1_ref, y_ref, dinv_ref, gi_ref):
    xt = x_ref[...]
    gi = lax.dot_general(xt.reshape(T * BN, F), wih_ref[...],
                         (((1,), (1,)), ((), ())))
    gi_ref[...] = (gi + bih_ref[...]).reshape(T, BN, 3 * H)
    whh = whh_ref[...]
    bhh = bhh_ref[...]

    def step(t, h):
        g = gi_ref[t]
        gh = lax.dot_general(h, whh, (((1,), (1,)), ((), ()))) + bhh
        r = jax.nn.sigmoid(g[:, :H] + gh[:, :H])
        z = jax.nn.sigmoid(g[:, H:2 * H] + gh[:, H:2 * H])
        n = jnp.tanh(g[:, 2 * H:] + r * gh[:, 2 * H:])
        return (1.0 - z) * n + z * h

    h = lax.fori_loop(0, T, step, jnp.zeros((BN, H), jnp.float32))
    xw = lax.dot_general(h, wgcn_ref[...], (((1,), (0,)), ((), ())))
    dinv = lax.rsqrt(d0_ref[...] + d1_ref[...] + 1.0)
    yl = xw * dinv
    y_ref[...] = jnp.stack([yl[:, :OUTH], yl[:, OUTH:]])
    dinv_ref[...] = dinv


def _gru_call(xs, w_ih, w_hh, b_ih, b_hh, w_gcn, d0, d1):
    grid = N // BN
    return pl.pallas_call(
        _gru_body,
        grid=(grid,),
        in_specs=[
            pl.BlockSpec((T, BN, F), lambda i: (0, i, 0)),
            pl.BlockSpec((3 * H, F), lambda i: (0, 0)),
            pl.BlockSpec((3 * H, H), lambda i: (0, 0)),
            pl.BlockSpec((1, 3 * H), lambda i: (0, 0)),
            pl.BlockSpec((1, 3 * H), lambda i: (0, 0)),
            pl.BlockSpec((H, OUT), lambda i: (0, 0)),
            pl.BlockSpec((BN, 1), lambda i: (i, 0)),
            pl.BlockSpec((BN, 1), lambda i: (i, 0)),
        ],
        out_specs=[
            pl.BlockSpec((2, BN, OUTH), lambda i: (0, i, 0)),
            pl.BlockSpec((BN, 1), lambda i: (i, 0)),
        ],
        out_shape=[
            jax.ShapeDtypeStruct((NC, NPAD, OUTH), jnp.float32),
            jax.ShapeDtypeStruct((N, 1), jnp.float32),
        ],
        scratch_shapes=[pltpu.VMEM((T, BN, 3 * H), jnp.float32)],
        compiler_params=pltpu.CompilerParams(
            dimension_semantics=("arbitrary",),
            vmem_limit_bytes=100 * 1024 * 1024),
    )(xs, w_ih, w_hh, b_ih, b_hh, w_gcn, d0, d1)


def _combine_body(acc_ref, y_ref, dinv_ref, b_ref, out_ref):
    a = acc_ref[...]
    y = y_ref[...]
    s = jnp.concatenate([a[0] + y[0], a[1] + y[1]], axis=1)
    out_ref[...] = s * dinv_ref[...] + b_ref[...]


def _combine_call(acc2, y2, dinv, b):
    grid = N // BN
    return pl.pallas_call(
        _combine_body,
        grid=(grid,),
        in_specs=[
            pl.BlockSpec((2, BN, OUTH), lambda i: (0, i, 0)),
            pl.BlockSpec((2, BN, OUTH), lambda i: (0, i, 0)),
            pl.BlockSpec((BN, 1), lambda i: (i, 0)),
            pl.BlockSpec((1, OUT), lambda i: (0, 0)),
        ],
        out_specs=pl.BlockSpec((BN, OUT), lambda i: (i, 0)),
        out_shape=jax.ShapeDtypeStruct((N, OUT), jnp.float32),
        compiler_params=pltpu.CompilerParams(
            dimension_semantics=("arbitrary",)),
    )(acc2, y2, dinv, b)


def kernel(node_features, edge_index, W_ih, W_hh, b_ih, b_hh, W_gcn, b_gcn):
    pad = jnp.full((EPAD - E,), N, jnp.int32)
    src_flat = jnp.concatenate([edge_index[0], pad])
    dst_flat = jnp.concatenate([edge_index[1], pad])
    srcp_d = dst_flat.reshape(NW, NCHUNK, CH)
    srcp_e = src_flat.reshape(NS, ECHUNK, CH)
    dstp_e = dst_flat.reshape(NS, ECHUNK, CH)

    zeros_a = jnp.zeros((RPT,), jnp.float32)
    ones_a = jnp.ones((CH,), jnp.float32)
    zeros_c = jnp.zeros((RPT, OUTH), jnp.float32)

    deg_p = _deg_call(srcp_d, zeros_a, ones_a)
    d0 = deg_p[0, :N].reshape(N, 1)
    d1 = deg_p[1, :N].reshape(N, 1)

    xs = jnp.swapaxes(node_features, 0, 1)
    y2, dinv = _gru_call(xs, W_ih, W_hh,
                         b_ih.reshape(1, 3 * H), b_hh.reshape(1, 3 * H),
                         W_gcn, d0, d1)

    acc_p = _edge_call(srcp_e, dstp_e, y2, zeros_c)

    return _combine_call(acc_p, y2, dinv, b_gcn.reshape(1, OUT))

# --- scband reference (transcript-rebuilt; emitter-appended) ---
"""Pipeline reference for scband-spatio-temporal-gnn-90486370992787 (READ-ONLY COPY).

The authoritative reference and input builder live on the scoring server;
editing this copy changes nothing except your own understanding.
"""

import jax, jax.numpy as jnp
import numpy as np

N = 10000
T = 12
F = 128
H = 64
OUT = 64
E = 320000


def setup_inputs(seed: int = 0) -> dict:
    key = jax.random.key(seed)
    ks = jax.random.split(key, 9)
    node_features = jax.random.normal(ks[0], (N, T, F), dtype=jnp.float32)
    edge_index = jax.random.randint(ks[1], (2, E), 0, N, dtype=jnp.int32)
    s_i = 1.0 / np.sqrt(H)
    W_ih = jax.random.uniform(ks[2], (3 * H, F), jnp.float32, -s_i, s_i)
    W_hh = jax.random.uniform(ks[3], (3 * H, H), jnp.float32, -s_i, s_i)
    b_ih = jax.random.uniform(ks[4], (3 * H,), jnp.float32, -s_i, s_i)
    b_hh = jax.random.uniform(ks[5], (3 * H,), jnp.float32, -s_i, s_i)
    s_g = 1.0 / np.sqrt(H)
    W_gcn = jax.random.uniform(ks[6], (H, OUT), jnp.float32, -s_g, s_g)
    b_gcn = jnp.zeros((OUT,), jnp.float32)
    return {
        "node_features": node_features,
        "edge_index": edge_index,
        "W_ih": W_ih,
        "W_hh": W_hh,
        "b_ih": b_ih,
        "b_hh": b_hh,
        "W_gcn": W_gcn,
        "b_gcn": b_gcn,
    }


def _gru_last_hidden(x, W_ih, W_hh, b_ih, b_hh):
    # x: (N, T, F), batch_first GRU, return final hidden state (N, H)
    h0 = jnp.zeros((x.shape[0], H), x.dtype)

    def step(h, xt):
        gi = xt @ W_ih.T + b_ih
        gh = h @ W_hh.T + b_hh
        i_r, i_z, i_n = jnp.split(gi, 3, axis=1)
        h_r, h_z, h_n = jnp.split(gh, 3, axis=1)
        r = jax.nn.sigmoid(i_r + h_r)
        z = jax.nn.sigmoid(i_z + h_z)
        n = jnp.tanh(i_n + r * h_n)
        h_new = (1.0 - z) * n + z * h
        return h_new, None

    xs = jnp.swapaxes(x, 0, 1)  # (T, N, F)
    h_final, _ = jax.lax.scan(step, h0, xs)
    return h_final


def _gcn_conv(x, edge_index, W, b):
    # PyG GCNConv: add self-loops, symmetric normalization, scatter-add
    n = x.shape[0]
    loop = jnp.arange(n, dtype=edge_index.dtype)
    src = jnp.concatenate([edge_index[0], loop])
    dst = jnp.concatenate([edge_index[1], loop])
    xw = x @ W
    deg = jnp.zeros((n,), xw.dtype).at[dst].add(1.0)
    dinv = jnp.where(deg > 0, jax.lax.rsqrt(deg), 0.0)
    norm = dinv[src] * dinv[dst]
    msgs = xw[src] * norm[:, None]
    out = jnp.zeros((n, W.shape[1]), xw.dtype).at[dst].add(msgs)
    return out + b


def reference(node_features, edge_index, W_ih, W_hh, b_ih, b_hh, W_gcn, b_gcn):
    hidden_state = _gru_last_hidden(node_features, W_ih, W_hh, b_ih, b_hh)
    node_embeddings = _gcn_conv(hidden_state, edge_index, W_gcn, b_gcn)
    return node_embeddings

if __name__ == "__main__":
    import jax
    _d = setup_inputs()
    print(jax.jit(kernel)(*tuple(_d.values())))

</pallas_src>

<mosaic_0001>
#map = affine_map<(d0, d1) -> (0, 0, 0)>
#map1 = affine_map<(d0, d1) -> (0, 0)>
module attributes {stable_mosaic.version = 14 : i64} {
  func.func @_edge_call(%arg0: i32, %arg1: i32, %arg2: memref<16x160x128xi32, #tpu.memory_space<hbm>>, %arg3: memref<16x160x128xi32, #tpu.memory_space<hbm>>, %arg4: memref<2x10240x32xf32, #tpu.memory_space<hbm>>, %arg5: memref<640x32xf32, #tpu.memory_space<hbm>>, %arg6: memref<2x10240x32xf32, #tpu.memory_space<hbm>>, %arg7: memref<160x128xi32, #tpu.memory_space<vmem>>, %arg8: memref<160x128xi32, #tpu.memory_space<vmem>>, %arg9: memref<8x128x32xf32, #tpu.memory_space<vmem>>, %arg10: memref<10240x32xf32, #tpu.memory_space<vmem_shared>>, %arg11: memref<10240x32xf32, #tpu.memory_space<vmem_shared>>, %arg12: memref<!tpu.dma_semaphore, #tpu.memory_space<semaphore_mem>>, %arg13: memref<!tpu.dma_semaphore, #tpu.memory_space<semaphore_mem>>, %arg14: memref<!tpu.dma_semaphore, #tpu.memory_space<semaphore_mem>>, %arg15: memref<!tpu.dma_semaphore, #tpu.memory_space<semaphore_mem>>, %arg16: memref<!tpu.dma_semaphore, #tpu.memory_space<semaphore_mem>>, %arg17: memref<!tpu.dma_semaphore, #tpu.memory_space<semaphore_mem>>, %arg18: memref<!tpu.dma_semaphore, #tpu.memory_space<semaphore_mem>>, %arg19: memref<!tpu.dma_semaphore, #tpu.memory_space<semaphore_mem>>, %arg20: memref<!tpu.dma_semaphore, #tpu.memory_space<semaphore_mem>>, %arg21: memref<!tpu.dma_semaphore, #tpu.memory_space<semaphore_mem>>, %arg22: memref<!tpu.dma_semaphore, #tpu.memory_space<semaphore_mem>>, %arg23: memref<!tpu.dma_semaphore, #tpu.memory_space<semaphore_mem>>, %arg24: memref<!tpu.dma_semaphore, #tpu.memory_space<semaphore_mem>>, %arg25: memref<!tpu.dma_semaphore, #tpu.memory_space<semaphore_mem>>, %arg26: memref<!tpu.dma_semaphore, #tpu.memory_space<semaphore_mem>>, %arg27: memref<!tpu.dma_semaphore, #tpu.memory_space<semaphore_mem>>) attributes {dimension_semantics = [#tpu.dimension_semantics<core_parallel>, #tpu.dimension_semantics<subcore_parallel>], iteration_bounds = array<i64: 2, 16>, scalar_prefetch = 0 : i64, scratch_operands = 21 : i64, tpu.core_type = #tpu.core_type<sc_vector_subcore>, window_params = [{transform_indices = #map}, {transform_indices = #map}, {transform_indices = #map}, {transform_indices = #map1}, {transform_indices = #map}]} {
    %mul3A = arith.constant 640 : i32
    %mul3A_0 = arith.muli %arg1, %mul3A : i32
    "tpu.region"() ({
      %run_scoped3A = tpu.sem_alloc : memref<!tpu.dma_semaphore, #tpu.memory_space<semaphore_mem>>
      %dma_start3A_869 = arith.constant 0 : i32
      %dma_start3A_870 = tpu.memref_slice %arg11[%mul3A_0, %dma_start3A_869] : memref<10240x32xf32, #tpu.memory_space<vmem_shared>> -> memref<640x32xf32, #tpu.memory_space<vmem_shared>>
      %dma_start3A_871 = arith.constant 0 : i32
      %dma_start3A_872 = tpu.memref_slice %arg4[%arg0, %mul3A_0, %dma_start3A_871] : memref<2x10240x32xf32, #tpu.memory_space<hbm>> -> memref<1x640x32xf32, #tpu.memory_space<hbm>>
      %dma_start3A_873 = tpu.memref_squeeze %dma_start3A_872 : memref<1x640x32xf32, #tpu.memory_space<hbm>> -> memref<640x32xf32, #tpu.memory_space<hbm>>
      tpu.enqueue_dma source(%dma_start3A_873 : memref<640x32xf32, #tpu.memory_space<hbm>>) target(%dma_start3A_870 : memref<640x32xf32, #tpu.memory_space<vmem_shared>>) target_semaphore(%run_scoped3A : memref<!tpu.dma_semaphore, #tpu.memory_space<semaphore_mem>>)
      %dma_wait3A_874 = arith.constant 0 : i32
      %dma_wait3A_875 = tpu.memref_slice %arg11[%mul3A_0, %dma_wait3A_874] : memref<10240x32xf32, #tpu.memory_space<vmem_shared>> -> memref<640x32xf32, #tpu.memory_space<vmem_shared>>
      %dma_wait3A_876 = arith.constant 0 : i32
      %dma_wait3A_877 = tpu.memref_slice %arg4[%arg0, %mul3A_0, %dma_wait3A_876] : memref<2x10240x32xf32, #tpu.memory_space<hbm>> -> memref<1x640x32xf32, #tpu.memory_space<hbm>>
      %dma_wait3A_878 = tpu.memref_squeeze %dma_wait3A_877 : memref<1x640x32xf32, #tpu.memory_space<hbm>> -> memref<640x32xf32, #tpu.memory_space<hbm>>
      tpu.wait_dma2 semaphore(%run_scoped3A : memref<!tpu.dma_semaphore, #tpu.memory_space<semaphore_mem>>) src(%dma_wait3A_878 : memref<640x32xf32, #tpu.memory_space<hbm>>) dst(%dma_wait3A_875 : memref<640x32xf32, #tpu.memory_space<vmem_shared>>)
      tpu.yield
    }) : () -> ()
    "tpu.region"() ({
      %run_scoped3A = tpu.sem_alloc : memref<!tpu.dma_semaphore, #tpu.memory_space<semaphore_mem>>
      %dma_start3A_869 = arith.constant 0 : i32
      %dma_start3A_870 = tpu.memref_slice %arg10[%mul3A_0, %dma_start3A_869] : memref<10240x32xf32, #tpu.memory_space<vmem_shared>> -> memref<640x32xf32, #tpu.memory_space<vmem_shared>>
      tpu.enqueue_dma source(%arg5 : memref<640x32xf32, #tpu.memory_space<hbm>>) target(%dma_start3A_870 : memref<640x32xf32, #tpu.memory_space<vmem_shared>>) target_semaphore(%run_scoped3A : memref<!tpu.dma_semaphore, #tpu.memory_space<semaphore_mem>>)
      %dma_wait3A_871 = arith.constant 0 : i32
      %dma_wait3A_872 = tpu.memref_slice %arg10[%mul3A_0, %dma_wait3A_871] : memref<10240x32xf32, #tpu.memory_space<vmem_shared>> -> memref<640x32xf32, #tpu.memory_space<vmem_shared>>
      tpu.wait_dma2 semaphore(%run_scoped3A : memref<!tpu.dma_semaphore, #tpu.memory_space<semaphore_mem>>) src(%arg5 : memref<640x32xf32, #tpu.memory_space<hbm>>) dst(%dma_wait3A_872 : memref<640x32xf32, #tpu.memory_space<vmem_shared>>)
      tpu.yield
    }) : () -> ()
    "tpu.region"() ({
      %run_scoped3A = tpu.sem_alloc : memref<!tpu.dma_semaphore, #tpu.memory_space<semaphore_mem>>
      %dma_start3A_869 = arith.constant 0 : i32
      %dma_start3A_870 = arith.constant 0 : i32
      %dma_start3A_871 = tpu.memref_slice %arg2[%arg1, %dma_start3A_869, %dma_start3A_870] : memref<16x160x128xi32, #tpu.memory_space<hbm>> -> memref<1x160x128xi32, #tpu.memory_space<hbm>>
      %dma_start3A_872 = tpu.memref_squeeze %dma_start3A_871 : memref<1x160x128xi32, #tpu.memory_space<hbm>> -> memref<160x128xi32, #tpu.memory_space<hbm>>
      %dma_start3A_873 = arith.constant 0 : i32
      %dma_start3A_874 = arith.constant 0 : i32
      %dma_start3A_875 = tpu.memref_slice %arg2[%arg1, %dma_start3A_873, %dma_start3A_874] : memref<16x160x128xi32, #tpu.memory_space<hbm>> -> memref<1x160x128xi32, #tpu.memory_space<hbm>>
      %dma_start3A_876 = tpu.memref_squeeze %dma_start3A_875 : memref<1x160x128xi32, #tpu.memory_space<hbm>> -> memref<160x128xi32, #tpu.memory_space<hbm>>
      tpu.enqueue_dma source(%dma_start3A_876 : memref<160x128xi32, #tpu.memory_space<hbm>>) target(%arg7 : memref<160x128xi32, #tpu.memory_space<vmem>>) target_semaphore(%run_scoped3A : memref<!tpu.dma_semaphore, #tpu.memory_space<semaphore_mem>>)
      %dma_wait3A_877 = arith.constant 0 : i32
      %dma_wait3A_878 = arith.constant 0 : i32
      %dma_wait3A_879 = tpu.memref_slice %arg2[%arg1, %dma_wait3A_877, %dma_wait3A_878] : memref<16x160x128xi32, #tpu.memory_space<hbm>> -> memref<1x160x128xi32, #tpu.memory_space<hbm>>
      %dma_wait3A_880 = tpu.memref_squeeze %dma_wait3A_879 : memref<1x160x128xi32, #tpu.memory_space<hbm>> -> memref<160x128xi32, #tpu.memory_space<hbm>>
      %dma_wait3A_881 = arith.constant 0 : i32
      %dma_wait3A_882 = arith.constant 0 : i32
      %dma_wait3A_883 = tpu.memref_slice %arg2[%arg1, %dma_wait3A_881, %dma_wait3A_882] : memref<16x160x128xi32, #tpu.memory_space<hbm>> -> memref<1x160x128xi32, #tpu.memory_space<hbm>>
      %dma_wait3A_884 = tpu.memref_squeeze %dma_wait3A_883 : memref<1x160x128xi32, #tpu.memory_space<hbm>> -> memref<160x128xi32, #tpu.memory_space<hbm>>
      tpu.wait_dma2 semaphore(%run_scoped3A : memref<!tpu.dma_semaphore, #tpu.memory_space<semaphore_mem>>) src(%dma_wait3A_884 : memref<160x128xi32, #tpu.memory_space<hbm>>) dst(%arg7 : memref<160x128xi32, #tpu.memory_space<vmem>>)
      tpu.yield
    }) : () -> ()
    "tpu.region"() ({
      %run_scoped3A = tpu.sem_alloc : memref<!tpu.dma_semaphore, #tpu.memory_space<semaphore_mem>>
      %dma_start3A_869 = arith.constant 0 : i32
      %dma_start3A_870 = arith.constant 0 : i32
      %dma_start3A_871 = tpu.memref_slice %arg3[%arg1, %dma_start3A_869, %dma_start3A_870] : memref<16x160x128xi32, #tpu.memory_space<hbm>> -> memref<1x160x128xi32, #tpu.memory_space<hbm>>
      %dma_start3A_872 = tpu.memref_squeeze %dma_start3A_871 : memref<1x160x128xi32, #tpu.memory_space<hbm>> -> memref<160x128xi32, #tpu.memory_space<hbm>>
      %dma_start3A_873 = arith.constant 0 : i32
      %dma_start3A_874 = arith.constant 0 : i32
      %dma_start3A_875 = tpu.memref_slice %arg3[%arg1, %dma_start3A_873, %dma_start3A_874] : memref<16x160x128xi32, #tpu.memory_space<hbm>> -> memref<1x160x128xi32, #tpu.memory_space<hbm>>
      %dma_start3A_876 = tpu.memref_squeeze %dma_start3A_875 : memref<1x160x128xi32, #tpu.memory_space<hbm>> -> memref<160x128xi32, #tpu.memory_space<hbm>>
      tpu.enqueue_dma source(%dma_start3A_876 : memref<160x128xi32, #tpu.memory_space<hbm>>) target(%arg8 : memref<160x128xi32, #tpu.memory_space<vmem>>) target_semaphore(%run_scoped3A : memref<!tpu.dma_semaphore, #tpu.memory_space<semaphore_mem>>)
      %dma_wait3A_877 = arith.constant 0 : i32
      %dma_wait3A_878 = arith.constant 0 : i32
      %dma_wait3A_879 = tpu.memref_slice %arg3[%arg1, %dma_wait3A_877, %dma_wait3A_878] : memref<16x160x128xi32, #tpu.memory_space<hbm>> -> memref<1x160x128xi32, #tpu.memory_space<hbm>>
      %dma_wait3A_880 = tpu.memref_squeeze %dma_wait3A_879 : memref<1x160x128xi32, #tpu.memory_space<hbm>> -> memref<160x128xi32, #tpu.memory_space<hbm>>
      %dma_wait3A_881 = arith.constant 0 : i32
      %dma_wait3A_882 = arith.constant 0 : i32
      %dma_wait3A_883 = tpu.memref_slice %arg3[%arg1, %dma_wait3A_881, %dma_wait3A_882] : memref<16x160x128xi32, #tpu.memory_space<hbm>> -> memref<1x160x128xi32, #tpu.memory_space<hbm>>
      %dma_wait3A_884 = tpu.memref_squeeze %dma_wait3A_883 : memref<1x160x128xi32, #tpu.memory_space<hbm>> -> memref<160x128xi32, #tpu.memory_space<hbm>>
      tpu.wait_dma2 semaphore(%run_scoped3A : memref<!tpu.dma_semaphore, #tpu.memory_space<semaphore_mem>>) src(%dma_wait3A_884 : memref<160x128xi32, #tpu.memory_space<hbm>>) dst(%arg8 : memref<160x128xi32, #tpu.memory_space<vmem>>)
      tpu.yield
    }) : () -> ()
    %barrier3A = arith.constant 0 : index
    tpu.barrier barrier_id(%barrier3A)
    %dma_start3A = arith.constant 0 : i32
    %dma_start3A_1 = arith.constant 0 : i32
    %dma_start3A_2 = arith.constant 0 : i32
    %dma_start3A_3 = arith.constant 0 : i32
    %dma_start3A_4 = tpu.memref_slice %arg9[%dma_start3A_1, %dma_start3A_2, %dma_start3A_3] : memref<8x128x32xf32, #tpu.memory_space<vmem>> -> memref<1x128x32xf32, #tpu.memory_space<vmem>>
    %dma_start3A_5 = tpu.memref_squeeze %dma_start3A_4 : memref<1x128x32xf32, #tpu.memory_space<vmem>> -> memref<128x32xf32, #tpu.memory_space<vmem>>
    %dma_start3A_6 = arith.constant 0 : i32
    %dma_start3A_7 = tpu.memref_slice %arg7[%dma_start3A, %dma_start3A_6] : memref<160x128xi32, #tpu.memory_space<vmem>> -> memref<1x128xi32, #tpu.memory_space<vmem>>
    %dma_start3A_8 = tpu.memref_squeeze %dma_start3A_7 : memref<1x128xi32, #tpu.memory_space<vmem>> -> memref<128xi32, #tpu.memory_space<vmem>>
    %dma_start3A_9 = arith.constant 0 : i32
    %dma_start3A_10 = arith.constant 0 : i32
    %dma_start3A_11 = tpu.memref_slice %arg11[%dma_start3A_9, %dma_start3A_10] : memref<10240x32xf32, #tpu.memory_space<vmem_shared>> -> memref<10240x32xf32, #tpu.memory_space<vmem_shared>>
    tpu.enqueue_indirect_dma source(%dma_start3A_11 : memref<10240x32xf32, #tpu.memory_space<vmem_shared>>) target(%dma_start3A_5 : memref<128x32xf32, #tpu.memory_space<vmem>>) offsets(%dma_start3A_8 : memref<128xi32, #tpu.memory_space<vmem>>) semaphore(%arg12 : memref<!tpu.dma_semaphore, #tpu.memory_space<semaphore_mem>>)
    %dma_start3A_12 = arith.constant 1 : i32
    %dma_start3A_13 = arith.constant 1 : i32
    %dma_start3A_14 = arith.constant 0 : i32
    %dma_start3A_15 = arith.constant 0 : i32
    %dma_start3A_16 = tpu.memref_slice %arg9[%dma_start3A_13, %dma_start3A_14, %dma_start3A_15] : memref<8x128x32xf32, #tpu.memory_space<vmem>> -> memref<1x128x32xf32, #tpu.memory_space<vmem>>
    %dma_start3A_17 = tpu.memref_squeeze %dma_start3A_16 : memref<1x128x32xf32, #tpu.memory_space<vmem>> -> memref<128x32xf32, #tpu.memory_space<vmem>>
    %dma_start3A_18 = arith.constant 0 : i32
    %dma_start3A_19 = tpu.memref_slice %arg7[%dma_start3A_12, %dma_start3A_18] : memref<160x128xi32, #tpu.memory_space<vmem>> -> memref<1x128xi32, #tpu.memory_space<vmem>>
    %dma_start3A_20 = tpu.memref_squeeze %dma_start3A_19 : memref<1x128xi32, #tpu.memory_space<vmem>> -> memref<128xi32, #tpu.memory_space<vmem>>
    %dma_start3A_21 = arith.constant 0 : i32
    %dma_start3A_22 = arith.constant 0 : i32
    %dma_start3A_23 = tpu.memref_slice %arg11[%dma_start3A_21, %dma_start3A_22] : memref<10240x32xf32, #tpu.memory_space<vmem_shared>> -> memref<10240x32xf32, #tpu.memory_space<vmem_shared>>
    tpu.enqueue_indirect_dma source(%dma_start3A_23 : memref<10240x32xf32, #tpu.memory_space<vmem_shared>>) target(%dma_start3A_17 : memref<128x32xf32, #tpu.memory_space<vmem>>) offsets(%dma_start3A_20 : memref<128xi32, #tpu.memory_space<vmem>>) semaphore(%arg13 : memref<!tpu.dma_semaphore, #tpu.memory_space<semaphore_mem>>)
    %dma_start3A_24 = arith.constant 2 : i32
    %dma_start3A_25 = arith.constant 2 : i32
    %dma_start3A_26 = arith.constant 0 : i32
    %dma_start3A_27 = arith.constant 0 : i32
    %dma_start3A_28 = tpu.memref_slice %arg9[%dma_start3A_25, %dma_start3A_26, %dma_start3A_27] : memref<8x128x32xf32, #tpu.memory_space<vmem>> -> memref<1x128x32xf32, #tpu.memory_space<vmem>>
    %dma_start3A_29 = tpu.memref_squeeze %dma_start3A_28 : memref<1x128x32xf32, #tpu.memory_space<vmem>> -> memref<128x32xf32, #tpu.memory_space<vmem>>
    %dma_start3A_30 = arith.constant 0 : i32
    %dma_start3A_31 = tpu.memref_slice %arg7[%dma_start3A_24, %dma_start3A_30] : memref<160x128xi32, #tpu.memory_space<vmem>> -> memref<1x128xi32, #tpu.memory_space<vmem>>
    %dma_start3A_32 = tpu.memref_squeeze %dma_start3A_31 : memref<1x128xi32, #tpu.memory_space<vmem>> -> memref<128xi32, #tpu.memory_space<vmem>>
    %dma_start3A_33 = arith.constant 0 : i32
    %dma_start3A_34 = arith.constant 0 : i32
    %dma_start3A_35 = tpu.memref_slice %arg11[%dma_start3A_33, %dma_start3A_34] : memref<10240x32xf32, #tpu.memory_space<vmem_shared>> -> memref<10240x32xf32, #tpu.memory_space<vmem_shared>>
    tpu.enqueue_indirect_dma source(%dma_start3A_35 : memref<10240x32xf32, #tpu.memory_space<vmem_shared>>) target(%dma_start3A_29 : memref<128x32xf32, #tpu.memory_space<vmem>>) offsets(%dma_start3A_32 : memref<128xi32, #tpu.memory_space<vmem>>) semaphore(%arg14 : memref<!tpu.dma_semaphore, #tpu.memory_space<semaphore_mem>>)
    %dma_start3A_36 = arith.constant 3 : i32
    %dma_start3A_37 = arith.constant 3 : i32
    %dma_start3A_38 = arith.constant 0 : i32
    %dma_start3A_39 = arith.constant 0 : i32
    %dma_start3A_40 = tpu.memref_slice %arg9[%dma_start3A_37, %dma_start3A_38, %dma_start3A_39] : memref<8x128x32xf32, #tpu.memory_space<vmem>> -> memref<1x128x32xf32, #tpu.memory_space<vmem>>
    %dma_start3A_41 = tpu.memref_squeeze %dma_start3A_40 : memref<1x128x32xf32, #tpu.memory_space<vmem>> -> memref<128x32xf32, #tpu.memory_space<vmem>>
    %dma_start3A_42 = arith.constant 0 : i32
    %dma_start3A_43 = tpu.memref_slice %arg7[%dma_start3A_36, %dma_start3A_42] : memref<160x128xi32, #tpu.memory_space<vmem>> -> memref<1x128xi32, #tpu.memory_space<vmem>>
    %dma_start3A_44 = tpu.memref_squeeze %dma_start3A_43 : memref<1x128xi32, #tpu.memory_space<vmem>> -> memref<128xi32, #tpu.memory_space<vmem>>
    %dma_start3A_45 = arith.constant 0 : i32
    %dma_start3A_46 = arith.constant 0 : i32
    %dma_start3A_47 = tpu.memref_slice %arg11[%dma_start3A_45, %dma_start3A_46] : memref<10240x32xf32, #tpu.memory_space<vmem_shared>> -> memref<10240x32xf32, #tpu.memory_space<vmem_shared>>
    tpu.enqueue_indirect_dma source(%dma_start3A_47 : memref<10240x32xf32, #tpu.memory_space<vmem_shared>>) target(%dma_start3A_41 : memref<128x32xf32, #tpu.memory_space<vmem>>) offsets(%dma_start3A_44 : memref<128xi32, #tpu.memory_space<vmem>>) semaphore(%arg15 : memref<!tpu.dma_semaphore, #tpu.memory_space<semaphore_mem>>)
    %dma_start3A_48 = arith.constant 4 : i32
    %dma_start3A_49 = arith.constant 4 : i32
    %dma_start3A_50 = arith.constant 0 : i32
    %dma_start3A_51 = arith.constant 0 : i32
    %dma_start3A_52 = tpu.memref_slice %arg9[%dma_start3A_49, %dma_start3A_50, %dma_start3A_51] : memref<8x128x32xf32, #tpu.memory_space<vmem>> -> memref<1x128x32xf32, #tpu.memory_space<vmem>>
    %dma_start3A_53 = tpu.memref_squeeze %dma_start3A_52 : memref<1x128x32xf32, #tpu.memory_space<vmem>> -> memref<128x32xf32, #tpu.memory_space<vmem>>
    %dma_start3A_54 = arith.constant 0 : i32
    %dma_start3A_55 = tpu.memref_slice %arg7[%dma_start3A_48, %dma_start3A_54] : memref<160x128xi32, #tpu.memory_space<vmem>> -> memref<1x128xi32, #tpu.memory_space<vmem>>
    %dma_start3A_56 = tpu.memref_squeeze %dma_start3A_55 : memref<1x128xi32, #tpu.memory_space<vmem>> -> memref<128xi32, #tpu.memory_space<vmem>>
    %dma_start3A_57 = arith.constant 0 : i32
    %dma_start3A_58 = arith.constant 0 : i32
    %dma_start3A_59 = tpu.memref_slice %arg11[%dma_start3A_57, %dma_start3A_58] : memref<10240x32xf32, #tpu.memory_space<vmem_shared>> -> memref<10240x32xf32, #tpu.memory_space<vmem_shared>>
    tpu.enqueue_indirect_dma source(%dma_start3A_59 : memref<10240x32xf32, #tpu.memory_space<vmem_shared>>) target(%dma_start3A_53 : memref<128x32xf32, #tpu.memory_space<vmem>>) offsets(%dma_start3A_56 : memref<128xi32, #tpu.memory_space<vmem>>) semaphore(%arg16 : memref<!tpu.dma_semaphore, #tpu.memory_space<semaphore_mem>>)
    %dma_start3A_60 = arith.constant 5 : i32
    %dma_start3A_61 = arith.constant 5 : i32
    %dma_start3A_62 = arith.constant 0 : i32
    %dma_start3A_63 = arith.constant 0 : i32
    %dma_start3A_64 = tpu.memref_slice %arg9[%dma_start3A_61, %dma_start3A_62, %dma_start3A_63] : memref<8x128x32xf32, #tpu.memory_space<vmem>> -> memref<1x128x32xf32, #tpu.memory_space<vmem>>
    %dma_start3A_65 = tpu.memref_squeeze %dma_start3A_64 : memref<1x128x32xf32, #tpu.memory_space<vmem>> -> memref<128x32xf32, #tpu.memory_space<vmem>>
    %dma_start3A_66 = arith.constant 0 : i32
    %dma_start3A_67 = tpu.memref_slice %arg7[%dma_start3A_60, %dma_start3A_66] : memref<160x128xi32, #tpu.memory_space<vmem>> -> memref<1x128xi32, #tpu.memory_space<vmem>>
    %dma_start3A_68 = tpu.memref_squeeze %dma_start3A_67 : memref<1x128xi32, #tpu.memory_space<vmem>> -> memref<128xi32, #tpu.memory_space<vmem>>
    %dma_start3A_69 = arith.constant 0 : i32
    %dma_start3A_70 = arith.constant 0 : i32
    %dma_start3A_71 = tpu.memref_slice %arg11[%dma_start3A_69, %dma_start3A_70] : memref<10240x32xf32, #tpu.memory_space<vmem_shared>> -> memref<10240x32xf32, #tpu.memory_space<vmem_shared>>
    tpu.enqueue_indirect_dma source(%dma_start3A_71 : memref<10240x32xf32, #tpu.memory_space<vmem_shared>>) target(%dma_start3A_65 : memref<128x32xf32, #tpu.memory_space<vmem>>) offsets(%dma_start3A_68 : memref<128xi32, #tpu.memory_space<vmem>>) semaphore(%arg17 : memref<!tpu.dma_semaphore, #tpu.memory_space<semaphore_mem>>)
    %dma_start3A_72 = arith.constant 6 : i32
    %dma_start3A_73 = arith.constant 6 : i32
    %dma_start3A_74 = arith.constant 0 : i32
    %dma_start3A_75 = arith.constant 0 : i32
    %dma_start3A_76 = tpu.memref_slice %arg9[%dma_start3A_73, %dma_start3A_74, %dma_start3A_75] : memref<8x128x32xf32, #tpu.memory_space<vmem>> -> memref<1x128x32xf32, #tpu.memory_space<vmem>>
    %dma_start3A_77 = tpu.memref_squeeze %dma_start3A_76 : memref<1x128x32xf32, #tpu.memory_space<vmem>> -> memref<128x32xf32, #tpu.memory_space<vmem>>
    %dma_start3A_78 = arith.constant 0 : i32
    %dma_start3A_79 = tpu.memref_slice %arg7[%dma_start3A_72, %dma_start3A_78] : memref<160x128xi32, #tpu.memory_space<vmem>> -> memref<1x128xi32, #tpu.memory_space<vmem>>
    %dma_start3A_80 = tpu.memref_squeeze %dma_start3A_79 : memref<1x128xi32, #tpu.memory_space<vmem>> -> memref<128xi32, #tpu.memory_space<vmem>>
    %dma_start3A_81 = arith.constant 0 : i32
    %dma_start3A_82 = arith.constant 0 : i32
    %dma_start3A_83 = tpu.memref_slice %arg11[%dma_start3A_81, %dma_start3A_82] : memref<10240x32xf32, #tpu.memory_space<vmem_shared>> -> memref<10240x32xf32, #tpu.memory_space<vmem_shared>>
    tpu.enqueue_indirect_dma source(%dma_start3A_83 : memref<10240x32xf32, #tpu.memory_space<vmem_shared>>) target(%dma_start3A_77 : memref<128x32xf32, #tpu.memory_space<vmem>>) offsets(%dma_start3A_80 : memref<128xi32, #tpu.memory_space<vmem>>) semaphore(%arg18 : memref<!tpu.dma_semaphore, #tpu.memory_space<semaphore_mem>>)
    %dma_wait3A = arith.constant 0 : i32
    %dma_wait3A_84 = arith.constant 0 : i32
    %dma_wait3A_85 = arith.constant 0 : i32
    %dma_wait3A_86 = tpu.memref_slice %arg9[%dma_wait3A, %dma_wait3A_84, %dma_wait3A_85] : memref<8x128x32xf32, #tpu.memory_space<vmem>> -> memref<1x128x32xf32, #tpu.memory_space<vmem>>
    %dma_wait3A_87 = tpu.memref_squeeze %dma_wait3A_86 : memref<1x128x32xf32, #tpu.memory_space<vmem>> -> memref<128x32xf32, #tpu.memory_space<vmem>>
    %dma_wait3A_88 = arith.constant 0 : i32
    %dma_wait3A_89 = arith.constant 0 : i32
    %dma_wait3A_90 = tpu.memref_slice %arg11[%dma_wait3A_88, %dma_wait3A_89] : memref<10240x32xf32, #tpu.memory_space<vmem_shared>> -> memref<128x32xf32, #tpu.memory_space<vmem_shared>>
    %dma_wait3A_91 = arith.constant 0 : i32
    %dma_wait3A_92 = arith.constant 0 : i32
    %dma_wait3A_93 = tpu.memref_slice %arg9[%dma_wait3A, %dma_wait3A_91, %dma_wait3A_92] : memref<8x128x32xf32, #tpu.memory_space<vmem>> -> memref<1x128x32xf32, #tpu.memory_space<vmem>>
    %dma_wait3A_94 = tpu.memref_squeeze %dma_wait3A_93 : memref<1x128x32xf32, #tpu.memory_space<vmem>> -> memref<128x32xf32, #tpu.memory_space<vmem>>
    %dma_wait3A_95 = arith.constant 0 : i32
    %dma_wait3A_96 = arith.constant 0 : i32
    %dma_wait3A_97 = tpu.memref_slice %arg11[%dma_wait3A_95, %dma_wait3A_96] : memref<10240x32xf32, #tpu.memory_space<vmem_shared>> -> memref<128x32xf32, #tpu.memory_space<vmem_shared>>
    tpu.wait_dma2 semaphore(%arg12 : memref<!tpu.dma_semaphore, #tpu.memory_space<semaphore_mem>>) src(%dma_wait3A_97 : memref<128x32xf32, #tpu.memory_space<vmem_shared>>) dst(%dma_wait3A_94 : memref<128x32xf32, #tpu.memory_space<vmem>>)
    %dma_start3A_98 = arith.constant 0 : i32
    %dma_start3A_99 = arith.constant 0 : i32
    %dma_start3A_100 = arith.constant 0 : i32
    %dma_start3A_101 = arith.constant 0 : i32
    %dma_start3A_102 = tpu.memref_slice %arg9[%dma_start3A_98, %dma_start3A_100, %dma_start3A_101] : memref<8x128x32xf32, #tpu.memory_space<vmem>> -> memref<1x128x32xf32, #tpu.memory_space<vmem>>
    %dma_start3A_103 = tpu.memref_squeeze %dma_start3A_102 : memref<1x128x32xf32, #tpu.memory_space<vmem>> -> memref<128x32xf32, #tpu.memory_space<vmem>>
    %dma_start3A_104 = arith.constant 0 : i32
    %dma_start3A_105 = tpu.memref_slice %arg8[%dma_start3A_99, %dma_start3A_104] : memref<160x128xi32, #tpu.memory_space<vmem>> -> memref<1x128xi32, #tpu.memory_space<vmem>>
    %dma_start3A_106 = tpu.memref_squeeze %dma_start3A_105 : memref<1x128xi32, #tpu.memory_space<vmem>> -> memref<128xi32, #tpu.memory_space<vmem>>
    %dma_start3A_107 = arith.constant 0 : i32
    %dma_start3A_108 = arith.constant 0 : i32
    %dma_start3A_109 = tpu.memref_slice %arg10[%dma_start3A_107, %dma_start3A_108] : memref<10240x32xf32, #tpu.memory_space<vmem_shared>> -> memref<10240x32xf32, #tpu.memory_space<vmem_shared>>
    tpu.enqueue_indirect_dma source(%dma_start3A_103 : memref<128x32xf32, #tpu.memory_space<vmem>>) target(%dma_start3A_109 : memref<10240x32xf32, #tpu.memory_space<vmem_shared>>) offsets(%dma_start3A_106 : memref<128xi32, #tpu.memory_space<vmem>>) semaphore(%arg20 : memref<!tpu.dma_semaphore, #tpu.memory_space<semaphore_mem>>) {add = true}
    %dma_start3A_110 = arith.constant 7 : i32
    %dma_start3A_111 = arith.constant 7 : i32
    %dma_start3A_112 = arith.constant 0 : i32
    %dma_start3A_113 = arith.constant 0 : i32
    %dma_start3A_114 = tpu.memref_slice %arg9[%dma_start3A_111, %dma_start3A_112, %dma_start3A_113] : memref<8x128x32xf32, #tpu.memory_space<vmem>> -> memref<1x128x32xf32, #tpu.memory_space<vmem>>
    %dma_start3A_115 = tpu.memref_squeeze %dma_start3A_114 : memref<1x128x32xf32, #tpu.memory_space<vmem>> -> memref<128x32xf32, #tpu.memory_space<vmem>>
    %dma_start3A_116 = arith.constant 0 : i32
    %dma_start3A_117 = tpu.memref_slice %arg7[%dma_start3A_110, %dma_start3A_116] : memref<160x128xi32, #tpu.memory_space<vmem>> -> memref<1x128xi32, #tpu.memory_space<vmem>>
    %dma_start3A_118 = tpu.memref_squeeze %dma_start3A_117 : memref<1x128xi32, #tpu.memory_space<vmem>> -> memref<128xi32, #tpu.memory_space<vmem>>
    %dma_start3A_119 = arith.constant 0 : i32
    %dma_start3A_120 = arith.constant 0 : i32
    %dma_start3A_121 = tpu.memref_slice %arg11[%dma_start3A_119, %dma_start3A_120] : memref<10240x32xf32, #tpu.memory_space<vmem_shared>> -> memref<10240x32xf32, #tpu.memory_space<vmem_shared>>
    tpu.enqueue_indirect_dma source(%dma_start3A_121 : memref<10240x32xf32, #tpu.memory_space<vmem_shared>>) target(%dma_start3A_115 : memref<128x32xf32, #tpu.memory_space<vmem>>) offsets(%dma_start3A_118 : memref<128xi32, #tpu.memory_space<vmem>>) semaphore(%arg19 : memref<!tpu.dma_semaphore, #tpu.memory_space<semaphore_mem>>)
    %dma_wait3A_122 = arith.constant 1 : i32
    %dma_wait3A_123 = arith.constant 0 : i32
    %dma_wait3A_124 = arith.constant 0 : i32
    %dma_wait3A_125 = tpu.memref_slice %arg9[%dma_wait3A_122, %dma_wait3A_123, %dma_wait3A_124] : memref<8x128x32xf32, #tpu.memory_space<vmem>> -> memref<1x128x32xf32, #tpu.memory_space<vmem>>
    %dma_wait3A_126 = tpu.memref_squeeze %dma_wait3A_125 : memref<1x128x32xf32, #tpu.memory_space<vmem>> -> memref<128x32xf32, #tpu.memory_space<vmem>>
    %dma_wait3A_127 = arith.constant 0 : i32
    %dma_wait3A_128 = arith.constant 0 : i32
    %dma_wait3A_129 = tpu.memref_slice %arg11[%dma_wait3A_127, %dma_wait3A_128] : memref<10240x32xf32, #tpu.memory_space<vmem_shared>> -> memref<128x32xf32, #tpu.memory_space<vmem_shared>>
    %dma_wait3A_130 = arith.constant 0 : i32
    %dma_wait3A_131 = arith.constant 0 : i32
    %dma_wait3A_132 = tpu.memref_slice %arg9[%dma_wait3A_122, %dma_wait3A_130, %dma_wait3A_131] : memref<8x128x32xf32, #tpu.memory_space<vmem>> -> memref<1x128x32xf32, #tpu.memory_space<vmem>>
    %dma_wait3A_133 = tpu.memref_squeeze %dma_wait3A_132 : memref<1x128x32xf32, #tpu.memory_space<vmem>> -> memref<128x32xf32, #tpu.memory_space<vmem>>
    %dma_wait3A_134 = arith.constant 0 : i32
    %dma_wait3A_135 = arith.constant 0 : i32
    %dma_wait3A_136 = tpu.memref_slice %arg11[%dma_wait3A_134, %dma_wait3A_135] : memref<10240x32xf32, #tpu.memory_space<vmem_shared>> -> memref<128x32xf32, #tpu.memory_space<vmem_shared>>
    tpu.wait_dma2 semaphore(%arg13 : memref<!tpu.dma_semaphore, #tpu.memory_space<semaphore_mem>>) src(%dma_wait3A_136 : memref<128x32xf32, #tpu.memory_space<vmem_shared>>) dst(%dma_wait3A_133 : memref<128x32xf32, #tpu.memory_space<vmem>>)
    %dma_start3A_137 = arith.constant 1 : i32
    %dma_start3A_138 = arith.constant 1 : i32
    %dma_start3A_139 = arith.constant 0 : i32
    %dma_start3A_140 = arith.constant 0 : i32
    %dma_start3A_141 = tpu.memref_slice %arg9[%dma_start3A_137, %dma_start3A_139, %dma_start3A_140] : memref<8x128x32xf32, #tpu.memory_space<vmem>> -> memref<1x128x32xf32, #tpu.memory_space<vmem>>
    %dma_start3A_142 = tpu.memref_squeeze %dma_start3A_141 : memref<1x128x32xf32, #tpu.memory_space<vmem>> -> memref<128x32xf32, #tpu.memory_space<vmem>>
    %dma_start3A_143 = arith.constant 0 : i32
    %dma_start3A_144 = tpu.memref_slice %arg8[%dma_start3A_138, %dma_start3A_143] : memref<160x128xi32, #tpu.memory_space<vmem>> -> memref<1x128xi32, #tpu.memory_space<vmem>>
    %dma_start3A_145 = tpu.memref_squeeze %dma_start3A_144 : memref<1x128xi32, #tpu.memory_space<vmem>> -> memref<128xi32, #tpu.memory_space<vmem>>
    %dma_start3A_146 = arith.constant 0 : i32
    %dma_start3A_147 = arith.constant 0 : i32
    %dma_start3A_148 = tpu.memref_slice %arg10[%dma_start3A_146, %dma_start3A_147] : memref<10240x32xf32, #tpu.memory_space<vmem_shared>> -> memref<10240x32xf32, #tpu.memory_space<vmem_shared>>
    tpu.enqueue_indirect_dma source(%dma_start3A_142 : memref<128x32xf32, #tpu.memory_space<vmem>>) target(%dma_start3A_148 : memref<10240x32xf32, #tpu.memory_space<vmem_shared>>) offsets(%dma_start3A_145 : memref<128xi32, #tpu.memory_space<vmem>>) semaphore(%arg21 : memref<!tpu.dma_semaphore, #tpu.memory_space<semaphore_mem>>) {add = true}
    %dma_wait3A_149 = arith.constant 0 : i32
    %dma_wait3A_150 = arith.constant 0 : i32
    %dma_wait3A_151 = arith.constant 0 : i32
    %dma_wait3A_152 = tpu.memref_slice %arg9[%dma_wait3A_149, %dma_wait3A_150, %dma_wait3A_151] : memref<8x128x32xf32, #tpu.memory_space<vmem>> -> memref<1x128x32xf32, #tpu.memory_space<vmem>>
    %dma_wait3A_153 = tpu.memref_squeeze %dma_wait3A_152 : memref<1x128x32xf32, #tpu.memory_space<vmem>> -> memref<128x32xf32, #tpu.memory_space<vmem>>
    %dma_wait3A_154 = arith.constant 0 : i32
    %dma_wait3A_155 = arith.constant 0 : i32
    %dma_wait3A_156 = tpu.memref_slice %arg10[%dma_wait3A_154, %dma_wait3A_155] : memref<10240x32xf32, #tpu.memory_space<vmem_shared>> -> memref<128x32xf32, #tpu.memory_space<vmem_shared>>
    %dma_wait3A_157 = arith.constant 0 : i32
    %dma_wait3A_158 = arith.constant 0 : i32
    %dma_wait3A_159 = tpu.memref_slice %arg10[%dma_wait3A_157, %dma_wait3A_158] : memref<10240x32xf32, #tpu.memory_space<vmem_shared>> -> memref<128x32xf32, #tpu.memory_space<vmem_shared>>
    %dma_wait3A_160 = arith.constant 0 : i32
    %dma_wait3A_161 = arith.constant 0 : i32
    %dma_wait3A_162 = tpu.memref_slice %arg9[%dma_wait3A_149, %dma_wait3A_160, %dma_wait3A_161] : memref<8x128x32xf32, #tpu.memory_space<vmem>> -> memref<1x128x32xf32, #tpu.memory_space<vmem>>
    %dma_wait3A_163 = tpu.memref_squeeze %dma_wait3A_162 : memref<1x128x32xf32, #tpu.memory_space<vmem>> -> memref<128x32xf32, #tpu.memory_space<vmem>>
    tpu.wait_dma2 semaphore(%arg20 : memref<!tpu.dma_semaphore, #tpu.memory_space<semaphore_mem>>) src(%dma_wait3A_163 : memref<128x32xf32, #tpu.memory_space<vmem>>) dst(%dma_wait3A_159 : memref<128x32xf32, #tpu.memory_space<vmem_shared>>)
    %dma_start3A_164 = arith.constant 8 : i32
    %dma_start3A_165 = arith.constant 0 : i32
    %dma_start3A_166 = arith.constant 0 : i32
    %dma_start3A_167 = arith.constant 0 : i32
    %dma_start3A_168 = tpu.memref_slice %arg9[%dma_start3A_165, %dma_start3A_166, %dma_start3A_167] : memref<8x128x32xf32, #tpu.memory_space<vmem>> -> memref<1x128x32xf32, #tpu.memory_space<vmem>>
    %dma_start3A_169 = tpu.memref_squeeze %dma_start3A_168 : memref<1x128x32xf32, #tpu.memory_space<vmem>> -> memref<128x32xf32, #tpu.memory_space<vmem>>
    %dma_start3A_170 = arith.constant 0 : i32
    %dma_start3A_171 = tpu.memref_slice %arg7[%dma_start3A_164, %dma_start3A_170] : memref<160x128xi32, #tpu.memory_space<vmem>> -> memref<1x128xi32, #tpu.memory_space<vmem>>
    %dma_start3A_172 = tpu.memref_squeeze %dma_start3A_171 : memref<1x128xi32, #tpu.memory_space<vmem>> -> memref<128xi32, #tpu.memory_space<vmem>>
    %dma_start3A_173 = arith.constant 0 : i32
    %dma_start3A_174 = arith.constant 0 : i32
    %dma_start3A_175 = tpu.memref_slice %arg11[%dma_start3A_173, %dma_start3A_174] : memref<10240x32xf32, #tpu.memory_space<vmem_shared>> -> memref<10240x32xf32, #tpu.memory_space<vmem_shared>>
    tpu.enqueue_indirect_dma source(%dma_start3A_175 : memref<10240x32xf32, #tpu.memory_space<vmem_shared>>) target(%dma_start3A_169 : memref<128x32xf32, #tpu.memory_space<vmem>>) offsets(%dma_start3A_172 : memref<128xi32, #tpu.memory_space<vmem>>) semaphore(%arg12 : memref<!tpu.dma_semaphore, #tpu.memory_space<semaphore_mem>>)
    %dma_wait3A_176 = arith.constant 2 : i32
    %dma_wait3A_177 = arith.constant 0 : i32
    %dma_wait3A_178 = arith.constant 0 : i32
    %dma_wait3A_179 = tpu.memref_slice %arg9[%dma_wait3A_176, %dma_wait3A_177, %dma_wait3A_178] : memref<8x128x32xf32, #tpu.memory_space<vmem>> -> memref<1x128x32xf32, #tpu.memory_space<vmem>>
    %dma_wait3A_180 = tpu.memref_squeeze %dma_wait3A_179 : memref<1x128x32xf32, #tpu.memory_space<vmem>> -> memref<128x32xf32, #tpu.memory_space<vmem>>
    %dma_wait3A_181 = arith.constant 0 : i32
    %dma_wait3A_182 = arith.constant 0 : i32
    %dma_wait3A_183 = tpu.memref_slice %arg11[%dma_wait3A_181, %dma_wait3A_182] : memref<10240x32xf32, #tpu.memory_space<vmem_shared>> -> memref<128x32xf32, #tpu.memory_space<vmem_shared>>
    %dma_wait3A_184 = arith.constant 0 : i32
    %dma_wait3A_185 = arith.constant 0 : i32
    %dma_wait3A_186 = tpu.memref_slice %arg9[%dma_wait3A_176, %dma_wait3A_184, %dma_wait3A_185] : memref<8x128x32xf32, #tpu.memory_space<vmem>> -> memref<1x128x32xf32, #tpu.memory_space<vmem>>
    %dma_wait3A_187 = tpu.memref_squeeze %dma_wait3A_186 : memref<1x128x32xf32, #tpu.memory_space<vmem>> -> memref<128x32xf32, #tpu.memory_space<vmem>>
    %dma_wait3A_188 = arith.constant 0 : i32
    %dma_wait3A_189 = arith.constant 0 : i32
    %dma_wait3A_190 = tpu.memref_slice %arg11[%dma_wait3A_188, %dma_wait3A_189] : memref<10240x32xf32, #tpu.memory_space<vmem_shared>> -> memref<128x32xf32, #tpu.memory_space<vmem_shared>>
    tpu.wait_dma2 semaphore(%arg14 : memref<!tpu.dma_semaphore, #tpu.memory_space<semaphore_mem>>) src(%dma_wait3A_190 : memref<128x32xf32, #tpu.memory_space<vmem_shared>>) dst(%dma_wait3A_187 : memref<128x32xf32, #tpu.memory_space<vmem>>)
    %dma_start3A_191 = arith.constant 2 : i32
    %dma_start3A_192 = arith.constant 2 : i32
    %dma_start3A_193 = arith.constant 0 : i32
    %dma_start3A_194 = arith.constant 0 : i32
    %dma_start3A_195 = tpu.memref_slice %arg9[%dma_start3A_191, %dma_start3A_193, %dma_start3A_194] : memref<8x128x32xf32, #tpu.memory_space<vmem>> -> memref<1x128x32xf32, #tpu.memory_space<vmem>>
    %dma_start3A_196 = tpu.memref_squeeze %dma_start3A_195 : memref<1x128x32xf32, #tpu.memory_space<vmem>> -> memref<128x32xf32, #tpu.memory_space<vmem>>
    %dma_start3A_197 = arith.constant 0 : i32
    %dma_start3A_198 = tpu.memref_slice %arg8[%dma_start3A_192, %dma_start3A_197] : memref<160x128xi32, #tpu.memory_space<vmem>> -> memref<1x128xi32, #tpu.memory_space<vmem>>
    %dma_start3A_199 = tpu.memref_squeeze %dma_start3A_198 : memref<1x128xi32, #tpu.memory_space<vmem>> -> memref<128xi32, #tpu.memory_space<vmem>>
    %dma_start3A_200 = arith.constant 0 : i32
    %dma_start3A_201 = arith.constant 0 : i32
    %dma_start3A_202 = tpu.memref_slice %arg10[%dma_start3A_200, %dma_start3A_201] : memref<10240x32xf32, #tpu.memory_space<vmem_shared>> -> memref<10240x32xf32, #tpu.memory_space<vmem_shared>>
    tpu.enqueue_indirect_dma source(%dma_start3A_196 : memref<128x32xf32, #tpu.memory_space<vmem>>) target(%dma_start3A_202 : memref<10240x32xf32, #tpu.memory_space<vmem_shared>>) offsets(%dma_start3A_199 : memref<128xi32, #tpu.memory_space<vmem>>) semaphore(%arg22 : memref<!tpu.dma_semaphore, #tpu.memory_space<semaphore_mem>>) {add = true}
    %dma_wait3A_203 = arith.constant 1 : i32
    %dma_wait3A_204 = arith.constant 0 : i32
    %dma_wait3A_205 = arith.constant 0 : i32
    %dma_wait3A_206 = tpu.memref_slice %arg9[%dma_wait3A_203, %dma_wait3A_204, %dma_wait3A_205] : memref<8x128x32xf32, #tpu.memory_space<vmem>> -> memref<1x128x32xf32, #tpu.memory_space<vmem>>
    %dma_wait3A_207 = tpu.memref_squeeze %dma_wait3A_206 : memref<1x128x32xf32, #tpu.memory_space<vmem>> -> memref<128x32xf32, #tpu.memory_space<vmem>>
    %dma_wait3A_208 = arith.constant 0 : i32
    %dma_wait3A_209 = arith.constant 0 : i32
    %dma_wait3A_210 = tpu.memref_slice %arg10[%dma_wait3A_208, %dma_wait3A_209] : memref<10240x32xf32, #tpu.memory_space<vmem_shared>> -> memref<128x32xf32, #tpu.memory_space<vmem_shared>>
    %dma_wait3A_211 = arith.constant 0 : i32
    %dma_wait3A_212 = arith.constant 0 : i32
    %dma_wait3A_213 = tpu.memref_slice %arg10[%dma_wait3A_211, %dma_wait3A_212] : memref<10240x32xf32, #tpu.memory_space<vmem_shared>> -> memref<128x32xf32, #tpu.memory_space<vmem_shared>>
    %dma_wait3A_214 = arith.constant 0 : i32
    %dma_wait3A_215 = arith.constant 0 : i32
    %dma_wait3A_216 = tpu.memref_slice %arg9[%dma_wait3A_203, %dma_wait3A_214, %dma_wait3A_215] : memref<8x128x32xf32, #tpu.memory_space<vmem>> -> memref<1x128x32xf32, #tpu.memory_space<vmem>>
    %dma_wait3A_217 = tpu.memref_squeeze %dma_wait3A_216 : memref<1x128x32xf32, #tpu.memory_space<vmem>> -> memref<128x32xf32, #tpu.memory_space<vmem>>
    tpu.wait_dma2 semaphore(%arg21 : memref<!tpu.dma_semaphore, #tpu.memory_space<semaphore_mem>>) src(%dma_wait3A_217 : memref<128x32xf32, #tpu.memory_space<vmem>>) dst(%dma_wait3A_213 : memref<128x32xf32, #tpu.memory_space<vmem_shared>>)
    %dma_start3A_218 = arith.constant 9 : i32
    %dma_start3A_219 = arith.constant 1 : i32
    %dma_start3A_220 = arith.constant 0 : i32
    %dma_start3A_221 = arith.constant 0 : i32
    %dma_start3A_222 = tpu.memref_slice %arg9[%dma_start3A_219, %dma_start3A_220, %dma_start3A_221] : memref<8x128x32xf32, #tpu.memory_space<vmem>> -> memref<1x128x32xf32, #tpu.memory_space<vmem>>
    %dma_start3A_223 = tpu.memref_squeeze %dma_start3A_222 : memref<1x128x32xf32, #tpu.memory_space<vmem>> -> memref<128x32xf32, #tpu.memory_space<vmem>>
    %dma_start3A_224 = arith.constant 0 : i32
    %dma_start3A_225 = tpu.memref_slice %arg7[%dma_start3A_218, %dma_start3A_224] : memref<160x128xi32, #tpu.memory_space<vmem>> -> memref<1x128xi32, #tpu.memory_space<vmem>>
    %dma_start3A_226 = tpu.memref_squeeze %dma_start3A_225 : memref<1x128xi32, #tpu.memory_space<vmem>> -> memref<128xi32, #tpu.memory_space<vmem>>
    %dma_start3A_227 = arith.constant 0 : i32
    %dma_start3A_228 = arith.constant 0 : i32
    %dma_start3A_229 = tpu.memref_slice %arg11[%dma_start3A_227, %dma_start3A_228] : memref<10240x32xf32, #tpu.memory_space<vmem_shared>> -> memref<10240x32xf32, #tpu.memory_space<vmem_shared>>
    tpu.enqueue_indirect_dma source(%dma_start3A_229 : memref<10240x32xf32, #tpu.memory_space<vmem_shared>>) target(%dma_start3A_223 : memref<128x32xf32, #tpu.memory_space<vmem>>) offsets(%dma_start3A_226 : memref<128xi32, #tpu.memory_space<vmem>>) semaphore(%arg13 : memref<!tpu.dma_semaphore, #tpu.memory_space<semaphore_mem>>)
    %dma_wait3A_230 = arith.constant 3 : i32
    %dma_wait3A_231 = arith.constant 0 : i32
    %dma_wait3A_232 = arith.constant 0 : i32
    %dma_wait3A_233 = tpu.memref_slice %arg9[%dma_wait3A_230, %dma_wait3A_231, %dma_wait3A_232] : memref<8x128x32xf32, #tpu.memory_space<vmem>> -> memref<1x128x32xf32, #tpu.memory_space<vmem>>
    %dma_wait3A_234 = tpu.memref_squeeze %dma_wait3A_233 : memref<1x128x32xf32, #tpu.memory_space<vmem>> -> memref<128x32xf32, #tpu.memory_space<vmem>>
    %dma_wait3A_235 = arith.constant 0 : i32
    %dma_wait3A_236 = arith.constant 0 : i32
    %dma_wait3A_237 = tpu.memref_slice %arg11[%dma_wait3A_235, %dma_wait3A_236] : memref<10240x32xf32, #tpu.memory_space<vmem_shared>> -> memref<128x32xf32, #tpu.memory_space<vmem_shared>>
    %dma_wait3A_238 = arith.constant 0 : i32
    %dma_wait3A_239 = arith.constant 0 : i32
    %dma_wait3A_240 = tpu.memref_slice %arg9[%dma_wait3A_230, %dma_wait3A_238, %dma_wait3A_239] : memref<8x128x32xf32, #tpu.memory_space<vmem>> -> memref<1x128x32xf32, #tpu.memory_space<vmem>>
    %dma_wait3A_241 = tpu.memref_squeeze %dma_wait3A_240 : memref<1x128x32xf32, #tpu.memory_space<vmem>> -> memref<128x32xf32, #tpu.memory_space<vmem>>
    %dma_wait3A_242 = arith.constant 0 : i32
    %dma_wait3A_243 = arith.constant 0 : i32
    %dma_wait3A_244 = tpu.memref_slice %arg11[%dma_wait3A_242, %dma_wait3A_243] : memref<10240x32xf32, #tpu.memory_space<vmem_shared>> -> memref<128x32xf32, #tpu.memory_space<vmem_shared>>
    tpu.wait_dma2 semaphore(%arg15 : memref<!tpu.dma_semaphore, #tpu.memory_space<semaphore_mem>>) src(%dma_wait3A_244 : memref<128x32xf32, #tpu.memory_space<vmem_shared>>) dst(%dma_wait3A_241 : memref<128x32xf32, #tpu.memory_space<vmem>>)
    %dma_start3A_245 = arith.constant 3 : i32
    %dma_start3A_246 = arith.constant 3 : i32
    %dma_start3A_247 = arith.constant 0 : i32
    %dma_start3A_248 = arith.constant 0 : i32
    %dma_start3A_249 = tpu.memref_slice %arg9[%dma_start3A_245, %dma_start3A_247, %dma_start3A_248] : memref<8x128x32xf32, #tpu.memory_space<vmem>> -> memref<1x128x32xf32, #tpu.memory_space<vmem>>
    %dma_start3A_250 = tpu.memref_squeeze %dma_start3A_249 : memref<1x128x32xf32, #tpu.memory_space<vmem>> -> memref<128x32xf32, #tpu.memory_space<vmem>>
    %dma_start3A_251 = arith.constant 0 : i32
    %dma_start3A_252 = tpu.memref_slice %arg8[%dma_start3A_246, %dma_start3A_251] : memref<160x128xi32, #tpu.memory_space<vmem>> -> memref<1x128xi32, #tpu.memory_space<vmem>>
    %dma_start3A_253 = tpu.memref_squeeze %dma_start3A_252 : memref<1x128xi32, #tpu.memory_space<vmem>> -> memref<128xi32, #tpu.memory_space<vmem>>
    %dma_start3A_254 = arith.constant 0 : i32
    %dma_start3A_255 = arith.constant 0 : i32
    %dma_start3A_256 = tpu.memref_slice %arg10[%dma_start3A_254, %dma_start3A_255] : memref<10240x32xf32, #tpu.memory_space<vmem_shared>> -> memref<10240x32xf32, #tpu.memory_space<vmem_shared>>
    tpu.enqueue_indirect_dma source(%dma_start3A_250 : memref<128x32xf32, #tpu.memory_space<vmem>>) target(%dma_start3A_256 : memref<10240x32xf32, #tpu.memory_space<vmem_shared>>) offsets(%dma_start3A_253 : memref<128xi32, #tpu.memory_space<vmem>>) semaphore(%arg23 : memref<!tpu.dma_semaphore, #tpu.memory_space<semaphore_mem>>) {add = true}
    %dma_wait3A_257 = arith.constant 2 : i32
    %dma_wait3A_258 = arith.constant 0 : i32
    %dma_wait3A_259 = arith.constant 0 : i32
    %dma_wait3A_260 = tpu.memref_slice %arg9[%dma_wait3A_257, %dma_wait3A_258, %dma_wait3A_259] : memref<8x128x32xf32, #tpu.memory_space<vmem>> -> memref<1x128x32xf32, #tpu.memory_space<vmem>>
    %dma_wait3A_261 = tpu.memref_squeeze %dma_wait3A_260 : memref<1x128x32xf32, #tpu.memory_space<vmem>> -> memref<128x32xf32, #tpu.memory_space<vmem>>
    %dma_wait3A_262 = arith.constant 0 : i32
    %dma_wait3A_263 = arith.constant 0 : i32
    %dma_wait3A_264 = tpu.memref_slice %arg10[%dma_wait3A_262, %dma_wait3A_263] : memref<10240x32xf32, #tpu.memory_space<vmem_shared>> -> memref<128x32xf32, #tpu.memory_space<vmem_shared>>
    %dma_wait3A_265 = arith.constant 0 : i32
    %dma_wait3A_266 = arith.constant 0 : i32
    %dma_wait3A_267 = tpu.memref_slice %arg10[%dma_wait3A_265, %dma_wait3A_266] : memref<10240x32xf32, #tpu.memory_space<vmem_shared>> -> memref<128x32xf32, #tpu.memory_space<vmem_shared>>
    %dma_wait3A_268 = arith.constant 0 : i32
    %dma_wait3A_269 = arith.constant 0 : i32
    %dma_wait3A_270 = tpu.memref_slice %arg9[%dma_wait3A_257, %dma_wait3A_268, %dma_wait3A_269] : memref<8x128x32xf32, #tpu.memory_space<vmem>> -> memref<1x128x32xf32, #tpu.memory_space<vmem>>
    %dma_wait3A_271 = tpu.memref_squeeze %dma_wait3A_270 : memref<1x128x32xf32, #tpu.memory_space<vmem>> -> memref<128x32xf32, #tpu.memory_space<vmem>>
    tpu.wait_dma2 semaphore(%arg22 : memref<!tpu.dma_semaphore, #tpu.memory_space<semaphore_mem>>) src(%dma_wait3A_271 : memref<128x32xf32, #tpu.memory_space<vmem>>) dst(%dma_wait3A_267 : memref<128x32xf32, #tpu.memory_space<vmem_shared>>)
    %dma_start3A_272 = arith.constant 10 : i32
    %dma_start3A_273 = arith.constant 2 : i32
    %dma_start3A_274 = arith.constant 0 : i32
    %dma_start3A_275 = arith.constant 0 : i32
    %dma_start3A_276 = tpu.memref_slice %arg9[%dma_start3A_273, %dma_start3A_274, %dma_start3A_275] : memref<8x128x32xf32, #tpu.memory_space<vmem>> -> memref<1x128x32xf32, #tpu.memory_space<vmem>>
    %dma_start3A_277 = tpu.memref_squeeze %dma_start3A_276 : memref<1x128x32xf32, #tpu.memory_space<vmem>> -> memref<128x32xf32, #tpu.memory_space<vmem>>
    %dma_start3A_278 = arith.constant 0 : i32
    %dma_start3A_279 = tpu.memref_slice %arg7[%dma_start3A_272, %dma_start3A_278] : memref<160x128xi32, #tpu.memory_space<vmem>> -> memref<1x128xi32, #tpu.memory_space<vmem>>
    %dma_start3A_280 = tpu.memref_squeeze %dma_start3A_279 : memref<1x128xi32, #tpu.memory_space<vmem>> -> memref<128xi32, #tpu.memory_space<vmem>>
    %dma_start3A_281 = arith.constant 0 : i32
    %dma_start3A_282 = arith.constant 0 : i32
    %dma_start3A_283 = tpu.memref_slice %arg11[%dma_start3A_281, %dma_start3A_282] : memref<10240x32xf32, #tpu.memory_space<vmem_shared>> -> memref<10240x32xf32, #tpu.memory_space<vmem_shared>>
    tpu.enqueue_indirect_dma source(%dma_start3A_283 : memref<10240x32xf32, #tpu.memory_space<vmem_shared>>) target(%dma_start3A_277 : memref<128x32xf32, #tpu.memory_space<vmem>>) offsets(%dma_start3A_280 : memref<128xi32, #tpu.memory_space<vmem>>) semaphore(%arg14 : memref<!tpu.dma_semaphore, #tpu.memory_space<semaphore_mem>>)
    %dma_wait3A_284 = arith.constant 4 : i32
    %dma_wait3A_285 = arith.constant 0 : i32
    %dma_wait3A_286 = arith.constant 0 : i32
    %dma_wait3A_287 = tpu.memref_slice %arg9[%dma_wait3A_284, %dma_wait3A_285, %dma_wait3A_286] : memref<8x128x32xf32, #tpu.memory_space<vmem>> -> memref<1x128x32xf32, #tpu.memory_space<vmem>>
    %dma_wait3A_288 = tpu.memref_squeeze %dma_wait3A_287 : memref<1x128x32xf32, #tpu.memory_space<vmem>> -> memref<128x32xf32, #tpu.memory_space<vmem>>
    %dma_wait3A_289 = arith.constant 0 : i32
    %dma_wait3A_290 = arith.constant 0 : i32
    %dma_wait3A_291 = tpu.memref_slice %arg11[%dma_wait3A_289, %dma_wait3A_290] : memref<10240x32xf32, #tpu.memory_space<vmem_shared>> -> memref<128x32xf32, #tpu.memory_space<vmem_shared>>
    %dma_wait3A_292 = arith.constant 0 : i32
    %dma_wait3A_293 = arith.constant 0 : i32
    %dma_wait3A_294 = tpu.memref_slice %arg9[%dma_wait3A_284, %dma_wait3A_292, %dma_wait3A_293] : memref<8x128x32xf32, #tpu.memory_space<vmem>> -> memref<1x128x32xf32, #tpu.memory_space<vmem>>
    %dma_wait3A_295 = tpu.memref_squeeze %dma_wait3A_294 : memref<1x128x32xf32, #tpu.memory_space<vmem>> -> memref<128x32xf32, #tpu.memory_space<vmem>>
    %dma_wait3A_296 = arith.constant 0 : i32
    %dma_wait3A_297 = arith.constant 0 : i32
    %dma_wait3A_298 = tpu.memref_slice %arg11[%dma_wait3A_296, %dma_wait3A_297] : memref<10240x32xf32, #tpu.memory_space<vmem_shared>> -> memref<128x32xf32, #tpu.memory_space<vmem_shared>>
    tpu.wait_dma2 semaphore(%arg16 : memref<!tpu.dma_semaphore, #tpu.memory_space<semaphore_mem>>) src(%dma_wait3A_298 : memref<128x32xf32, #tpu.memory_space<vmem_shared>>) dst(%dma_wait3A_295 : memref<128x32xf32, #tpu.memory_space<vmem>>)
    %dma_start3A_299 = arith.constant 4 : i32
    %dma_start3A_300 = arith.constant 4 : i32
    %dma_start3A_301 = arith.constant 0 : i32
    %dma_start3A_302 = arith.constant 0 : i32
    %dma_start3A_303 = tpu.memref_slice %arg9[%dma_start3A_299, %dma_start3A_301, %dma_start3A_302] : memref<8x128x32xf32, #tpu.memory_space<vmem>> -> memref<1x128x32xf32, #tpu.memory_space<vmem>>
    %dma_start3A_304 = tpu.memref_squeeze %dma_start3A_303 : memref<1x128x32xf32, #tpu.memory_space<vmem>> -> memref<128x32xf32, #tpu.memory_space<vmem>>
    %dma_start3A_305 = arith.constant 0 : i32
    %dma_start3A_306 = tpu.memref_slice %arg8[%dma_start3A_300, %dma_start3A_305] : memref<160x128xi32, #tpu.memory_space<vmem>> -> memref<1x128xi32, #tpu.memory_space<vmem>>
    %dma_start3A_307 = tpu.memref_squeeze %dma_start3A_306 : memref<1x128xi32, #tpu.memory_space<vmem>> -> memref<128xi32, #tpu.memory_space<vmem>>
    %dma_start3A_308 = arith.constant 0 : i32
    %dma_start3A_309 = arith.constant 0 : i32
    %dma_start3A_310 = tpu.memref_slice %arg10[%dma_start3A_308, %dma_start3A_309] : memref<10240x32xf32, #tpu.memory_space<vmem_shared>> -> memref<10240x32xf32, #tpu.memory_space<vmem_shared>>
    tpu.enqueue_indirect_dma source(%dma_start3A_304 : memref<128x32xf32, #tpu.memory_space<vmem>>) target(%dma_start3A_310 : memref<10240x32xf32, #tpu.memory_space<vmem_shared>>) offsets(%dma_start3A_307 : memref<128xi32, #tpu.memory_space<vmem>>) semaphore(%arg24 : memref<!tpu.dma_semaphore, #tpu.memory_space<semaphore_mem>>) {add = true}
    %dma_wait3A_311 = arith.constant 3 : i32
    %dma_wait3A_312 = arith.constant 0 : i32
    %dma_wait3A_313 = arith.constant 0 : i32
    %dma_wait3A_314 = tpu.memref_slice %arg9[%dma_wait3A_311, %dma_wait3A_312, %dma_wait3A_313] : memref<8x128x32xf32, #tpu.memory_space<vmem>> -> memref<1x128x32xf32, #tpu.memory_space<vmem>>
    %dma_wait3A_315 = tpu.memref_squeeze %dma_wait3A_314 : memref<1x128x32xf32, #tpu.memory_space<vmem>> -> memref<128x32xf32, #tpu.memory_space<vmem>>
    %dma_wait3A_316 = arith.constant 0 : i32
    %dma_wait3A_317 = arith.constant 0 : i32
    %dma_wait3A_318 = tpu.memref_slice %arg10[%dma_wait3A_316, %dma_wait3A_317] : memref<10240x32xf32, #tpu.memory_space<vmem_shared>> -> memref<128x32xf32, #tpu.memory_space<vmem_shared>>
    %dma_wait3A_319 = arith.constant 0 : i32
    %dma_wait3A_320 = arith.constant 0 : i32
    %dma_wait3A_321 = tpu.memref_slice %arg10[%dma_wait3A_319, %dma_wait3A_320] : memref<10240x32xf32, #tpu.memory_space<vmem_shared>> -> memref<128x32xf32, #tpu.memory_space<vmem_shared>>
    %dma_wait3A_322 = arith.constant 0 : i32
    %dma_wait3A_323 = arith.constant 0 : i32
    %dma_wait3A_324 = tpu.memref_slice %arg9[%dma_wait3A_311, %dma_wait3A_322, %dma_wait3A_323] : memref<8x128x32xf32, #tpu.memory_space<vmem>> -> memref<1x128x32xf32, #tpu.memory_space<vmem>>
    %dma_wait3A_325 = tpu.memref_squeeze %dma_wait3A_324 : memref<1x128x32xf32, #tpu.memory_space<vmem>> -> memref<128x32xf32, #tpu.memory_space<vmem>>
    tpu.wait_dma2 semaphore(%arg23 : memref<!tpu.dma_semaphore, #tpu.memory_space<semaphore_mem>>) src(%dma_wait3A_325 : memref<128x32xf32, #tpu.memory_space<vmem>>) dst(%dma_wait3A_321 : memref<128x32xf32, #tpu.memory_space<vmem_shared>>)
    %dma_start3A_326 = arith.constant 11 : i32
    %dma_start3A_327 = arith.constant 3 : i32
    %dma_start3A_328 = arith.constant 0 : i32
    %dma_start3A_329 = arith.constant 0 : i32
    %dma_start3A_330 = tpu.memref_slice %arg9[%dma_start3A_327, %dma_start3A_328, %dma_start3A_329] : memref<8x128x32xf32, #tpu.memory_space<vmem>> -> memref<1x128x32xf32, #tpu.memory_space<vmem>>
    %dma_start3A_331 = tpu.memref_squeeze %dma_start3A_330 : memref<1x128x32xf32, #tpu.memory_space<vmem>> -> memref<128x32xf32, #tpu.memory_space<vmem>>
    %dma_start3A_332 = arith.constant 0 : i32
    %dma_start3A_333 = tpu.memref_slice %arg7[%dma_start3A_326, %dma_start3A_332] : memref<160x128xi32, #tpu.memory_space<vmem>> -> memref<1x128xi32, #tpu.memory_space<vmem>>
    %dma_start3A_334 = tpu.memref_squeeze %dma_start3A_333 : memref<1x128xi32, #tpu.memory_space<vmem>> -> memref<128xi32, #tpu.memory_space<vmem>>
    %dma_start3A_335 = arith.constant 0 : i32
    %dma_start3A_336 = arith.constant 0 : i32
    %dma_start3A_337 = tpu.memref_slice %arg11[%dma_start3A_335, %dma_start3A_336] : memref<10240x32xf32, #tpu.memory_space<vmem_shared>> -> memref<10240x32xf32, #tpu.memory_space<vmem_shared>>
    tpu.enqueue_indirect_dma source(%dma_start3A_337 : memref<10240x32xf32, #tpu.memory_space<vmem_shared>>) target(%dma_start3A_331 : memref<128x32xf32, #tpu.memory_space<vmem>>) offsets(%dma_start3A_334 : memref<128xi32, #tpu.memory_space<vmem>>) semaphore(%arg15 : memref<!tpu.dma_semaphore, #tpu.memory_space<semaphore_mem>>)
    %dma_wait3A_338 = arith.constant 5 : i32
    %dma_wait3A_339 = arith.constant 0 : i32
    %dma_wait3A_340 = arith.constant 0 : i32
    %dma_wait3A_341 = tpu.memref_slice %arg9[%dma_wait3A_338, %dma_wait3A_339, %dma_wait3A_340] : memref<8x128x32xf32, #tpu.memory_space<vmem>> -> memref<1x128x32xf32, #tpu.memory_space<vmem>>
    %dma_wait3A_342 = tpu.memref_squeeze %dma_wait3A_341 : memref<1x128x32xf32, #tpu.memory_space<vmem>> -> memref<128x32xf32, #tpu.memory_space<vmem>>
    %dma_wait3A_343 = arith.constant 0 : i32
    %dma_wait3A_344 = arith.constant 0 : i32
    %dma_wait3A_345 = tpu.memref_slice %arg11[%dma_wait3A_343, %dma_wait3A_344] : memref<10240x32xf32, #tpu.memory_space<vmem_shared>> -> memref<128x32xf32, #tpu.memory_space<vmem_shared>>
    %dma_wait3A_346 = arith.constant 0 : i32
    %dma_wait3A_347 = arith.constant 0 : i32
    %dma_wait3A_348 = tpu.memref_slice %arg9[%dma_wait3A_338, %dma_wait3A_346, %dma_wait3A_347] : memref<8x128x32xf32, #tpu.memory_space<vmem>> -> memref<1x128x32xf32, #tpu.memory_space<vmem>>
    %dma_wait3A_349 = tpu.memref_squeeze %dma_wait3A_348 : memref<1x128x32xf32, #tpu.memory_space<vmem>> -> memref<128x32xf32, #tpu.memory_space<vmem>>
    %dma_wait3A_350 = arith.constant 0 : i32
    %dma_wait3A_351 = arith.constant 0 : i32
    %dma_wait3A_352 = tpu.memref_slice %arg11[%dma_wait3A_350, %dma_wait3A_351] : memref<10240x32xf32, #tpu.memory_space<vmem_shared>> -> memref<128x32xf32, #tpu.memory_space<vmem_shared>>
    tpu.wait_dma2 semaphore(%arg17 : memref<!tpu.dma_semaphore, #tpu.memory_space<semaphore_mem>>) src(%dma_wait3A_352 : memref<128x32xf32, #tpu.memory_space<vmem_shared>>) dst(%dma_wait3A_349 : memref<128x32xf32, #tpu.memory_space<vmem>>)
    %dma_start3A_353 = arith.constant 5 : i32
    %dma_start3A_354 = arith.constant 5 : i32
    %dma_start3A_355 = arith.constant 0 : i32
    %dma_start3A_356 = arith.constant 0 : i32
    %dma_start3A_357 = tpu.memref_slice %arg9[%dma_start3A_353, %dma_start3A_355, %dma_start3A_356] : memref<8x128x32xf32, #tpu.memory_space<vmem>> -> memref<1x128x32xf32, #tpu.memory_space<vmem>>
    %dma_start3A_358 = tpu.memref_squeeze %dma_start3A_357 : memref<1x128x32xf32, #tpu.memory_space<vmem>> -> memref<128x32xf32, #tpu.memory_space<vmem>>
    %dma_start3A_359 = arith.constant 0 : i32
    %dma_start3A_360 = tpu.memref_slice %arg8[%dma_start3A_354, %dma_start3A_359] : memref<160x128xi32, #tpu.memory_space<vmem>> -> memref<1x128xi32, #tpu.memory_space<vmem>>
    %dma_start3A_361 = tpu.memref_squeeze %dma_start3A_360 : memref<1x128xi32, #tpu.memory_space<vmem>> -> memref<128xi32, #tpu.memory_space<vmem>>
    %dma_start3A_362 = arith.constant 0 : i32
    %dma_start3A_363 = arith.constant 0 : i32
    %dma_start3A_364 = tpu.memref_slice %arg10[%dma_start3A_362, %dma_start3A_363] : memref<10240x32xf32, #tpu.memory_space<vmem_shared>> -> memref<10240x32xf32, #tpu.memory_space<vmem_shared>>
    tpu.enqueue_indirect_dma source(%dma_start3A_358 : memref<128x32xf32, #tpu.memory_space<vmem>>) target(%dma_start3A_364 : memref<10240x32xf32, #tpu.memory_space<vmem_shared>>) offsets(%dma_start3A_361 : memref<128xi32, #tpu.memory_space<vmem>>) semaphore(%arg25 : memref<!tpu.dma_semaphore, #tpu.memory_space<semaphore_mem>>) {add = true}
    %dma_wait3A_365 = arith.constant 4 : i32
    %dma_wait3A_366 = arith.constant 0 : i32
    %dma_wait3A_367 = arith.constant 0 : i32
    %dma_wait3A_368 = tpu.memref_slice %arg9[%dma_wait3A_365, %dma_wait3A_366, %dma_wait3A_367] : memref<8x128x32xf32, #tpu.memory_space<vmem>> -> memref<1x128x32xf32, #tpu.memory_space<vmem>>
    %dma_wait3A_369 = tpu.memref_squeeze %dma_wait3A_368 : memref<1x128x32xf32, #tpu.memory_space<vmem>> -> memref<128x32xf32, #tpu.memory_space<vmem>>
    %dma_wait3A_370 = arith.constant 0 : i32
    %dma_wait3A_371 = arith.constant 0 : i32
    %dma_wait3A_372 = tpu.memref_slice %arg10[%dma_wait3A_370, %dma_wait3A_371] : memref<10240x32xf32, #tpu.memory_space<vmem_shared>> -> memref<128x32xf32, #tpu.memory_space<vmem_shared>>
    %dma_wait3A_373 = arith.constant 0 : i32
    %dma_wait3A_374 = arith.constant 0 : i32
    %dma_wait3A_375 = tpu.memref_slice %arg10[%dma_wait3A_373, %dma_wait3A_374] : memref<10240x32xf32, #tpu.memory_space<vmem_shared>> -> memref<128x32xf32, #tpu.memory_space<vmem_shared>>
    %dma_wait3A_376 = arith.constant 0 : i32
    %dma_wait3A_377 = arith.constant 0 : i32
    %dma_wait3A_378 = tpu.memref_slice %arg9[%dma_wait3A_365, %dma_wait3A_376, %dma_wait3A_377] : memref<8x128x32xf32, #tpu.memory_space<vmem>> -> memref<1x128x32xf32, #tpu.memory_space<vmem>>
    %dma_wait3A_379 = tpu.memref_squeeze %dma_wait3A_378 : memref<1x128x32xf32, #tpu.memory_space<vmem>> -> memref<128x32xf32, #tpu.memory_space<vmem>>
    tpu.wait_dma2 semaphore(%arg24 : memref<!tpu.dma_semaphore, #tpu.memory_space<semaphore_mem>>) src(%dma_wait3A_379 : memref<128x32xf32, #tpu.memory_space<vmem>>) dst(%dma_wait3A_375 : memref<128x32xf32, #tpu.memory_space<vmem_shared>>)
    %dma_start3A_380 = arith.constant 12 : i32
    %dma_start3A_381 = arith.constant 4 : i32
    %dma_start3A_382 = arith.constant 0 : i32
    %dma_start3A_383 = arith.constant 0 : i32
    %dma_start3A_384 = tpu.memref_slice %arg9[%dma_start3A_381, %dma_start3A_382, %dma_start3A_383] : memref<8x128x32xf32, #tpu.memory_space<vmem>> -> memref<1x128x32xf32, #tpu.memory_space<vmem>>
    %dma_start3A_385 = tpu.memref_squeeze %dma_start3A_384 : memref<1x128x32xf32, #tpu.memory_space<vmem>> -> memref<128x32xf32, #tpu.memory_space<vmem>>
    %dma_start3A_386 = arith.constant 0 : i32
    %dma_start3A_387 = tpu.memref_slice %arg7[%dma_start3A_380, %dma_start3A_386] : memref<160x128xi32, #tpu.memory_space<vmem>> -> memref<1x128xi32, #tpu.memory_space<vmem>>
    %dma_start3A_388 = tpu.memref_squeeze %dma_start3A_387 : memref<1x128xi32, #tpu.memory_space<vmem>> -> memref<128xi32, #tpu.memory_space<vmem>>
    %dma_start3A_389 = arith.constant 0 : i32
    %dma_start3A_390 = arith.constant 0 : i32
    %dma_start3A_391 = tpu.memref_slice %arg11[%dma_start3A_389, %dma_start3A_390] : memref<10240x32xf32, #tpu.memory_space<vmem_shared>> -> memref<10240x32xf32, #tpu.memory_space<vmem_shared>>
    tpu.enqueue_indirect_dma source(%dma_start3A_391 : memref<10240x32xf32, #tpu.memory_space<vmem_shared>>) target(%dma_start3A_385 : memref<128x32xf32, #tpu.memory_space<vmem>>) offsets(%dma_start3A_388 : memref<128xi32, #tpu.memory_space<vmem>>) semaphore(%arg16 : memref<!tpu.dma_semaphore, #tpu.memory_space<semaphore_mem>>)
    %dma_wait3A_392 = arith.constant 6 : i32
    %dma_wait3A_393 = arith.constant 0 : i32
    %dma_wait3A_394 = arith.constant 0 : i32
    %dma_wait3A_395 = tpu.memref_slice %arg9[%dma_wait3A_392, %dma_wait3A_393, %dma_wait3A_394] : memref<8x128x32xf32, #tpu.memory_space<vmem>> -> memref<1x128x32xf32, #tpu.memory_space<vmem>>
    %dma_wait3A_396 = tpu.memref_squeeze %dma_wait3A_395 : memref<1x128x32xf32, #tpu.memory_space<vmem>> -> memref<128x32xf32, #tpu.memory_space<vmem>>
    %dma_wait3A_397 = arith.constant 0 : i32
    %dma_wait3A_398 = arith.constant 0 : i32
    %dma_wait3A_399 = tpu.memref_slice %arg11[%dma_wait3A_397, %dma_wait3A_398] : memref<10240x32xf32, #tpu.memory_space<vmem_shared>> -> memref<128x32xf32, #tpu.memory_space<vmem_shared>>
    %dma_wait3A_400 = arith.constant 0 : i32
    %dma_wait3A_401 = arith.constant 0 : i32
    %dma_wait3A_402 = tpu.memref_slice %arg9[%dma_wait3A_392, %dma_wait3A_400, %dma_wait3A_401] : memref<8x128x32xf32, #tpu.memory_space<vmem>> -> memref<1x128x32xf32, #tpu.memory_space<vmem>>
    %dma_wait3A_403 = tpu.memref_squeeze %dma_wait3A_402 : memref<1x128x32xf32, #tpu.memory_space<vmem>> -> memref<128x32xf32, #tpu.memory_space<vmem>>
    %dma_wait3A_404 = arith.constant 0 : i32
    %dma_wait3A_405 = arith.constant 0 : i32
    %dma_wait3A_406 = tpu.memref_slice %arg11[%dma_wait3A_404, %dma_wait3A_405] : memref<10240x32xf32, #tpu.memory_space<vmem_shared>> -> memref<128x32xf32, #tpu.memory_space<vmem_shared>>
    tpu.wait_dma2 semaphore(%arg18 : memref<!tpu.dma_semaphore, #tpu.memory_space<semaphore_mem>>) src(%dma_wait3A_406 : memref<128x32xf32, #tpu.memory_space<vmem_shared>>) dst(%dma_wait3A_403 : memref<128x32xf32, #tpu.memory_space<vmem>>)
    %dma_start3A_407 = arith.constant 6 : i32
    %dma_start3A_408 = arith.constant 6 : i32
    %dma_start3A_409 = arith.constant 0 : i32
    %dma_start3A_410 = arith.constant 0 : i32
    %dma_start3A_411 = tpu.memref_slice %arg9[%dma_start3A_407, %dma_start3A_409, %dma_start3A_410] : memref<8x128x32xf32, #tpu.memory_space<vmem>> -> memref<1x128x32xf32, #tpu.memory_space<vmem>>
    %dma_start3A_412 = tpu.memref_squeeze %dma_start3A_411 : memref<1x128x32xf32, #tpu.memory_space<vmem>> -> memref<128x32xf32, #tpu.memory_space<vmem>>
    %dma_start3A_413 = arith.constant 0 : i32
    %dma_start3A_414 = tpu.memref_slice %arg8[%dma_start3A_408, %dma_start3A_413] : memref<160x128xi32, #tpu.memory_space<vmem>> -> memref<1x128xi32, #tpu.memory_space<vmem>>
    %dma_start3A_415 = tpu.memref_squeeze %dma_start3A_414 : memref<1x128xi32, #tpu.memory_space<vmem>> -> memref<128xi32, #tpu.memory_space<vmem>>
    %dma_start3A_416 = arith.constant 0 : i32
    %dma_start3A_417 = arith.constant 0 : i32
    %dma_start3A_418 = tpu.memref_slice %arg10[%dma_start3A_416, %dma_start3A_417] : memref<10240x32xf32, #tpu.memory_space<vmem_shared>> -> memref<10240x32xf32, #tpu.memory_space<vmem_shared>>
    tpu.enqueue_indirect_dma source(%dma_start3A_412 : memref<128x32xf32, #tpu.memory_space<vmem>>) target(%dma_start3A_418 : memref<10240x32xf32, #tpu.memory_space<vmem_shared>>) offsets(%dma_start3A_415 : memref<128xi32, #tpu.memory_space<vmem>>) semaphore(%arg26 : memref<!tpu.dma_semaphore, #tpu.memory_space<semaphore_mem>>) {add = true}
    %dma_wait3A_419 = arith.constant 5 : i32
    %dma_wait3A_420 = arith.constant 0 : i32
    %dma_wait3A_421 = arith.constant 0 : i32
    %dma_wait3A_422 = tpu.memref_slice %arg9[%dma_wait3A_419, %dma_wait3A_420, %dma_wait3A_421] : memref<8x128x32xf32, #tpu.memory_space<vmem>> -> memref<1x128x32xf32, #tpu.memory_space<vmem>>
    %dma_wait3A_423 = tpu.memref_squeeze %dma_wait3A_422 : memref<1x128x32xf32, #tpu.memory_space<vmem>> -> memref<128x32xf32, #tpu.memory_space<vmem>>
    %dma_wait3A_424 = arith.constant 0 : i32
    %dma_wait3A_425 = arith.constant 0 : i32
    %dma_wait3A_426 = tpu.memref_slice %arg10[%dma_wait3A_424, %dma_wait3A_425] : memref<10240x32xf32, #tpu.memory_space<vmem_shared>> -> memref<128x32xf32, #tpu.memory_space<vmem_shared>>
    %dma_wait3A_427 = arith.constant 0 : i32
    %dma_wait3A_428 = arith.constant 0 : i32
    %dma_wait3A_429 = tpu.memref_slice %arg10[%dma_wait3A_427, %dma_wait3A_428] : memref<10240x32xf32, #tpu.memory_space<vmem_shared>> -> memref<128x32xf32, #tpu.memory_space<vmem_shared>>
    %dma_wait3A_430 = arith.constant 0 : i32
    %dma_wait3A_431 = arith.constant 0 : i32
    %dma_wait3A_432 = tpu.memref_slice %arg9[%dma_wait3A_419, %dma_wait3A_430, %dma_wait3A_431] : memref<8x128x32xf32, #tpu.memory_space<vmem>> -> memref<1x128x32xf32, #tpu.memory_space<vmem>>
    %dma_wait3A_433 = tpu.memref_squeeze %dma_wait3A_432 : memref<1x128x32xf32, #tpu.memory_space<vmem>> -> memref<128x32xf32, #tpu.memory_space<vmem>>
    tpu.wait_dma2 semaphore(%arg25 : memref<!tpu.dma_semaphore, #tpu.memory_space<semaphore_mem>>) src(%dma_wait3A_433 : memref<128x32xf32, #tpu.memory_space<vmem>>) dst(%dma_wait3A_429 : memref<128x32xf32, #tpu.memory_space<vmem_shared>>)
    %dma_start3A_434 = arith.constant 13 : i32
    %dma_start3A_435 = arith.constant 5 : i32
    %dma_start3A_436 = arith.constant 0 : i32
    %dma_start3A_437 = arith.constant 0 : i32
    %dma_start3A_438 = tpu.memref_slice %arg9[%dma_start3A_435, %dma_start3A_436, %dma_start3A_437] : memref<8x128x32xf32, #tpu.memory_space<vmem>> -> memref<1x128x32xf32, #tpu.memory_space<vmem>>
    %dma_start3A_439 = tpu.memref_squeeze %dma_start3A_438 : memref<1x128x32xf32, #tpu.memory_space<vmem>> -> memref<128x32xf32, #tpu.memory_space<vmem>>
    %dma_start3A_440 = arith.constant 0 : i32
    %dma_start3A_441 = tpu.memref_slice %arg7[%dma_start3A_434, %dma_start3A_440] : memref<160x128xi32, #tpu.memory_space<vmem>> -> memref<1x128xi32, #tpu.memory_space<vmem>>
    %dma_start3A_442 = tpu.memref_squeeze %dma_start3A_441 : memref<1x128xi32, #tpu.memory_space<vmem>> -> memref<128xi32, #tpu.memory_space<vmem>>
    %dma_start3A_443 = arith.constant 0 : i32
    %dma_start3A_444 = arith.constant 0 : i32
    %dma_start3A_445 = tpu.memref_slice %arg11[%dma_start3A_443, %dma_start3A_444] : memref<10240x32xf32, #tpu.memory_space<vmem_shared>> -> memref<10240x32xf32, #tpu.memory_space<vmem_shared>>
    tpu.enqueue_indirect_dma source(%dma_start3A_445 : memref<10240x32xf32, #tpu.memory_space<vmem_shared>>) target(%dma_start3A_439 : memref<128x32xf32, #tpu.memory_space<vmem>>) offsets(%dma_start3A_442 : memref<128xi32, #tpu.memory_space<vmem>>) semaphore(%arg17 : memref<!tpu.dma_semaphore, #tpu.memory_space<semaphore_mem>>)
    %dma_wait3A_446 = arith.constant 7 : i32
    %dma_wait3A_447 = arith.constant 0 : i32
    %dma_wait3A_448 = arith.constant 0 : i32
    %dma_wait3A_449 = tpu.memref_slice %arg9[%dma_wait3A_446, %dma_wait3A_447, %dma_wait3A_448] : memref<8x128x32xf32, #tpu.memory_space<vmem>> -> memref<1x128x32xf32, #tpu.memory_space<vmem>>
    %dma_wait3A_450 = tpu.memref_squeeze %dma_wait3A_449 : memref<1x128x32xf32, #tpu.memory_space<vmem>> -> memref<128x32xf32, #tpu.memory_space<vmem>>
    %dma_wait3A_451 = arith.constant 0 : i32
    %dma_wait3A_452 = arith.constant 0 : i32
    %dma_wait3A_453 = tpu.memref_slice %arg11[%dma_wait3A_451, %dma_wait3A_452] : memref<10240x32xf32, #tpu.memory_space<vmem_shared>> -> memref<128x32xf32, #tpu.memory_space<vmem_shared>>
    %dma_wait3A_454 = arith.constant 0 : i32
    %dma_wait3A_455 = arith.constant 0 : i32
    %dma_wait3A_456 = tpu.memref_slice %arg9[%dma_wait3A_446, %dma_wait3A_454, %dma_wait3A_455] : memref<8x128x32xf32, #tpu.memory_space<vmem>> -> memref<1x128x32xf32, #tpu.memory_space<vmem>>
    %dma_wait3A_457 = tpu.memref_squeeze %dma_wait3A_456 : memref<1x128x32xf32, #tpu.memory_space<vmem>> -> memref<128x32xf32, #tpu.memory_space<vmem>>
    %dma_wait3A_458 = arith.constant 0 : i32
    %dma_wait3A_459 = arith.constant 0 : i32
    %dma_wait3A_460 = tpu.memref_slice %arg11[%dma_wait3A_458, %dma_wait3A_459] : memref<10240x32xf32, #tpu.memory_space<vmem_shared>> -> memref<128x32xf32, #tpu.memory_space<vmem_shared>>
    tpu.wait_dma2 semaphore(%arg19 : memref<!tpu.dma_semaphore, #tpu.memory_space<semaphore_mem>>) src(%dma_wait3A_460 : memref<128x32xf32, #tpu.memory_space<vmem_shared>>) dst(%dma_wait3A_457 : memref<128x32xf32, #tpu.memory_space<vmem>>)
    %dma_start3A_461 = arith.constant 7 : i32
    %dma_start3A_462 = arith.constant 7 : i32
    %dma_start3A_463 = arith.constant 0 : i32
    %dma_start3A_464 = arith.constant 0 : i32
    %dma_start3A_465 = tpu.memref_slice %arg9[%dma_start3A_461, %dma_start3A_463, %dma_start3A_464] : memref<8x128x32xf32, #tpu.memory_space<vmem>> -> memref<1x128x32xf32, #tpu.memory_space<vmem>>
    %dma_start3A_466 = tpu.memref_squeeze %dma_start3A_465 : memref<1x128x32xf32, #tpu.memory_space<vmem>> -> memref<128x32xf32, #tpu.memory_space<vmem>>
    %dma_start3A_467 = arith.constant 0 : i32
    %dma_start3A_468 = tpu.memref_slice %arg8[%dma_start3A_462, %dma_start3A_467] : memref<160x128xi32, #tpu.memory_space<vmem>> -> memref<1x128xi32, #tpu.memory_space<vmem>>
    %dma_start3A_469 = tpu.memref_squeeze %dma_start3A_468 : memref<1x128xi32, #tpu.memory_space<vmem>> -> memref<128xi32, #tpu.memory_space<vmem>>
    %dma_start3A_470 = arith.constant 0 : i32
    %dma_start3A_471 = arith.constant 0 : i32
    %dma_start3A_472 = tpu.memref_slice %arg10[%dma_start3A_470, %dma_start3A_471] : memref<10240x32xf32, #tpu.memory_space<vmem_shared>> -> memref<10240x32xf32, #tpu.memory_space<vmem_shared>>
    tpu.enqueue_indirect_dma source(%dma_start3A_466 : memref<128x32xf32, #tpu.memory_space<vmem>>) target(%dma_start3A_472 : memref<10240x32xf32, #tpu.memory_space<vmem_shared>>) offsets(%dma_start3A_469 : memref<128xi32, #tpu.memory_space<vmem>>) semaphore(%arg27 : memref<!tpu.dma_semaphore, #tpu.memory_space<semaphore_mem>>) {add = true}
    %scan3A = arith.constant 0 : i32
    %scan3A_473 = arith.constant 0 : i32
    %scan3A_474 = arith.constant 18 : i32
    %scan3A_475 = arith.addi %scan3A_473, %scan3A_474 : i32
    %scan3A_476 = arith.constant 1 : i32
    scf.for %scan3A_869 = %scan3A_473 to %scan3A_475 step %scan3A_476  : i32 {
      %mul3A_870 = arith.constant 8 : i32
      %mul3A_871 = arith.muli %scan3A_869, %mul3A_870 : i32
      %add3A = arith.constant 8 : i32
      %add3A_872 = arith.addi %add3A, %mul3A_871 : i32
      %add3A_873 = arith.constant 0 : i32
      %add3A_874 = arith.addi %add3A_872, %add3A_873 : i32
      %dma_wait3A_875 = arith.constant 6 : i32
      %dma_wait3A_876 = arith.constant 0 : i32
      %dma_wait3A_877 = arith.constant 0 : i32
      %dma_wait3A_878 = tpu.memref_slice %arg9[%dma_wait3A_875, %dma_wait3A_876, %dma_wait3A_877] : memref<8x128x32xf32, #tpu.memory_space<vmem>> -> memref<1x128x32xf32, #tpu.memory_space<vmem>>
      %dma_wait3A_879 = tpu.memref_squeeze %dma_wait3A_878 : memref<1x128x32xf32, #tpu.memory_space<vmem>> -> memref<128x32xf32, #tpu.memory_space<vmem>>
      %dma_wait3A_880 = arith.constant 0 : i32
      %dma_wait3A_881 = arith.constant 0 : i32
      %dma_wait3A_882 = tpu.memref_slice %arg10[%dma_wait3A_880, %dma_wait3A_881] : memref<10240x32xf32, #tpu.memory_space<vmem_shared>> -> memref<128x32xf32, #tpu.memory_space<vmem_shared>>
      %dma_wait3A_883 = arith.constant 0 : i32
      %dma_wait3A_884 = arith.constant 0 : i32
      %dma_wait3A_885 = tpu.memref_slice %arg10[%dma_wait3A_883, %dma_wait3A_884] : memref<10240x32xf32, #tpu.memory_space<vmem_shared>> -> memref<128x32xf32, #tpu.memory_space<vmem_shared>>
      %dma_wait3A_886 = arith.constant 0 : i32
      %dma_wait3A_887 = arith.constant 0 : i32
      %dma_wait3A_888 = tpu.memref_slice %arg9[%dma_wait3A_875, %dma_wait3A_886, %dma_wait3A_887] : memref<8x128x32xf32, #tpu.memory_space<vmem>> -> memref<1x128x32xf32, #tpu.memory_space<vmem>>
      %dma_wait3A_889 = tpu.memref_squeeze %dma_wait3A_888 : memref<1x128x32xf32, #tpu.memory_space<vmem>> -> memref<128x32xf32, #tpu.memory_space<vmem>>
      tpu.wait_dma2 semaphore(%arg26 : memref<!tpu.dma_semaphore, #tpu.memory_space<semaphore_mem>>) src(%dma_wait3A_889 : memref<128x32xf32, #tpu.memory_space<vmem>>) dst(%dma_wait3A_885 : memref<128x32xf32, #tpu.memory_space<vmem_shared>>)
      %add3A_890 = arith.constant 6 : i32
      %add3A_891 = arith.addi %add3A_874, %add3A_890 : i32
      %dma_start3A_892 = arith.constant 6 : i32
      %dma_start3A_893 = arith.constant 0 : i32
      %dma_start3A_894 = arith.constant 0 : i32
      %dma_start3A_895 = tpu.memref_slice %arg9[%dma_start3A_892, %dma_start3A_893, %dma_start3A_894] : memref<8x128x32xf32, #tpu.memory_space<vmem>> -> memref<1x128x32xf32, #tpu.memory_space<vmem>>
      %dma_start3A_896 = tpu.memref_squeeze %dma_start3A_895 : memref<1x128x32xf32, #tpu.memory_space<vmem>> -> memref<128x32xf32, #tpu.memory_space<vmem>>
      %dma_start3A_897 = arith.constant 0 : i32
      %dma_start3A_898 = tpu.memref_slice %arg7[%add3A_891, %dma_start3A_897] : memref<160x128xi32, #tpu.memory_space<vmem>> -> memref<1x128xi32, #tpu.memory_space<vmem>>
      %dma_start3A_899 = tpu.memref_squeeze %dma_start3A_898 : memref<1x128xi32, #tpu.memory_space<vmem>> -> memref<128xi32, #tpu.memory_space<vmem>>
      %dma_start3A_900 = arith.constant 0 : i32
      %dma_start3A_901 = arith.constant 0 : i32
      %dma_start3A_902 = tpu.memref_slice %arg11[%dma_start3A_900, %dma_start3A_901] : memref<10240x32xf32, #tpu.memory_space<vmem_shared>> -> memref<10240x32xf32, #tpu.memory_space<vmem_shared>>
      tpu.enqueue_indirect_dma source(%dma_start3A_902 : memref<10240x32xf32, #tpu.memory_space<vmem_shared>>) target(%dma_start3A_896 : memref<128x32xf32, #tpu.memory_space<vmem>>) offsets(%dma_start3A_899 : memref<128xi32, #tpu.memory_space<vmem>>) semaphore(%arg18 : memref<!tpu.dma_semaphore, #tpu.memory_space<semaphore_mem>>)
      %dma_wait3A_903 = arith.constant 0 : i32
      %dma_wait3A_904 = arith.constant 0 : i32
      %dma_wait3A_905 = arith.constant 0 : i32
      %dma_wait3A_906 = tpu.memref_slice %arg9[%dma_wait3A_903, %dma_wait3A_904, %dma_wait3A_905] : memref<8x128x32xf32, #tpu.memory_space<vmem>> -> memref<1x128x32xf32, #tpu.memory_space<vmem>>
      %dma_wait3A_907 = tpu.memref_squeeze %dma_wait3A_906 : memref<1x128x32xf32, #tpu.memory_space<vmem>> -> memref<128x32xf32, #tpu.memory_space<vmem>>
      %dma_wait3A_908 = arith.constant 0 : i32
      %dma_wait3A_909 = arith.constant 0 : i32
      %dma_wait3A_910 = tpu.memref_slice %arg11[%dma_wait3A_908, %dma_wait3A_909] : memref<10240x32xf32, #tpu.memory_space<vmem_shared>> -> memref<128x32xf32, #tpu.memory_space<vmem_shared>>
      %dma_wait3A_911 = arith.constant 0 : i32
      %dma_wait3A_912 = arith.constant 0 : i32
      %dma_wait3A_913 = tpu.memref_slice %arg9[%dma_wait3A_903, %dma_wait3A_911, %dma_wait3A_912] : memref<8x128x32xf32, #tpu.memory_space<vmem>> -> memref<1x128x32xf32, #tpu.memory_space<vmem>>
      %dma_wait3A_914 = tpu.memref_squeeze %dma_wait3A_913 : memref<1x128x32xf32, #tpu.memory_space<vmem>> -> memref<128x32xf32, #tpu.memory_space<vmem>>
      %dma_wait3A_915 = arith.constant 0 : i32
      %dma_wait3A_916 = arith.constant 0 : i32
      %dma_wait3A_917 = tpu.memref_slice %arg11[%dma_wait3A_915, %dma_wait3A_916] : memref<10240x32xf32, #tpu.memory_space<vmem_shared>> -> memref<128x32xf32, #tpu.memory_space<vmem_shared>>
      tpu.wait_dma2 semaphore(%arg12 : memref<!tpu.dma_semaphore, #tpu.memory_space<semaphore_mem>>) src(%dma_wait3A_917 : memref<128x32xf32, #tpu.memory_space<vmem_shared>>) dst(%dma_wait3A_914 : memref<128x32xf32, #tpu.memory_space<vmem>>)
      %dma_start3A_918 = arith.constant 0 : i32
      %dma_start3A_919 = arith.constant 0 : i32
      %dma_start3A_920 = arith.constant 0 : i32
      %dma_start3A_921 = tpu.memref_slice %arg9[%dma_start3A_918, %dma_start3A_919, %dma_start3A_920] : memref<8x128x32xf32, #tpu.memory_space<vmem>> -> memref<1x128x32xf32, #tpu.memory_space<vmem>>
      %dma_start3A_922 = tpu.memref_squeeze %dma_start3A_921 : memref<1x128x32xf32, #tpu.memory_space<vmem>> -> memref<128x32xf32, #tpu.memory_space<vmem>>
      %dma_start3A_923 = arith.constant 0 : i32
      %dma_start3A_924 = tpu.memref_slice %arg8[%add3A_874, %dma_start3A_923] : memref<160x128xi32, #tpu.memory_space<vmem>> -> memref<1x128xi32, #tpu.memory_space<vmem>>
      %dma_start3A_925 = tpu.memref_squeeze %dma_start3A_924 : memref<1x128xi32, #tpu.memory_space<vmem>> -> memref<128xi32, #tpu.memory_space<vmem>>
      %dma_start3A_926 = arith.constant 0 : i32
      %dma_start3A_927 = arith.constant 0 : i32
      %dma_start3A_928 = tpu.memref_slice %arg10[%dma_start3A_926, %dma_start3A_927] : memref<10240x32xf32, #tpu.memory_space<vmem_shared>> -> memref<10240x32xf32, #tpu.memory_space<vmem_shared>>
      tpu.enqueue_indirect_dma source(%dma_start3A_922 : memref<128x32xf32, #tpu.memory_space<vmem>>) target(%dma_start3A_928 : memref<10240x32xf32, #tpu.memory_space<vmem_shared>>) offsets(%dma_start3A_925 : memref<128xi32, #tpu.memory_space<vmem>>) semaphore(%arg20 : memref<!tpu.dma_semaphore, #tpu.memory_space<semaphore_mem>>) {add = true}
      %add3A_929 = arith.constant 1 : i32
      %add3A_930 = arith.addi %add3A_872, %add3A_929 : i32
      %dma_wait3A_931 = arith.constant 7 : i32
      %dma_wait3A_932 = arith.constant 0 : i32
      %dma_wait3A_933 = arith.constant 0 : i32
      %dma_wait3A_934 = tpu.memref_slice %arg9[%dma_wait3A_931, %dma_wait3A_932, %dma_wait3A_933] : memref<8x128x32xf32, #tpu.memory_space<vmem>> -> memref<1x128x32xf32, #tpu.memory_space<vmem>>
      %dma_wait3A_935 = tpu.memref_squeeze %dma_wait3A_934 : memref<1x128x32xf32, #tpu.memory_space<vmem>> -> memref<128x32xf32, #tpu.memory_space<vmem>>
      %dma_wait3A_936 = arith.constant 0 : i32
      %dma_wait3A_937 = arith.constant 0 : i32
      %dma_wait3A_938 = tpu.memref_slice %arg10[%dma_wait3A_936, %dma_wait3A_937] : memref<10240x32xf32, #tpu.memory_space<vmem_shared>> -> memref<128x32xf32, #tpu.memory_space<vmem_shared>>
      %dma_wait3A_939 = arith.constant 0 : i32
      %dma_wait3A_940 = arith.constant 0 : i32
      %dma_wait3A_941 = tpu.memref_slice %arg10[%dma_wait3A_939, %dma_wait3A_940] : memref<10240x32xf32, #tpu.memory_space<vmem_shared>> -> memref<128x32xf32, #tpu.memory_space<vmem_shared>>
      %dma_wait3A_942 = arith.constant 0 : i32
      %dma_wait3A_943 = arith.constant 0 : i32
      %dma_wait3A_944 = tpu.memref_slice %arg9[%dma_wait3A_931, %dma_wait3A_942, %dma_wait3A_943] : memref<8x128x32xf32, #tpu.memory_space<vmem>> -> memref<1x128x32xf32, #tpu.memory_space<vmem>>
      %dma_wait3A_945 = tpu.memref_squeeze %dma_wait3A_944 : memref<1x128x32xf32, #tpu.memory_space<vmem>> -> memref<128x32xf32, #tpu.memory_space<vmem>>
      tpu.wait_dma2 semaphore(%arg27 : memref<!tpu.dma_semaphore, #tpu.memory_space<semaphore_mem>>) src(%dma_wait3A_945 : memref<128x32xf32, #tpu.memory_space<vmem>>) dst(%dma_wait3A_941 : memref<128x32xf32, #tpu.memory_space<vmem_shared>>)
      %add3A_946 = arith.constant 6 : i32
      %add3A_947 = arith.addi %add3A_930, %add3A_946 : i32
      %dma_start3A_948 = arith.constant 7 : i32
      %dma_start3A_949 = arith.constant 0 : i32
      %dma_start3A_950 = arith.constant 0 : i32
      %dma_start3A_951 = tpu.memref_slice %arg9[%dma_start3A_948, %dma_start3A_949, %dma_start3A_950] : memref<8x128x32xf32, #tpu.memory_space<vmem>> -> memref<1x128x32xf32, #tpu.memory_space<vmem>>
      %dma_start3A_952 = tpu.memref_squeeze %dma_start3A_951 : memref<1x128x32xf32, #tpu.memory_space<vmem>> -> memref<128x32xf32, #tpu.memory_space<vmem>>
      %dma_start3A_953 = arith.constant 0 : i32
      %dma_start3A_954 = tpu.memref_slice %arg7[%add3A_947, %dma_start3A_953] : memref<160x128xi32, #tpu.memory_space<vmem>> -> memref<1x128xi32, #tpu.memory_space<vmem>>
      %dma_start3A_955 = tpu.memref_squeeze %dma_start3A_954 : memref<1x128xi32, #tpu.memory_space<vmem>> -> memref<128xi32, #tpu.memory_space<vmem>>
      %dma_start3A_956 = arith.constant 0 : i32
      %dma_start3A_957 = arith.constant 0 : i32
      %dma_start3A_958 = tpu.memref_slice %arg11[%dma_start3A_956, %dma_start3A_957] : memref<10240x32xf32, #tpu.memory_space<vmem_shared>> -> memref<10240x32xf32, #tpu.memory_space<vmem_shared>>
      tpu.enqueue_indirect_dma source(%dma_start3A_958 : memref<10240x32xf32, #tpu.memory_space<vmem_shared>>) target(%dma_start3A_952 : memref<128x32xf32, #tpu.memory_space<vmem>>) offsets(%dma_start3A_955 : memref<128xi32, #tpu.memory_space<vmem>>) semaphore(%arg19 : memref<!tpu.dma_semaphore, #tpu.memory_space<semaphore_mem>>)
      %dma_wait3A_959 = arith.constant 1 : i32
      %dma_wait3A_960 = arith.constant 0 : i32
      %dma_wait3A_961 = arith.constant 0 : i32
      %dma_wait3A_962 = tpu.memref_slice %arg9[%dma_wait3A_959, %dma_wait3A_960, %dma_wait3A_961] : memref<8x128x32xf32, #tpu.memory_space<vmem>> -> memref<1x128x32xf32, #tpu.memory_space<vmem>>
      %dma_wait3A_963 = tpu.memref_squeeze %dma_wait3A_962 : memref<1x128x32xf32, #tpu.memory_space<vmem>> -> memref<128x32xf32, #tpu.memory_space<vmem>>
      %dma_wait3A_964 = arith.constant 0 : i32
      %dma_wait3A_965 = arith.constant 0 : i32
      %dma_wait3A_966 = tpu.memref_slice %arg11[%dma_wait3A_964, %dma_wait3A_965] : memref<10240x32xf32, #tpu.memory_space<vmem_shared>> -> memref<128x32xf32, #tpu.memory_space<vmem_shared>>
      %dma_wait3A_967 = arith.constant 0 : i32
      %dma_wait3A_968 = arith.constant 0 : i32
      %dma_wait3A_969 = tpu.memref_slice %arg9[%dma_wait3A_959, %dma_wait3A_967, %dma_wait3A_968] : memref<8x128x32xf32, #tpu.memory_space<vmem>> -> memref<1x128x32xf32, #tpu.memory_space<vmem>>
      %dma_wait3A_970 = tpu.memref_squeeze %dma_wait3A_969 : memref<1x128x32xf32, #tpu.memory_space<vmem>> -> memref<128x32xf32, #tpu.memory_space<vmem>>
      %dma_wait3A_971 = arith.constant 0 : i32
      %dma_wait3A_972 = arith.constant 0 : i32
      %dma_wait3A_973 = tpu.memref_slice %arg11[%dma_wait3A_971, %dma_wait3A_972] : memref<10240x32xf32, #tpu.memory_space<vmem_shared>> -> memref<128x32xf32, #tpu.memory_space<vmem_shared>>
      tpu.wait_dma2 semaphore(%arg13 : memref<!tpu.dma_semaphore, #tpu.memory_space<semaphore_mem>>) src(%dma_wait3A_973 : memref<128x32xf32, #tpu.memory_space<vmem_shared>>) dst(%dma_wait3A_970 : memref<128x32xf32, #tpu.memory_space<vmem>>)
      %dma_start3A_974 = arith.constant 1 : i32
      %dma_start3A_975 = arith.constant 0 : i32
      %dma_start3A_976 = arith.constant 0 : i32
      %dma_start3A_977 = tpu.memref_slice %arg9[%dma_start3A_974, %dma_start3A_975, %dma_start3A_976] : memref<8x128x32xf32, #tpu.memory_space<vmem>> -> memref<1x128x32xf32, #tpu.memory_space<vmem>>
      %dma_start3A_978 = tpu.memref_squeeze %dma_start3A_977 : memref<1x128x32xf32, #tpu.memory_space<vmem>> -> memref<128x32xf32, #tpu.memory_space<vmem>>
      %dma_start3A_979 = arith.constant 0 : i32
      %dma_start3A_980 = tpu.memref_slice %arg8[%add3A_930, %dma_start3A_979] : memref<160x128xi32, #tpu.memory_space<vmem>> -> memref<1x128xi32, #tpu.memory_space<vmem>>
      %dma_start3A_981 = tpu.memref_squeeze %dma_start3A_980 : memref<1x128xi32, #tpu.memory_space<vmem>> -> memref<128xi32, #tpu.memory_space<vmem>>
      %dma_start3A_982 = arith.constant 0 : i32
      %dma_start3A_983 = arith.constant 0 : i32
      %dma_start3A_984 = tpu.memref_slice %arg10[%dma_start3A_982, %dma_start3A_983] : memref<10240x32xf32, #tpu.memory_space<vmem_shared>> -> memref<10240x32xf32, #tpu.memory_space<vmem_shared>>
      tpu.enqueue_indirect_dma source(%dma_start3A_978 : memref<128x32xf32, #tpu.memory_space<vmem>>) target(%dma_start3A_984 : memref<10240x32xf32, #tpu.memory_space<vmem_shared>>) offsets(%dma_start3A_981 : memref<128xi32, #tpu.memory_space<vmem>>) semaphore(%arg21 : memref<!tpu.dma_semaphore, #tpu.memory_space<semaphore_mem>>) {add = true}
      %add3A_985 = arith.constant 2 : i32
      %add3A_986 = arith.addi %add3A_872, %add3A_985 : i32
      %dma_wait3A_987 = arith.constant 0 : i32
      %dma_wait3A_988 = arith.constant 0 : i32
      %dma_wait3A_989 = arith.constant 0 : i32
      %dma_wait3A_990 = tpu.memref_slice %arg9[%dma_wait3A_987, %dma_wait3A_988, %dma_wait3A_989] : memref<8x128x32xf32, #tpu.memory_space<vmem>> -> memref<1x128x32xf32, #tpu.memory_space<vmem>>
      %dma_wait3A_991 = tpu.memref_squeeze %dma_wait3A_990 : memref<1x128x32xf32, #tpu.memory_space<vmem>> -> memref<128x32xf32, #tpu.memory_space<vmem>>
      %dma_wait3A_992 = arith.constant 0 : i32
      %dma_wait3A_993 = arith.constant 0 : i32
      %dma_wait3A_994 = tpu.memref_slice %arg10[%dma_wait3A_992, %dma_wait3A_993] : memref<10240x32xf32, #tpu.memory_space<vmem_shared>> -> memref<128x32xf32, #tpu.memory_space<vmem_shared>>
      %dma_wait3A_995 = arith.constant 0 : i32
      %dma_wait3A_996 = arith.constant 0 : i32
      %dma_wait3A_997 = tpu.memref_slice %arg10[%dma_wait3A_995, %dma_wait3A_996] : memref<10240x32xf32, #tpu.memory_space<vmem_shared>> -> memref<128x32xf32, #tpu.memory_space<vmem_shared>>
      %dma_wait3A_998 = arith.constant 0 : i32
      %dma_wait3A_999 = arith.constant 0 : i32
      %dma_wait3A_1000 = tpu.memref_slice %arg9[%dma_wait3A_987, %dma_wait3A_998, %dma_wait3A_999] : memref<8x128x32xf32, #tpu.memory_space<vmem>> -> memref<1x128x32xf32, #tpu.memory_space<vmem>>
      %dma_wait3A_1001 = tpu.memref_squeeze %dma_wait3A_1000 : memref<1x128x32xf32, #tpu.memory_space<vmem>> -> memref<128x32xf32, #tpu.memory_space<vmem>>
      tpu.wait_dma2 semaphore(%arg20 : memref<!tpu.dma_semaphore, #tpu.memory_space<semaphore_mem>>) src(%dma_wait3A_1001 : memref<128x32xf32, #tpu.memory_space<vmem>>) dst(%dma_wait3A_997 : memref<128x32xf32, #tpu.memory_space<vmem_shared>>)
      %add3A_1002 = arith.constant 6 : i32
      %add3A_1003 = arith.addi %add3A_986, %add3A_1002 : i32
      %dma_start3A_1004 = arith.constant 0 : i32
      %dma_start3A_1005 = arith.constant 0 : i32
      %dma_start3A_1006 = arith.constant 0 : i32
      %dma_start3A_1007 = tpu.memref_slice %arg9[%dma_start3A_1004, %dma_start3A_1005, %dma_start3A_1006] : memref<8x128x32xf32, #tpu.memory_space<vmem>> -> memref<1x128x32xf32, #tpu.memory_space<vmem>>
      %dma_start3A_1008 = tpu.memref_squeeze %dma_start3A_1007 : memref<1x128x32xf32, #tpu.memory_space<vmem>> -> memref<128x32xf32, #tpu.memory_space<vmem>>
      %dma_start3A_1009 = arith.constant 0 : i32
      %dma_start3A_1010 = tpu.memref_slice %arg7[%add3A_1003, %dma_start3A_1009] : memref<160x128xi32, #tpu.memory_space<vmem>> -> memref<1x128xi32, #tpu.memory_space<vmem>>
      %dma_start3A_1011 = tpu.memref_squeeze %dma_start3A_1010 : memref<1x128xi32, #tpu.memory_space<vmem>> -> memref<128xi32, #tpu.memory_space<vmem>>
      %dma_start3A_1012 = arith.constant 0 : i32
      %dma_start3A_1013 = arith.constant 0 : i32
      %dma_start3A_1014 = tpu.memref_slice %arg11[%dma_start3A_1012, %dma_start3A_1013] : memref<10240x32xf32, #tpu.memory_space<vmem_shared>> -> memref<10240x32xf32, #tpu.memory_space<vmem_shared>>
      tpu.enqueue_indirect_dma source(%dma_start3A_1014 : memref<10240x32xf32, #tpu.memory_space<vmem_shared>>) target(%dma_start3A_1008 : memref<128x32xf32, #tpu.memory_space<vmem>>) offsets(%dma_start3A_1011 : memref<128xi32, #tpu.memory_space<vmem>>) semaphore(%arg12 : memref<!tpu.dma_semaphore, #tpu.memory_space<semaphore_mem>>)
      %dma_wait3A_1015 = arith.constant 2 : i32
      %dma_wait3A_1016 = arith.constant 0 : i32
      %dma_wait3A_1017 = arith.constant 0 : i32
      %dma_wait3A_1018 = tpu.memref_slice %arg9[%dma_wait3A_1015, %dma_wait3A_1016, %dma_wait3A_1017] : memref<8x128x32xf32, #tpu.memory_space<vmem>> -> memref<1x128x32xf32, #tpu.memory_space<vmem>>
      %dma_wait3A_1019 = tpu.memref_squeeze %dma_wait3A_1018 : memref<1x128x32xf32, #tpu.memory_space<vmem>> -> memref<128x32xf32, #tpu.memory_space<vmem>>
      %dma_wait3A_1020 = arith.constant 0 : i32
      %dma_wait3A_1021 = arith.constant 0 : i32
      %dma_wait3A_1022 = tpu.memref_slice %arg11[%dma_wait3A_1020, %dma_wait3A_1021] : memref<10240x32xf32, #tpu.memory_space<vmem_shared>> -> memref<128x32xf32, #tpu.memory_space<vmem_shared>>
      %dma_wait3A_1023 = arith.constant 0 : i32
      %dma_wait3A_1024 = arith.constant 0 : i32
      %dma_wait3A_1025 = tpu.memref_slice %arg9[%dma_wait3A_1015, %dma_wait3A_1023, %dma_wait3A_1024] : memref<8x128x32xf32, #tpu.memory_space<vmem>> -> memref<1x128x32xf32, #tpu.memory_space<vmem>>
      %dma_wait3A_1026 = tpu.memref_squeeze %dma_wait3A_1025 : memref<1x128x32xf32, #tpu.memory_space<vmem>> -> memref<128x32xf32, #tpu.memory_space<vmem>>
      %dma_wait3A_1027 = arith.constant 0 : i32
      %dma_wait3A_1028 = arith.constant 0 : i32
      %dma_wait3A_1029 = tpu.memref_slice %arg11[%dma_wait3A_1027, %dma_wait3A_1028] : memref<10240x32xf32, #tpu.memory_space<vmem_shared>> -> memref<128x32xf32, #tpu.memory_space<vmem_shared>>
      tpu.wait_dma2 semaphore(%arg14 : memref<!tpu.dma_semaphore, #tpu.memory_space<semaphore_mem>>) src(%dma_wait3A_1029 : memref<128x32xf32, #tpu.memory_space<vmem_shared>>) dst(%dma_wait3A_1026 : memref<128x32xf32, #tpu.memory_space<vmem>>)
      %dma_start3A_1030 = arith.constant 2 : i32
      %dma_start3A_1031 = arith.constant 0 : i32
      %dma_start3A_1032 = arith.constant 0 : i32
      %dma_start3A_1033 = tpu.memref_slice %arg9[%dma_start3A_1030, %dma_start3A_1031, %dma_start3A_1032] : memref<8x128x32xf32, #tpu.memory_space<vmem>> -> memref<1x128x32xf32, #tpu.memory_space<vmem>>
      %dma_start3A_1034 = tpu.memref_squeeze %dma_start3A_1033 : memref<1x128x32xf32, #tpu.memory_space<vmem>> -> memref<128x32xf32, #tpu.memory_space<vmem>>
      %dma_start3A_1035 = arith.constant 0 : i32
      %dma_start3A_1036 = tpu.memref_slice %arg8[%add3A_986, %dma_start3A_1035] : memref<160x128xi32, #tpu.memory_space<vmem>> -> memref<1x128xi32, #tpu.memory_space<vmem>>
      %dma_start3A_1037 = tpu.memref_squeeze %dma_start3A_1036 : memref<1x128xi32, #tpu.memory_space<vmem>> -> memref<128xi32, #tpu.memory_space<vmem>>
      %dma_start3A_1038 = arith.constant 0 : i32
      %dma_start3A_1039 = arith.constant 0 : i32
      %dma_start3A_1040 = tpu.memref_slice %arg10[%dma_start3A_1038, %dma_start3A_1039] : memref<10240x32xf32, #tpu.memory_space<vmem_shared>> -> memref<10240x32xf32, #tpu.memory_space<vmem_shared>>
      tpu.enqueue_indirect_dma source(%dma_start3A_1034 : memref<128x32xf32, #tpu.memory_space<vmem>>) target(%dma_start3A_1040 : memref<10240x32xf32, #tpu.memory_space<vmem_shared>>) offsets(%dma_start3A_1037 : memref<128xi32, #tpu.memory_space<vmem>>) semaphore(%arg22 : memref<!tpu.dma_semaphore, #tpu.memory_space<semaphore_mem>>) {add = true}
      %add3A_1041 = arith.constant 3 : i32
      %add3A_1042 = arith.addi %add3A_872, %add3A_1041 : i32
      %dma_wait3A_1043 = arith.constant 1 : i32
      %dma_wait3A_1044 = arith.constant 0 : i32
      %dma_wait3A_1045 = arith.constant 0 : i32
      %dma_wait3A_1046 = tpu.memref_slice %arg9[%dma_wait3A_1043, %dma_wait3A_1044, %dma_wait3A_1045] : memref<8x128x32xf32, #tpu.memory_space<vmem>> -> memref<1x128x32xf32, #tpu.memory_space<vmem>>
      %dma_wait3A_1047 = tpu.memref_squeeze %dma_wait3A_1046 : memref<1x128x32xf32, #tpu.memory_space<vmem>> -> memref<128x32xf32, #tpu.memory_space<vmem>>
      %dma_wait3A_1048 = arith.constant 0 : i32
      %dma_wait3A_1049 = arith.constant 0 : i32
      %dma_wait3A_1050 = tpu.memref_slice %arg10[%dma_wait3A_1048, %dma_wait3A_1049] : memref<10240x32xf32, #tpu.memory_space<vmem_shared>> -> memref<128x32xf32, #tpu.memory_space<vmem_shared>>
      %dma_wait3A_1051 = arith.constant 0 : i32
      %dma_wait3A_1052 = arith.constant 0 : i32
      %dma_wait3A_1053 = tpu.memref_slice %arg10[%dma_wait3A_1051, %dma_wait3A_1052] : memref<10240x32xf32, #tpu.memory_space<vmem_shared>> -> memref<128x32xf32, #tpu.memory_space<vmem_shared>>
      %dma_wait3A_1054 = arith.constant 0 : i32
      %dma_wait3A_1055 = arith.constant 0 : i32
      %dma_wait3A_1056 = tpu.memref_slice %arg9[%dma_wait3A_1043, %dma_wait3A_1054, %dma_wait3A_1055] : memref<8x128x32xf32, #tpu.memory_space<vmem>> -> memref<1x128x32xf32, #tpu.memory_space<vmem>>
      %dma_wait3A_1057 = tpu.memref_squeeze %dma_wait3A_1056 : memref<1x128x32xf32, #tpu.memory_space<vmem>> -> memref<128x32xf32, #tpu.memory_space<vmem>>
      tpu.wait_dma2 semaphore(%arg21 : memref<!tpu.dma_semaphore, #tpu.memory_space<semaphore_mem>>) src(%dma_wait3A_1057 : memref<128x32xf32, #tpu.memory_space<vmem>>) dst(%dma_wait3A_1053 : memref<128x32xf32, #tpu.memory_space<vmem_shared>>)
      %add3A_1058 = arith.constant 6 : i32
      %add3A_1059 = arith.addi %add3A_1042, %add3A_1058 : i32
      %dma_start3A_1060 = arith.constant 1 : i32
      %dma_start3A_1061 = arith.constant 0 : i32
      %dma_start3A_1062 = arith.constant 0 : i32
      %dma_start3A_1063 = tpu.memref_slice %arg9[%dma_start3A_1060, %dma_start3A_1061, %dma_start3A_1062] : memref<8x128x32xf32, #tpu.memory_space<vmem>> -> memref<1x128x32xf32, #tpu.memory_space<vmem>>
      %dma_start3A_1064 = tpu.memref_squeeze %dma_start3A_1063 : memref<1x128x32xf32, #tpu.memory_space<vmem>> -> memref<128x32xf32, #tpu.memory_space<vmem>>
      %dma_start3A_1065 = arith.constant 0 : i32
      %dma_start3A_1066 = tpu.memref_slice %arg7[%add3A_1059, %dma_start3A_1065] : memref<160x128xi32, #tpu.memory_space<vmem>> -> memref<1x128xi32, #tpu.memory_space<vmem>>
      %dma_start3A_1067 = tpu.memref_squeeze %dma_start3A_1066 : memref<1x128xi32, #tpu.memory_space<vmem>> -> memref<128xi32, #tpu.memory_space<vmem>>
      %dma_start3A_1068 = arith.constant 0 : i32
      %dma_start3A_1069 = arith.constant 0 : i32
      %dma_start3A_1070 = tpu.memref_slice %arg11[%dma_start3A_1068, %dma_start3A_1069] : memref<10240x32xf32, #tpu.memory_space<vmem_shared>> -> memref<10240x32xf32, #tpu.memory_space<vmem_shared>>
      tpu.enqueue_indirect_dma source(%dma_start3A_1070 : memref<10240x32xf32, #tpu.memory_space<vmem_shared>>) target(%dma_start3A_1064 : memref<128x32xf32, #tpu.memory_space<vmem>>) offsets(%dma_start3A_1067 : memref<128xi32, #tpu.memory_space<vmem>>) semaphore(%arg13 : memref<!tpu.dma_semaphore, #tpu.memory_space<semaphore_mem>>)
      %dma_wait3A_1071 = arith.constant 3 : i32
      %dma_wait3A_1072 = arith.constant 0 : i32
      %dma_wait3A_1073 = arith.constant 0 : i32
      %dma_wait3A_1074 = tpu.memref_slice %arg9[%dma_wait3A_1071, %dma_wait3A_1072, %dma_wait3A_1073] : memref<8x128x32xf32, #tpu.memory_space<vmem>> -> memref<1x128x32xf32, #tpu.memory_space<vmem>>
      %dma_wait3A_1075 = tpu.memref_squeeze %dma_wait3A_1074 : memref<1x128x32xf32, #tpu.memory_space<vmem>> -> memref<128x32xf32, #tpu.memory_space<vmem>>
      %dma_wait3A_1076 = arith.constant 0 : i32
      %dma_wait3A_1077 = arith.constant 0 : i32
      %dma_wait3A_1078 = tpu.memref_slice %arg11[%dma_wait3A_1076, %dma_wait3A_1077] : memref<10240x32xf32, #tpu.memory_space<vmem_shared>> -> memref<128x32xf32, #tpu.memory_space<vmem_shared>>
      %dma_wait3A_1079 = arith.constant 0 : i32
      %dma_wait3A_1080 = arith.constant 0 : i32
      %dma_wait3A_1081 = tpu.memref_slice %arg9[%dma_wait3A_1071, %dma_wait3A_1079, %dma_wait3A_1080] : memref<8x128x32xf32, #tpu.memory_space<vmem>> -> memref<1x128x32xf32, #tpu.memory_space<vmem>>
      %dma_wait3A_1082 = tpu.memref_squeeze %dma_wait3A_1081 : memref<1x128x32xf32, #tpu.memory_space<vmem>> -> memref<128x32xf32, #tpu.memory_space<vmem>>
      %dma_wait3A_1083 = arith.constant 0 : i32
      %dma_wait3A_1084 = arith.constant 0 : i32
      %dma_wait3A_1085 = tpu.memref_slice %arg11[%dma_wait3A_1083, %dma_wait3A_1084] : memref<10240x32xf32, #tpu.memory_space<vmem_shared>> -> memref<128x32xf32, #tpu.memory_space<vmem_shared>>
      tpu.wait_dma2 semaphore(%arg15 : memref<!tpu.dma_semaphore, #tpu.memory_space<semaphore_mem>>) src(%dma_wait3A_1085 : memref<128x32xf32, #tpu.memory_space<vmem_shared>>) dst(%dma_wait3A_1082 : memref<128x32xf32, #tpu.memory_space<vmem>>)
      %dma_start3A_1086 = arith.constant 3 : i32
      %dma_start3A_1087 = arith.constant 0 : i32
      %dma_start3A_1088 = arith.constant 0 : i32
      %dma_start3A_1089 = tpu.memref_slice %arg9[%dma_start3A_1086, %dma_start3A_1087, %dma_start3A_1088] : memref<8x128x32xf32, #tpu.memory_space<vmem>> -> memref<1x128x32xf32, #tpu.memory_space<vmem>>
      %dma_start3A_1090 = tpu.memref_squeeze %dma_start3A_1089 : memref<1x128x32xf32, #tpu.memory_space<vmem>> -> memref<128x32xf32, #tpu.memory_space<vmem>>
      %dma_start3A_1091 = arith.constant 0 : i32
      %dma_start3A_1092 = tpu.memref_slice %arg8[%add3A_1042, %dma_start3A_1091] : memref<160x128xi32, #tpu.memory_space<vmem>> -> memref<1x128xi32, #tpu.memory_space<vmem>>
      %dma_start3A_1093 = tpu.memref_squeeze %dma_start3A_1092 : memref<1x128xi32, #tpu.memory_space<vmem>> -> memref<128xi32, #tpu.memory_space<vmem>>
      %dma_start3A_1094 = arith.constant 0 : i32
      %dma_start3A_1095 = arith.constant 0 : i32
      %dma_start3A_1096 = tpu.memref_slice %arg10[%dma_start3A_1094, %dma_start3A_1095] : memref<10240x32xf32, #tpu.memory_space<vmem_shared>> -> memref<10240x32xf32, #tpu.memory_space<vmem_shared>>
      tpu.enqueue_indirect_dma source(%dma_start3A_1090 : memref<128x32xf32, #tpu.memory_space<vmem>>) target(%dma_start3A_1096 : memref<10240x32xf32, #tpu.memory_space<vmem_shared>>) offsets(%dma_start3A_1093 : memref<128xi32, #tpu.memory_space<vmem>>) semaphore(%arg23 : memref<!tpu.dma_semaphore, #tpu.memory_space<semaphore_mem>>) {add = true}
      %add3A_1097 = arith.constant 4 : i32
      %add3A_1098 = arith.addi %add3A_872, %add3A_1097 : i32
      %dma_wait3A_1099 = arith.constant 2 : i32
      %dma_wait3A_1100 = arith.constant 0 : i32
      %dma_wait3A_1101 = arith.constant 0 : i32
      %dma_wait3A_1102 = tpu.memref_slice %arg9[%dma_wait3A_1099, %dma_wait3A_1100, %dma_wait3A_1101] : memref<8x128x32xf32, #tpu.memory_space<vmem>> -> memref<1x128x32xf32, #tpu.memory_space<vmem>>
      %dma_wait3A_1103 = tpu.memref_squeeze %dma_wait3A_1102 : memref<1x128x32xf32, #tpu.memory_space<vmem>> -> memref<128x32xf32, #tpu.memory_space<vmem>>
      %dma_wait3A_1104 = arith.constant 0 : i32
      %dma_wait3A_1105 = arith.constant 0 : i32
      %dma_wait3A_1106 = tpu.memref_slice %arg10[%dma_wait3A_1104, %dma_wait3A_1105] : memref<10240x32xf32, #tpu.memory_space<vmem_shared>> -> memref<128x32xf32, #tpu.memory_space<vmem_shared>>
      %dma_wait3A_1107 = arith.constant 0 : i32
      %dma_wait3A_1108 = arith.constant 0 : i32
      %dma_wait3A_1109 = tpu.memref_slice %arg10[%dma_wait3A_1107, %dma_wait3A_1108] : memref<10240x32xf32, #tpu.memory_space<vmem_shared>> -> memref<128x32xf32, #tpu.memory_space<vmem_shared>>
      %dma_wait3A_1110 = arith.constant 0 : i32
      %dma_wait3A_1111 = arith.constant 0 : i32
      %dma_wait3A_1112 = tpu.memref_slice %arg9[%dma_wait3A_1099, %dma_wait3A_1110, %dma_wait3A_1111] : memref<8x128x32xf32, #tpu.memory_space<vmem>> -> memref<1x128x32xf32, #tpu.memory_space<vmem>>
      %dma_wait3A_1113 = tpu.memref_squeeze %dma_wait3A_1112 : memref<1x128x32xf32, #tpu.memory_space<vmem>> -> memref<128x32xf32, #tpu.memory_space<vmem>>
      tpu.wait_dma2 semaphore(%arg22 : memref<!tpu.dma_semaphore, #tpu.memory_space<semaphore_mem>>) src(%dma_wait3A_1113 : memref<128x32xf32, #tpu.memory_space<vmem>>) dst(%dma_wait3A_1109 : memref<128x32xf32, #tpu.memory_space<vmem_shared>>)
      %add3A_1114 = arith.constant 6 : i32
      %add3A_1115 = arith.addi %add3A_1098, %add3A_1114 : i32
      %dma_start3A_1116 = arith.constant 2 : i32
      %dma_start3A_1117 = arith.constant 0 : i32
      %dma_start3A_1118 = arith.constant 0 : i32
      %dma_start3A_1119 = tpu.memref_slice %arg9[%dma_start3A_1116, %dma_start3A_1117, %dma_start3A_1118] : memref<8x128x32xf32, #tpu.memory_space<vmem>> -> memref<1x128x32xf32, #tpu.memory_space<vmem>>
      %dma_start3A_1120 = tpu.memref_squeeze %dma_start3A_1119 : memref<1x128x32xf32, #tpu.memory_space<vmem>> -> memref<128x32xf32, #tpu.memory_space<vmem>>
      %dma_start3A_1121 = arith.constant 0 : i32
      %dma_start3A_1122 = tpu.memref_slice %arg7[%add3A_1115, %dma_start3A_1121] : memref<160x128xi32, #tpu.memory_space<vmem>> -> memref<1x128xi32, #tpu.memory_space<vmem>>
      %dma_start3A_1123 = tpu.memref_squeeze %dma_start3A_1122 : memref<1x128xi32, #tpu.memory_space<vmem>> -> memref<128xi32, #tpu.memory_space<vmem>>
      %dma_start3A_1124 = arith.constant 0 : i32
      %dma_start3A_1125 = arith.constant 0 : i32
      %dma_start3A_1126 = tpu.memref_slice %arg11[%dma_start3A_1124, %dma_start3A_1125] : memref<10240x32xf32, #tpu.memory_space<vmem_shared>> -> memref<10240x32xf32, #tpu.memory_space<vmem_shared>>
      tpu.enqueue_indirect_dma source(%dma_start3A_1126 : memref<10240x32xf32, #tpu.memory_space<vmem_shared>>) target(%dma_start3A_1120 : memref<128x32xf32, #tpu.memory_space<vmem>>) offsets(%dma_start3A_1123 : memref<128xi32, #tpu.memory_space<vmem>>) semaphore(%arg14 : memref<!tpu.dma_semaphore, #tpu.memory_space<semaphore_mem>>)
      %dma_wait3A_1127 = arith.constant 4 : i32
      %dma_wait3A_1128 = arith.constant 0 : i32
      %dma_wait3A_1129 = arith.constant 0 : i32
      %dma_wait3A_1130 = tpu.memref_slice %arg9[%dma_wait3A_1127, %dma_wait3A_1128, %dma_wait3A_1129] : memref<8x128x32xf32, #tpu.memory_space<vmem>> -> memref<1x128x32xf32, #tpu.memory_space<vmem>>
      %dma_wait3A_1131 = tpu.memref_squeeze %dma_wait3A_1130 : memref<1x128x32xf32, #tpu.memory_space<vmem>> -> memref<128x32xf32, #tpu.memory_space<vmem>>
      %dma_wait3A_1132 = arith.constant 0 : i32
      %dma_wait3A_1133 = arith.constant 0 : i32
      %dma_wait3A_1134 = tpu.memref_slice %arg11[%dma_wait3A_1132, %dma_wait3A_1133] : memref<10240x32xf32, #tpu.memory_space<vmem_shared>> -> memref<128x32xf32, #tpu.memory_space<vmem_shared>>
      %dma_wait3A_1135 = arith.constant 0 : i32
      %dma_wait3A_1136 = arith.constant 0 : i32
      %dma_wait3A_1137 = tpu.memref_slice %arg9[%dma_wait3A_1127, %dma_wait3A_1135, %dma_wait3A_1136] : memref<8x128x32xf32, #tpu.memory_space<vmem>> -> memref<1x128x32xf32, #tpu.memory_space<vmem>>
      %dma_wait3A_1138 = tpu.memref_squeeze %dma_wait3A_1137 : memref<1x128x32xf32, #tpu.memory_space<vmem>> -> memref<128x32xf32, #tpu.memory_space<vmem>>
      %dma_wait3A_1139 = arith.constant 0 : i32
      %dma_wait3A_1140 = arith.constant 0 : i32
      %dma_wait3A_1141 = tpu.memref_slice %arg11[%dma_wait3A_1139, %dma_wait3A_1140] : memref<10240x32xf32, #tpu.memory_space<vmem_shared>> -> memref<128x32xf32, #tpu.memory_space<vmem_shared>>
      tpu.wait_dma2 semaphore(%arg16 : memref<!tpu.dma_semaphore, #tpu.memory_space<semaphore_mem>>) src(%dma_wait3A_1141 : memref<128x32xf32, #tpu.memory_space<vmem_shared>>) dst(%dma_wait3A_1138 : memref<128x32xf32, #tpu.memory_space<vmem>>)
      %dma_start3A_1142 = arith.constant 4 : i32
      %dma_start3A_1143 = arith.constant 0 : i32
      %dma_start3A_1144 = arith.constant 0 : i32
      %dma_start3A_1145 = tpu.memref_slice %arg9[%dma_start3A_1142, %dma_start3A_1143, %dma_start3A_1144] : memref<8x128x32xf32, #tpu.memory_space<vmem>> -> memref<1x128x32xf32, #tpu.memory_space<vmem>>
      %dma_start3A_1146 = tpu.memref_squeeze %dma_start3A_1145 : memref<1x128x32xf32, #tpu.memory_space<vmem>> -> memref<128x32xf32, #tpu.memory_space<vmem>>
      %dma_start3A_1147 = arith.constant 0 : i32
      %dma_start3A_1148 = tpu.memref_slice %arg8[%add3A_1098, %dma_start3A_1147] : memref<160x128xi32, #tpu.memory_space<vmem>> -> memref<1x128xi32, #tpu.memory_space<vmem>>
      %dma_start3A_1149 = tpu.memref_squeeze %dma_start3A_1148 : memref<1x128xi32, #tpu.memory_space<vmem>> -> memref<128xi32, #tpu.memory_space<vmem>>
      %dma_start3A_1150 = arith.constant 0 : i32
      %dma_start3A_1151 = arith.constant 0 : i32
      %dma_start3A_1152 = tpu.memref_slice %arg10[%dma_start3A_1150, %dma_start3A_1151] : memref<10240x32xf32, #tpu.memory_space<vmem_shared>> -> memref<10240x32xf32, #tpu.memory_space<vmem_shared>>
      tpu.enqueue_indirect_dma source(%dma_start3A_1146 : memref<128x32xf32, #tpu.memory_space<vmem>>) target(%dma_start3A_1152 : memref<10240x32xf32, #tpu.memory_space<vmem_shared>>) offsets(%dma_start3A_1149 : memref<128xi32, #tpu.memory_space<vmem>>) semaphore(%arg24 : memref<!tpu.dma_semaphore, #tpu.memory_space<semaphore_mem>>) {add = true}
      %add3A_1153 = arith.constant 5 : i32
      %add3A_1154 = arith.addi %add3A_872, %add3A_1153 : i32
      %dma_wait3A_1155 = arith.constant 3 : i32
      %dma_wait3A_1156 = arith.constant 0 : i32
      %dma_wait3A_1157 = arith.constant 0 : i32
      %dma_wait3A_1158 = tpu.memref_slice %arg9[%dma_wait3A_1155, %dma_wait3A_1156, %dma_wait3A_1157] : memref<8x128x32xf32, #tpu.memory_space<vmem>> -> memref<1x128x32xf32, #tpu.memory_space<vmem>>
      %dma_wait3A_1159 = tpu.memref_squeeze %dma_wait3A_1158 : memref<1x128x32xf32, #tpu.memory_space<vmem>> -> memref<128x32xf32, #tpu.memory_space<vmem>>
      %dma_wait3A_1160 = arith.constant 0 : i32
      %dma_wait3A_1161 = arith.constant 0 : i32
      %dma_wait3A_1162 = tpu.memref_slice %arg10[%dma_wait3A_1160, %dma_wait3A_1161] : memref<10240x32xf32, #tpu.memory_space<vmem_shared>> -> memref<128x32xf32, #tpu.memory_space<vmem_shared>>
      %dma_wait3A_1163 = arith.constant 0 : i32
      %dma_wait3A_1164 = arith.constant 0 : i32
      %dma_wait3A_1165 = tpu.memref_slice %arg10[%dma_wait3A_1163, %dma_wait3A_1164] : memref<10240x32xf32, #tpu.memory_space<vmem_shared>> -> memref<128x32xf32, #tpu.memory_space<vmem_shared>>
      %dma_wait3A_1166 = arith.constant 0 : i32
      %dma_wait3A_1167 = arith.constant 0 : i32
      %dma_wait3A_1168 = tpu.memref_slice %arg9[%dma_wait3A_1155, %dma_wait3A_1166, %dma_wait3A_1167] : memref<8x128x32xf32, #tpu.memory_space<vmem>> -> memref<1x128x32xf32, #tpu.memory_space<vmem>>
      %dma_wait3A_1169 = tpu.memref_squeeze %dma_wait3A_1168 : memref<1x128x32xf32, #tpu.memory_space<vmem>> -> memref<128x32xf32, #tpu.memory_space<vmem>>
      tpu.wait_dma2 semaphore(%arg23 : memref<!tpu.dma_semaphore, #tpu.memory_space<semaphore_mem>>) src(%dma_wait3A_1169 : memref<128x32xf32, #tpu.memory_space<vmem>>) dst(%dma_wait3A_1165 : memref<128x32xf32, #tpu.memory_space<vmem_shared>>)
      %add3A_1170 = arith.constant 6 : i32
      %add3A_1171 = arith.addi %add3A_1154, %add3A_1170 : i32
      %dma_start3A_1172 = arith.constant 3 : i32
      %dma_start3A_1173 = arith.constant 0 : i32
      %dma_start3A_1174 = arith.constant 0 : i32
      %dma_start3A_1175 = tpu.memref_slice %arg9[%dma_start3A_1172, %dma_start3A_1173, %dma_start3A_1174] : memref<8x128x32xf32, #tpu.memory_space<vmem>> -> memref<1x128x32xf32, #tpu.memory_space<vmem>>
      %dma_start3A_1176 = tpu.memref_squeeze %dma_start3A_1175 : memref<1x128x32xf32, #tpu.memory_space<vmem>> -> memref<128x32xf32, #tpu.memory_space<vmem>>
      %dma_start3A_1177 = arith.constant 0 : i32
      %dma_start3A_1178 = tpu.memref_slice %arg7[%add3A_1171, %dma_start3A_1177] : memref<160x128xi32, #tpu.memory_space<vmem>> -> memref<1x128xi32, #tpu.memory_space<vmem>>
      %dma_start3A_1179 = tpu.memref_squeeze %dma_start3A_1178 : memref<1x128xi32, #tpu.memory_space<vmem>> -> memref<128xi32, #tpu.memory_space<vmem>>
      %dma_start3A_1180 = arith.constant 0 : i32
      %dma_start3A_1181 = arith.constant 0 : i32
      %dma_start3A_1182 = tpu.memref_slice %arg11[%dma_start3A_1180, %dma_start3A_1181] : memref<10240x32xf32, #tpu.memory_space<vmem_shared>> -> memref<10240x32xf32, #tpu.memory_space<vmem_shared>>
      tpu.enqueue_indirect_dma source(%dma_start3A_1182 : memref<10240x32xf32, #tpu.memory_space<vmem_shared>>) target(%dma_start3A_1176 : memref<128x32xf32, #tpu.memory_space<vmem>>) offsets(%dma_start3A_1179 : memref<128xi32, #tpu.memory_space<vmem>>) semaphore(%arg15 : memref<!tpu.dma_semaphore, #tpu.memory_space<semaphore_mem>>)
      %dma_wait3A_1183 = arith.constant 5 : i32
      %dma_wait3A_1184 = arith.constant 0 : i32
      %dma_wait3A_1185 = arith.constant 0 : i32
      %dma_wait3A_1186 = tpu.memref_slice %arg9[%dma_wait3A_1183, %dma_wait3A_1184, %dma_wait3A_1185] : memref<8x128x32xf32, #tpu.memory_space<vmem>> -> memref<1x128x32xf32, #tpu.memory_space<vmem>>
      %dma_wait3A_1187 = tpu.memref_squeeze %dma_wait3A_1186 : memref<1x128x32xf32, #tpu.memory_space<vmem>> -> memref<128x32xf32, #tpu.memory_space<vmem>>
      %dma_wait3A_1188 = arith.constant 0 : i32
      %dma_wait3A_1189 = arith.constant 0 : i32
      %dma_wait3A_1190 = tpu.memref_slice %arg11[%dma_wait3A_1188, %dma_wait3A_1189] : memref<10240x32xf32, #tpu.memory_space<vmem_shared>> -> memref<128x32xf32, #tpu.memory_space<vmem_shared>>
      %dma_wait3A_1191 = arith.constant 0 : i32
      %dma_wait3A_1192 = arith.constant 0 : i32
      %dma_wait3A_1193 = tpu.memref_slice %arg9[%dma_wait3A_1183, %dma_wait3A_1191, %dma_wait3A_1192] : memref<8x128x32xf32, #tpu.memory_space<vmem>> -> memref<1x128x32xf32, #tpu.memory_space<vmem>>
      %dma_wait3A_1194 = tpu.memref_squeeze %dma_wait3A_1193 : memref<1x128x32xf32, #tpu.memory_space<vmem>> -> memref<128x32xf32, #tpu.memory_space<vmem>>
      %dma_wait3A_1195 = arith.constant 0 : i32
      %dma_wait3A_1196 = arith.constant 0 : i32
      %dma_wait3A_1197 = tpu.memref_slice %arg11[%dma_wait3A_1195, %dma_wait3A_1196] : memref<10240x32xf32, #tpu.memory_space<vmem_shared>> -> memref<128x32xf32, #tpu.memory_space<vmem_shared>>
      tpu.wait_dma2 semaphore(%arg17 : memref<!tpu.dma_semaphore, #tpu.memory_space<semaphore_mem>>) src(%dma_wait3A_1197 : memref<128x32xf32, #tpu.memory_space<vmem_shared>>) dst(%dma_wait3A_1194 : memref<128x32xf32, #tpu.memory_space<vmem>>)
      %dma_start3A_1198 = arith.constant 5 : i32
      %dma_start3A_1199 = arith.constant 0 : i32
      %dma_start3A_1200 = arith.constant 0 : i32
      %dma_start3A_1201 = tpu.memref_slice %arg9[%dma_start3A_1198, %dma_start3A_1199, %dma_start3A_1200] : memref<8x128x32xf32, #tpu.memory_space<vmem>> -> memref<1x128x32xf32, #tpu.memory_space<vmem>>
      %dma_start3A_1202 = tpu.memref_squeeze %dma_start3A_1201 : memref<1x128x32xf32, #tpu.memory_space<vmem>> -> memref<128x32xf32, #tpu.memory_space<vmem>>
      %dma_start3A_1203 = arith.constant 0 : i32
      %dma_start3A_1204 = tpu.memref_slice %arg8[%add3A_1154, %dma_start3A_1203] : memref<160x128xi32, #tpu.memory_space<vmem>> -> memref<1x128xi32, #tpu.memory_space<vmem>>
      %dma_start3A_1205 = tpu.memref_squeeze %dma_start3A_1204 : memref<1x128xi32, #tpu.memory_space<vmem>> -> memref<128xi32, #tpu.memory_space<vmem>>
      %dma_start3A_1206 = arith.constant 0 : i32
      %dma_start3A_1207 = arith.constant 0 : i32
      %dma_start3A_1208 = tpu.memref_slice %arg10[%dma_start3A_1206, %dma_start3A_1207] : memref<10240x32xf32, #tpu.memory_space<vmem_shared>> -> memref<10240x32xf32, #tpu.memory_space<vmem_shared>>
      tpu.enqueue_indirect_dma source(%dma_start3A_1202 : memref<128x32xf32, #tpu.memory_space<vmem>>) target(%dma_start3A_1208 : memref<10240x32xf32, #tpu.memory_space<vmem_shared>>) offsets(%dma_start3A_1205 : memref<128xi32, #tpu.memory_space<vmem>>) semaphore(%arg25 : memref<!tpu.dma_semaphore, #tpu.memory_space<semaphore_mem>>) {add = true}
      %add3A_1209 = arith.constant 6 : i32
      %add3A_1210 = arith.addi %add3A_872, %add3A_1209 : i32
      %dma_wait3A_1211 = arith.constant 4 : i32
      %dma_wait3A_1212 = arith.constant 0 : i32
      %dma_wait3A_1213 = arith.constant 0 : i32
      %dma_wait3A_1214 = tpu.memref_slice %arg9[%dma_wait3A_1211, %dma_wait3A_1212, %dma_wait3A_1213] : memref<8x128x32xf32, #tpu.memory_space<vmem>> -> memref<1x128x32xf32, #tpu.memory_space<vmem>>
      %dma_wait3A_1215 = tpu.memref_squeeze %dma_wait3A_1214 : memref<1x128x32xf32, #tpu.memory_space<vmem>> -> memref<128x32xf32, #tpu.memory_space<vmem>>
      %dma_wait3A_1216 = arith.constant 0 : i32
      %dma_wait3A_1217 = arith.constant 0 : i32
      %dma_wait3A_1218 = tpu.memref_slice %arg10[%dma_wait3A_1216, %dma_wait3A_1217] : memref<10240x32xf32, #tpu.memory_space<vmem_shared>> -> memref<128x32xf32, #tpu.memory_space<vmem_shared>>
      %dma_wait3A_1219 = arith.constant 0 : i32
      %dma_wait3A_1220 = arith.constant 0 : i32
      %dma_wait3A_1221 = tpu.memref_slice %arg10[%dma_wait3A_1219, %dma_wait3A_1220] : memref<10240x32xf32, #tpu.memory_space<vmem_shared>> -> memref<128x32xf32, #tpu.memory_space<vmem_shared>>
      %dma_wait3A_1222 = arith.constant 0 : i32
      %dma_wait3A_1223 = arith.constant 0 : i32
      %dma_wait3A_1224 = tpu.memref_slice %arg9[%dma_wait3A_1211, %dma_wait3A_1222, %dma_wait3A_1223] : memref<8x128x32xf32, #tpu.memory_space<vmem>> -> memref<1x128x32xf32, #tpu.memory_space<vmem>>
      %dma_wait3A_1225 = tpu.memref_squeeze %dma_wait3A_1224 : memref<1x128x32xf32, #tpu.memory_space<vmem>> -> memref<128x32xf32, #tpu.memory_space<vmem>>
      tpu.wait_dma2 semaphore(%arg24 : memref<!tpu.dma_semaphore, #tpu.memory_space<semaphore_mem>>) src(%dma_wait3A_1225 : memref<128x32xf32, #tpu.memory_space<vmem>>) dst(%dma_wait3A_1221 : memref<128x32xf32, #tpu.memory_space<vmem_shared>>)
      %add3A_1226 = arith.constant 6 : i32
      %add3A_1227 = arith.addi %add3A_1210, %add3A_1226 : i32
      %dma_start3A_1228 = arith.constant 4 : i32
      %dma_start3A_1229 = arith.constant 0 : i32
      %dma_start3A_1230 = arith.constant 0 : i32
      %dma_start3A_1231 = tpu.memref_slice %arg9[%dma_start3A_1228, %dma_start3A_1229, %dma_start3A_1230] : memref<8x128x32xf32, #tpu.memory_space<vmem>> -> memref<1x128x32xf32, #tpu.memory_space<vmem>>
      %dma_start3A_1232 = tpu.memref_squeeze %dma_start3A_1231 : memref<1x128x32xf32, #tpu.memory_space<vmem>> -> memref<128x32xf32, #tpu.memory_space<vmem>>
      %dma_start3A_1233 = arith.constant 0 : i32
      %dma_start3A_1234 = tpu.memref_slice %arg7[%add3A_1227, %dma_start3A_1233] : memref<160x128xi32, #tpu.memory_space<vmem>> -> memref<1x128xi32, #tpu.memory_space<vmem>>
      %dma_start3A_1235 = tpu.memref_squeeze %dma_start3A_1234 : memref<1x128xi32, #tpu.memory_space<vmem>> -> memref<128xi32, #tpu.memory_space<vmem>>
      %dma_start3A_1236 = arith.constant 0 : i32
      %dma_start3A_1237 = arith.constant 0 : i32
      %dma_start3A_1238 = tpu.memref_slice %arg11[%dma_start3A_1236, %dma_start3A_1237] : memref<10240x32xf32, #tpu.memory_space<vmem_shared>> -> memref<10240x32xf32, #tpu.memory_space<vmem_shared>>
      tpu.enqueue_indirect_dma source(%dma_start3A_1238 : memref<10240x32xf32, #tpu.memory_space<vmem_shared>>) target(%dma_start3A_1232 : memref<128x32xf32, #tpu.memory_space<vmem>>) offsets(%dma_start3A_1235 : memref<128xi32, #tpu.memory_space<vmem>>) semaphore(%arg16 : memref<!tpu.dma_semaphore, #tpu.memory_space<semaphore_mem>>)
      %dma_wait3A_1239 = arith.constant 6 : i32
      %dma_wait3A_1240 = arith.constant 0 : i32
      %dma_wait3A_1241 = arith.constant 0 : i32
      %dma_wait3A_1242 = tpu.memref_slice %arg9[%dma_wait3A_1239, %dma_wait3A_1240, %dma_wait3A_1241] : memref<8x128x32xf32, #tpu.memory_space<vmem>> -> memref<1x128x32xf32, #tpu.memory_space<vmem>>
      %dma_wait3A_1243 = tpu.memref_squeeze %dma_wait3A_1242 : memref<1x128x32xf32, #tpu.memory_space<vmem>> -> memref<128x32xf32, #tpu.memory_space<vmem>>
      %dma_wait3A_1244 = arith.constant 0 : i32
      %dma_wait3A_1245 = arith.constant 0 : i32
      %dma_wait3A_1246 = tpu.memref_slice %arg11[%dma_wait3A_1244, %dma_wait3A_1245] : memref<10240x32xf32, #tpu.memory_space<vmem_shared>> -> memref<128x32xf32, #tpu.memory_space<vmem_shared>>
      %dma_wait3A_1247 = arith.constant 0 : i32
      %dma_wait3A_1248 = arith.constant 0 : i32
      %dma_wait3A_1249 = tpu.memref_slice %arg9[%dma_wait3A_1239, %dma_wait3A_1247, %dma_wait3A_1248] : memref<8x128x32xf32, #tpu.memory_space<vmem>> -> memref<1x128x32xf32, #tpu.memory_space<vmem>>
      %dma_wait3A_1250 = tpu.memref_squeeze %dma_wait3A_1249 : memref<1x128x32xf32, #tpu.memory_space<vmem>> -> memref<128x32xf32, #tpu.memory_space<vmem>>
      %dma_wait3A_1251 = arith.constant 0 : i32
      %dma_wait3A_1252 = arith.constant 0 : i32
      %dma_wait3A_1253 = tpu.memref_slice %arg11[%dma_wait3A_1251, %dma_wait3A_1252] : memref<10240x32xf32, #tpu.memory_space<vmem_shared>> -> memref<128x32xf32, #tpu.memory_space<vmem_shared>>
      tpu.wait_dma2 semaphore(%arg18 : memref<!tpu.dma_semaphore, #tpu.memory_space<semaphore_mem>>) src(%dma_wait3A_1253 : memref<128x32xf32, #tpu.memory_space<vmem_shared>>) dst(%dma_wait3A_1250 : memref<128x32xf32, #tpu.memory_space<vmem>>)
      %dma_start3A_1254 = arith.constant 6 : i32
      %dma_start3A_1255 = arith.constant 0 : i32
      %dma_start3A_1256 = arith.constant 0 : i32
      %dma_start3A_1257 = tpu.memref_slice %arg9[%dma_start3A_1254, %dma_start3A_1255, %dma_start3A_1256] : memref<8x128x32xf32, #tpu.memory_space<vmem>> -> memref<1x128x32xf32, #tpu.memory_space<vmem>>
      %dma_start3A_1258 = tpu.memref_squeeze %dma_start3A_1257 : memref<1x128x32xf32, #tpu.memory_space<vmem>> -> memref<128x32xf32, #tpu.memory_space<vmem>>
      %dma_start3A_1259 = arith.constant 0 : i32
      %dma_start3A_1260 = tpu.memref_slice %arg8[%add3A_1210, %dma_start3A_1259] : memref<160x128xi32, #tpu.memory_space<vmem>> -> memref<1x128xi32, #tpu.memory_space<vmem>>
      %dma_start3A_1261 = tpu.memref_squeeze %dma_start3A_1260 : memref<1x128xi32, #tpu.memory_space<vmem>> -> memref<128xi32, #tpu.memory_space<vmem>>
      %dma_start3A_1262 = arith.constant 0 : i32
      %dma_start3A_1263 = arith.constant 0 : i32
      %dma_start3A_1264 = tpu.memref_slice %arg10[%dma_start3A_1262, %dma_start3A_1263] : memref<10240x32xf32, #tpu.memory_space<vmem_shared>> -> memref<10240x32xf32, #tpu.memory_space<vmem_shared>>
      tpu.enqueue_indirect_dma source(%dma_start3A_1258 : memref<128x32xf32, #tpu.memory_space<vmem>>) target(%dma_start3A_1264 : memref<10240x32xf32, #tpu.memory_space<vmem_shared>>) offsets(%dma_start3A_1261 : memref<128xi32, #tpu.memory_space<vmem>>) semaphore(%arg26 : memref<!tpu.dma_semaphore, #tpu.memory_space<semaphore_mem>>) {add = true}
      %add3A_1265 = arith.constant 7 : i32
      %add3A_1266 = arith.addi %add3A_872, %add3A_1265 : i32
      %dma_wait3A_1267 = arith.constant 5 : i32
      %dma_wait3A_1268 = arith.constant 0 : i32
      %dma_wait3A_1269 = arith.constant 0 : i32
      %dma_wait3A_1270 = tpu.memref_slice %arg9[%dma_wait3A_1267, %dma_wait3A_1268, %dma_wait3A_1269] : memref<8x128x32xf32, #tpu.memory_space<vmem>> -> memref<1x128x32xf32, #tpu.memory_space<vmem>>
      %dma_wait3A_1271 = tpu.memref_squeeze %dma_wait3A_1270 : memref<1x128x32xf32, #tpu.memory_space<vmem>> -> memref<128x32xf32, #tpu.memory_space<vmem>>
      %dma_wait3A_1272 = arith.constant 0 : i32
      %dma_wait3A_1273 = arith.constant 0 : i32
      %dma_wait3A_1274 = tpu.memref_slice %arg10[%dma_wait3A_1272, %dma_wait3A_1273] : memref<10240x32xf32, #tpu.memory_space<vmem_shared>> -> memref<128x32xf32, #tpu.memory_space<vmem_shared>>
      %dma_wait3A_1275 = arith.constant 0 : i32
      %dma_wait3A_1276 = arith.constant 0 : i32
      %dma_wait3A_1277 = tpu.memref_slice %arg10[%dma_wait3A_1275, %dma_wait3A_1276] : memref<10240x32xf32, #tpu.memory_space<vmem_shared>> -> memref<128x32xf32, #tpu.memory_space<vmem_shared>>
      %dma_wait3A_1278 = arith.constant 0 : i32
      %dma_wait3A_1279 = arith.constant 0 : i32
      %dma_wait3A_1280 = tpu.memref_slice %arg9[%dma_wait3A_1267, %dma_wait3A_1278, %dma_wait3A_1279] : memref<8x128x32xf32, #tpu.memory_space<vmem>> -> memref<1x128x32xf32, #tpu.memory_space<vmem>>
      %dma_wait3A_1281 = tpu.memref_squeeze %dma_wait3A_1280 : memref<1x128x32xf32, #tpu.memory_space<vmem>> -> memref<128x32xf32, #tpu.memory_space<vmem>>
      tpu.wait_dma2 semaphore(%arg25 : memref<!tpu.dma_semaphore, #tpu.memory_space<semaphore_mem>>) src(%dma_wait3A_1281 : memref<128x32xf32, #tpu.memory_space<vmem>>) dst(%dma_wait3A_1277 : memref<128x32xf32, #tpu.memory_space<vmem_shared>>)
      %add3A_1282 = arith.constant 6 : i32
      %add3A_1283 = arith.addi %add3A_1266, %add3A_1282 : i32
      %dma_start3A_1284 = arith.constant 5 : i32
      %dma_start3A_1285 = arith.constant 0 : i32
      %dma_start3A_1286 = arith.constant 0 : i32
      %dma_start3A_1287 = tpu.memref_slice %arg9[%dma_start3A_1284, %dma_start3A_1285, %dma_start3A_1286] : memref<8x128x32xf32, #tpu.memory_space<vmem>> -> memref<1x128x32xf32, #tpu.memory_space<vmem>>
      %dma_start3A_1288 = tpu.memref_squeeze %dma_start3A_1287 : memref<1x128x32xf32, #tpu.memory_space<vmem>> -> memref<128x32xf32, #tpu.memory_space<vmem>>
      %dma_start3A_1289 = arith.constant 0 : i32
      %dma_start3A_1290 = tpu.memref_slice %arg7[%add3A_1283, %dma_start3A_1289] : memref<160x128xi32, #tpu.memory_space<vmem>> -> memref<1x128xi32, #tpu.memory_space<vmem>>
      %dma_start3A_1291 = tpu.memref_squeeze %dma_start3A_1290 : memref<1x128xi32, #tpu.memory_space<vmem>> -> memref<128xi32, #tpu.memory_space<vmem>>
      %dma_start3A_1292 = arith.constant 0 : i32
      %dma_start3A_1293 = arith.constant 0 : i32
      %dma_start3A_1294 = tpu.memref_slice %arg11[%dma_start3A_1292, %dma_start3A_1293] : memref<10240x32xf32, #tpu.memory_space<vmem_shared>> -> memref<10240x32xf32, #tpu.memory_space<vmem_shared>>
      tpu.enqueue_indirect_dma source(%dma_start3A_1294 : memref<10240x32xf32, #tpu.memory_space<vmem_shared>>) target(%dma_start3A_1288 : memref<128x32xf32, #tpu.memory_space<vmem>>) offsets(%dma_start3A_1291 : memref<128xi32, #tpu.memory_space<vmem>>) semaphore(%arg17 : memref<!tpu.dma_semaphore, #tpu.memory_space<semaphore_mem>>)
      %dma_wait3A_1295 = arith.constant 7 : i32
      %dma_wait3A_1296 = arith.constant 0 : i32
      %dma_wait3A_1297 = arith.constant 0 : i32
      %dma_wait3A_1298 = tpu.memref_slice %arg9[%dma_wait3A_1295, %dma_wait3A_1296, %dma_wait3A_1297] : memref<8x128x32xf32, #tpu.memory_space<vmem>> -> memref<1x128x32xf32, #tpu.memory_space<vmem>>
      %dma_wait3A_1299 = tpu.memref_squeeze %dma_wait3A_1298 : memref<1x128x32xf32, #tpu.memory_space<vmem>> -> memref<128x32xf32, #tpu.memory_space<vmem>>
      %dma_wait3A_1300 = arith.constant 0 : i32
      %dma_wait3A_1301 = arith.constant 0 : i32
      %dma_wait3A_1302 = tpu.memref_slice %arg11[%dma_wait3A_1300, %dma_wait3A_1301] : memref<10240x32xf32, #tpu.memory_space<vmem_shared>> -> memref<128x32xf32, #tpu.memory_space<vmem_shared>>
      %dma_wait3A_1303 = arith.constant 0 : i32
      %dma_wait3A_1304 = arith.constant 0 : i32
      %dma_wait3A_1305 = tpu.memref_slice %arg9[%dma_wait3A_1295, %dma_wait3A_1303, %dma_wait3A_1304] : memref<8x128x32xf32, #tpu.memory_space<vmem>> -> memref<1x128x32xf32, #tpu.memory_space<vmem>>
      %dma_wait3A_1306 = tpu.memref_squeeze %dma_wait3A_1305 : memref<1x128x32xf32, #tpu.memory_space<vmem>> -> memref<128x32xf32, #tpu.memory_space<vmem>>
      %dma_wait3A_1307 = arith.constant 0 : i32
      %dma_wait3A_1308 = arith.constant 0 : i32
      %dma_wait3A_1309 = tpu.memref_slice %arg11[%dma_wait3A_1307, %dma_wait3A_1308] : memref<10240x32xf32, #tpu.memory_space<vmem_shared>> -> memref<128x32xf32, #tpu.memory_space<vmem_shared>>
      tpu.wait_dma2 semaphore(%arg19 : memref<!tpu.dma_semaphore, #tpu.memory_space<semaphore_mem>>) src(%dma_wait3A_1309 : memref<128x32xf32, #tpu.memory_space<vmem_shared>>) dst(%dma_wait3A_1306 : memref<128x32xf32, #tpu.memory_space<vmem>>)
      %dma_start3A_1310 = arith.constant 7 : i32
      %dma_start3A_1311 = arith.constant 0 : i32
      %dma_start3A_1312 = arith.constant 0 : i32
      %dma_start3A_1313 = tpu.memref_slice %arg9[%dma_start3A_1310, %dma_start3A_1311, %dma_start3A_1312] : memref<8x128x32xf32, #tpu.memory_space<vmem>> -> memref<1x128x32xf32, #tpu.memory_space<vmem>>
      %dma_start3A_1314 = tpu.memref_squeeze %dma_start3A_1313 : memref<1x128x32xf32, #tpu.memory_space<vmem>> -> memref<128x32xf32, #tpu.memory_space<vmem>>
      %dma_start3A_1315 = arith.constant 0 : i32
      %dma_start3A_1316 = tpu.memref_slice %arg8[%add3A_1266, %dma_start3A_1315] : memref<160x128xi32, #tpu.memory_space<vmem>> -> memref<1x128xi32, #tpu.memory_space<vmem>>
      %dma_start3A_1317 = tpu.memref_squeeze %dma_start3A_1316 : memref<1x128xi32, #tpu.memory_space<vmem>> -> memref<128xi32, #tpu.memory_space<vmem>>
      %dma_start3A_1318 = arith.constant 0 : i32
      %dma_start3A_1319 = arith.constant 0 : i32
      %dma_start3A_1320 = tpu.memref_slice %arg10[%dma_start3A_1318, %dma_start3A_1319] : memref<10240x32xf32, #tpu.memory_space<vmem_shared>> -> memref<10240x32xf32, #tpu.memory_space<vmem_shared>>
      tpu.enqueue_indirect_dma source(%dma_start3A_1314 : memref<128x32xf32, #tpu.memory_space<vmem>>) target(%dma_start3A_1320 : memref<10240x32xf32, #tpu.memory_space<vmem_shared>>) offsets(%dma_start3A_1317 : memref<128xi32, #tpu.memory_space<vmem>>) semaphore(%arg27 : memref<!tpu.dma_semaphore, #tpu.memory_space<semaphore_mem>>) {add = true}
    }
    %scan3A_477 = arith.constant 18 : i32
    %dma_wait3A_478 = arith.constant 6 : i32
    %dma_wait3A_479 = arith.constant 0 : i32
    %dma_wait3A_480 = arith.constant 0 : i32
    %dma_wait3A_481 = tpu.memref_slice %arg9[%dma_wait3A_478, %dma_wait3A_479, %dma_wait3A_480] : memref<8x128x32xf32, #tpu.memory_space<vmem>> -> memref<1x128x32xf32, #tpu.memory_space<vmem>>
    %dma_wait3A_482 = tpu.memref_squeeze %dma_wait3A_481 : memref<1x128x32xf32, #tpu.memory_space<vmem>> -> memref<128x32xf32, #tpu.memory_space<vmem>>
    %dma_wait3A_483 = arith.constant 0 : i32
    %dma_wait3A_484 = arith.constant 0 : i32
    %dma_wait3A_485 = tpu.memref_slice %arg10[%dma_wait3A_483, %dma_wait3A_484] : memref<10240x32xf32, #tpu.memory_space<vmem_shared>> -> memref<128x32xf32, #tpu.memory_space<vmem_shared>>
    %dma_wait3A_486 = arith.constant 0 : i32
    %dma_wait3A_487 = arith.constant 0 : i32
    %dma_wait3A_488 = tpu.memref_slice %arg10[%dma_wait3A_486, %dma_wait3A_487] : memref<10240x32xf32, #tpu.memory_space<vmem_shared>> -> memref<128x32xf32, #tpu.memory_space<vmem_shared>>
    %dma_wait3A_489 = arith.constant 0 : i32
    %dma_wait3A_490 = arith.constant 0 : i32
    %dma_wait3A_491 = tpu.memref_slice %arg9[%dma_wait3A_478, %dma_wait3A_489, %dma_wait3A_490] : memref<8x128x32xf32, #tpu.memory_space<vmem>> -> memref<1x128x32xf32, #tpu.memory_space<vmem>>
    %dma_wait3A_492 = tpu.memref_squeeze %dma_wait3A_491 : memref<1x128x32xf32, #tpu.memory_space<vmem>> -> memref<128x32xf32, #tpu.memory_space<vmem>>
    tpu.wait_dma2 semaphore(%arg26 : memref<!tpu.dma_semaphore, #tpu.memory_space<semaphore_mem>>) src(%dma_wait3A_492 : memref<128x32xf32, #tpu.memory_space<vmem>>) dst(%dma_wait3A_488 : memref<128x32xf32, #tpu.memory_space<vmem_shared>>)
    %dma_start3A_493 = arith.constant 158 : i32
    %dma_start3A_494 = arith.constant 6 : i32
    %dma_start3A_495 = arith.constant 0 : i32
    %dma_start3A_496 = arith.constant 0 : i32
    %dma_start3A_497 = tpu.memref_slice %arg9[%dma_start3A_494, %dma_start3A_495, %dma_start3A_496] : memref<8x128x32xf32, #tpu.memory_space<vmem>> -> memref<1x128x32xf32, #tpu.memory_space<vmem>>
    %dma_start3A_498 = tpu.memref_squeeze %dma_start3A_497 : memref<1x128x32xf32, #tpu.memory_space<vmem>> -> memref<128x32xf32, #tpu.memory_space<vmem>>
    %dma_start3A_499 = arith.constant 0 : i32
    %dma_start3A_500 = tpu.memref_slice %arg7[%dma_start3A_493, %dma_start3A_499] : memref<160x128xi32, #tpu.memory_space<vmem>> -> memref<1x128xi32, #tpu.memory_space<vmem>>
    %dma_start3A_501 = tpu.memref_squeeze %dma_start3A_500 : memref<1x128xi32, #tpu.memory_space<vmem>> -> memref<128xi32, #tpu.memory_space<vmem>>
    %dma_start3A_502 = arith.constant 0 : i32
    %dma_start3A_503 = arith.constant 0 : i32
    %dma_start3A_504 = tpu.memref_slice %arg11[%dma_start3A_502, %dma_start3A_503] : memref<10240x32xf32, #tpu.memory_space<vmem_shared>> -> memref<10240x32xf32, #tpu.memory_space<vmem_shared>>
    tpu.enqueue_indirect_dma source(%dma_start3A_504 : memref<10240x32xf32, #tpu.memory_space<vmem_shared>>) target(%dma_start3A_498 : memref<128x32xf32, #tpu.memory_space<vmem>>) offsets(%dma_start3A_501 : memref<128xi32, #tpu.memory_space<vmem>>) semaphore(%arg18 : memref<!tpu.dma_semaphore, #tpu.memory_space<semaphore_mem>>)
    %dma_wait3A_505 = arith.constant 0 : i32
    %dma_wait3A_506 = arith.constant 0 : i32
    %dma_wait3A_507 = arith.constant 0 : i32
    %dma_wait3A_508 = tpu.memref_slice %arg9[%dma_wait3A_505, %dma_wait3A_506, %dma_wait3A_507] : memref<8x128x32xf32, #tpu.memory_space<vmem>> -> memref<1x128x32xf32, #tpu.memory_space<vmem>>
    %dma_wait3A_509 = tpu.memref_squeeze %dma_wait3A_508 : memref<1x128x32xf32, #tpu.memory_space<vmem>> -> memref<128x32xf32, #tpu.memory_space<vmem>>
    %dma_wait3A_510 = arith.constant 0 : i32
    %dma_wait3A_511 = arith.constant 0 : i32
    %dma_wait3A_512 = tpu.memref_slice %arg11[%dma_wait3A_510, %dma_wait3A_511] : memref<10240x32xf32, #tpu.memory_space<vmem_shared>> -> memref<128x32xf32, #tpu.memory_space<vmem_shared>>
    %dma_wait3A_513 = arith.constant 0 : i32
    %dma_wait3A_514 = arith.constant 0 : i32
    %dma_wait3A_515 = tpu.memref_slice %arg9[%dma_wait3A_505, %dma_wait3A_513, %dma_wait3A_514] : memref<8x128x32xf32, #tpu.memory_space<vmem>> -> memref<1x128x32xf32, #tpu.memory_space<vmem>>
    %dma_wait3A_516 = tpu.memref_squeeze %dma_wait3A_515 : memref<1x128x32xf32, #tpu.memory_space<vmem>> -> memref<128x32xf32, #tpu.memory_space<vmem>>
    %dma_wait3A_517 = arith.constant 0 : i32
    %dma_wait3A_518 = arith.constant 0 : i32
    %dma_wait3A_519 = tpu.memref_slice %arg11[%dma_wait3A_517, %dma_wait3A_518] : memref<10240x32xf32, #tpu.memory_space<vmem_shared>> -> memref<128x32xf32, #tpu.memory_space<vmem_shared>>
    tpu.wait_dma2 semaphore(%arg12 : memref<!tpu.dma_semaphore, #tpu.memory_space<semaphore_mem>>) src(%dma_wait3A_519 : memref<128x32xf32, #tpu.memory_space<vmem_shared>>) dst(%dma_wait3A_516 : memref<128x32xf32, #tpu.memory_space<vmem>>)
    %dma_start3A_520 = arith.constant 0 : i32
    %dma_start3A_521 = arith.constant 152 : i32
    %dma_start3A_522 = arith.constant 0 : i32
    %dma_start3A_523 = arith.constant 0 : i32
    %dma_start3A_524 = tpu.memref_slice %arg9[%dma_start3A_520, %dma_start3A_522, %dma_start3A_523] : memref<8x128x32xf32, #tpu.memory_space<vmem>> -> memref<1x128x32xf32, #tpu.memory_space<vmem>>
    %dma_start3A_525 = tpu.memref_squeeze %dma_start3A_524 : memref<1x128x32xf32, #tpu.memory_space<vmem>> -> memref<128x32xf32, #tpu.memory_space<vmem>>
    %dma_start3A_526 = arith.constant 0 : i32
    %dma_start3A_527 = tpu.memref_slice %arg8[%dma_start3A_521, %dma_start3A_526] : memref<160x128xi32, #tpu.memory_space<vmem>> -> memref<1x128xi32, #tpu.memory_space<vmem>>
    %dma_start3A_528 = tpu.memref_squeeze %dma_start3A_527 : memref<1x128xi32, #tpu.memory_space<vmem>> -> memref<128xi32, #tpu.memory_space<vmem>>
    %dma_start3A_529 = arith.constant 0 : i32
    %dma_start3A_530 = arith.constant 0 : i32
    %dma_start3A_531 = tpu.memref_slice %arg10[%dma_start3A_529, %dma_start3A_530] : memref<10240x32xf32, #tpu.memory_space<vmem_shared>> -> memref<10240x32xf32, #tpu.memory_space<vmem_shared>>
    tpu.enqueue_indirect_dma source(%dma_start3A_525 : memref<128x32xf32, #tpu.memory_space<vmem>>) target(%dma_start3A_531 : memref<10240x32xf32, #tpu.memory_space<vmem_shared>>) offsets(%dma_start3A_528 : memref<128xi32, #tpu.memory_space<vmem>>) semaphore(%arg20 : memref<!tpu.dma_semaphore, #tpu.memory_space<semaphore_mem>>) {add = true}
    %dma_wait3A_532 = arith.constant 7 : i32
    %dma_wait3A_533 = arith.constant 0 : i32
    %dma_wait3A_534 = arith.constant 0 : i32
    %dma_wait3A_535 = tpu.memref_slice %arg9[%dma_wait3A_532, %dma_wait3A_533, %dma_wait3A_534] : memref<8x128x32xf32, #tpu.memory_space<vmem>> -> memref<1x128x32xf32, #tpu.memory_space<vmem>>
    %dma_wait3A_536 = tpu.memref_squeeze %dma_wait3A_535 : memref<1x128x32xf32, #tpu.memory_space<vmem>> -> memref<128x32xf32, #tpu.memory_space<vmem>>
    %dma_wait3A_537 = arith.constant 0 : i32
    %dma_wait3A_538 = arith.constant 0 : i32
    %dma_wait3A_539 = tpu.memref_slice %arg10[%dma_wait3A_537, %dma_wait3A_538] : memref<10240x32xf32, #tpu.memory_space<vmem_shared>> -> memref<128x32xf32, #tpu.memory_space<vmem_shared>>
    %dma_wait3A_540 = arith.constant 0 : i32
    %dma_wait3A_541 = arith.constant 0 : i32
    %dma_wait3A_542 = tpu.memref_slice %arg10[%dma_wait3A_540, %dma_wait3A_541] : memref<10240x32xf32, #tpu.memory_space<vmem_shared>> -> memref<128x32xf32, #tpu.memory_space<vmem_shared>>
    %dma_wait3A_543 = arith.constant 0 : i32
    %dma_wait3A_544 = arith.constant 0 : i32
    %dma_wait3A_545 = tpu.memref_slice %arg9[%dma_wait3A_532, %dma_wait3A_543, %dma_wait3A_544] : memref<8x128x32xf32, #tpu.memory_space<vmem>> -> memref<1x128x32xf32, #tpu.memory_space<vmem>>
    %dma_wait3A_546 = tpu.memref_squeeze %dma_wait3A_545 : memref<1x128x32xf32, #tpu.memory_space<vmem>> -> memref<128x32xf32, #tpu.memory_space<vmem>>
    tpu.wait_dma2 semaphore(%arg27 : memref<!tpu.dma_semaphore, #tpu.memory_space<semaphore_mem>>) src(%dma_wait3A_546 : memref<128x32xf32, #tpu.memory_space<vmem>>) dst(%dma_wait3A_542 : memref<128x32xf32, #tpu.memory_space<vmem_shared>>)
    %dma_start3A_547 = arith.constant 159 : i32
    %dma_start3A_548 = arith.constant 7 : i32
    %dma_start3A_549 = arith.constant 0 : i32
    %dma_start3A_550 = arith.constant 0 : i32
    %dma_start3A_551 = tpu.memref_slice %arg9[%dma_start3A_548, %dma_start3A_549, %dma_start3A_550] : memref<8x128x32xf32, #tpu.memory_space<vmem>> -> memref<1x128x32xf32, #tpu.memory_space<vmem>>
    %dma_start3A_552 = tpu.memref_squeeze %dma_start3A_551 : memref<1x128x32xf32, #tpu.memory_space<vmem>> -> memref<128x32xf32, #tpu.memory_space<vmem>>
    %dma_start3A_553 = arith.constant 0 : i32
    %dma_start3A_554 = tpu.memref_slice %arg7[%dma_start3A_547, %dma_start3A_553] : memref<160x128xi32, #tpu.memory_space<vmem>> -> memref<1x128xi32, #tpu.memory_space<vmem>>
    %dma_start3A_555 = tpu.memref_squeeze %dma_start3A_554 : memref<1x128xi32, #tpu.memory_space<vmem>> -> memref<128xi32, #tpu.memory_space<vmem>>
    %dma_start3A_556 = arith.constant 0 : i32
    %dma_start3A_557 = arith.constant 0 : i32
    %dma_start3A_558 = tpu.memref_slice %arg11[%dma_start3A_556, %dma_start3A_557] : memref<10240x32xf32, #tpu.memory_space<vmem_shared>> -> memref<10240x32xf32, #tpu.memory_space<vmem_shared>>
    tpu.enqueue_indirect_dma source(%dma_start3A_558 : memref<10240x32xf32, #tpu.memory_space<vmem_shared>>) target(%dma_start3A_552 : memref<128x32xf32, #tpu.memory_space<vmem>>) offsets(%dma_start3A_555 : memref<128xi32, #tpu.memory_space<vmem>>) semaphore(%arg19 : memref<!tpu.dma_semaphore, #tpu.memory_space<semaphore_mem>>)
    %dma_wait3A_559 = arith.constant 1 : i32
    %dma_wait3A_560 = arith.constant 0 : i32
    %dma_wait3A_561 = arith.constant 0 : i32
    %dma_wait3A_562 = tpu.memref_slice %arg9[%dma_wait3A_559, %dma_wait3A_560, %dma_wait3A_561] : memref<8x128x32xf32, #tpu.memory_space<vmem>> -> memref<1x128x32xf32, #tpu.memory_space<vmem>>
    %dma_wait3A_563 = tpu.memref_squeeze %dma_wait3A_562 : memref<1x128x32xf32, #tpu.memory_space<vmem>> -> memref<128x32xf32, #tpu.memory_space<vmem>>
    %dma_wait3A_564 = arith.constant 0 : i32
    %dma_wait3A_565 = arith.constant 0 : i32
    %dma_wait3A_566 = tpu.memref_slice %arg11[%dma_wait3A_564, %dma_wait3A_565] : memref<10240x32xf32, #tpu.memory_space<vmem_shared>> -> memref<128x32xf32, #tpu.memory_space<vmem_shared>>
    %dma_wait3A_567 = arith.constant 0 : i32
    %dma_wait3A_568 = arith.constant 0 : i32
    %dma_wait3A_569 = tpu.memref_slice %arg9[%dma_wait3A_559, %dma_wait3A_567, %dma_wait3A_568] : memref<8x128x32xf32, #tpu.memory_space<vmem>> -> memref<1x128x32xf32, #tpu.memory_space<vmem>>
    %dma_wait3A_570 = tpu.memref_squeeze %dma_wait3A_569 : memref<1x128x32xf32, #tpu.memory_space<vmem>> -> memref<128x32xf32, #tpu.memory_space<vmem>>
    %dma_wait3A_571 = arith.constant 0 : i32
    %dma_wait3A_572 = arith.constant 0 : i32
    %dma_wait3A_573 = tpu.memref_slice %arg11[%dma_wait3A_571, %dma_wait3A_572] : memref<10240x32xf32, #tpu.memory_space<vmem_shared>> -> memref<128x32xf32, #tpu.memory_space<vmem_shared>>
    tpu.wait_dma2 semaphore(%arg13 : memref<!tpu.dma_semaphore, #tpu.memory_space<semaphore_mem>>) src(%dma_wait3A_573 : memref<128x32xf32, #tpu.memory_space<vmem_shared>>) dst(%dma_wait3A_570 : memref<128x32xf32, #tpu.memory_space<vmem>>)
    %dma_start3A_574 = arith.constant 1 : i32
    %dma_start3A_575 = arith.constant 153 : i32
    %dma_start3A_576 = arith.constant 0 : i32
    %dma_start3A_577 = arith.constant 0 : i32
    %dma_start3A_578 = tpu.memref_slice %arg9[%dma_start3A_574, %dma_start3A_576, %dma_start3A_577] : memref<8x128x32xf32, #tpu.memory_space<vmem>> -> memref<1x128x32xf32, #tpu.memory_space<vmem>>
    %dma_start3A_579 = tpu.memref_squeeze %dma_start3A_578 : memref<1x128x32xf32, #tpu.memory_space<vmem>> -> memref<128x32xf32, #tpu.memory_space<vmem>>
    %dma_start3A_580 = arith.constant 0 : i32
    %dma_start3A_581 = tpu.memref_slice %arg8[%dma_start3A_575, %dma_start3A_580] : memref<160x128xi32, #tpu.memory_space<vmem>> -> memref<1x128xi32, #tpu.memory_space<vmem>>
    %dma_start3A_582 = tpu.memref_squeeze %dma_start3A_581 : memref<1x128xi32, #tpu.memory_space<vmem>> -> memref<128xi32, #tpu.memory_space<vmem>>
    %dma_start3A_583 = arith.constant 0 : i32
    %dma_start3A_584 = arith.constant 0 : i32
    %dma_start3A_585 = tpu.memref_slice %arg10[%dma_start3A_583, %dma_start3A_584] : memref<10240x32xf32, #tpu.memory_space<vmem_shared>> -> memref<10240x32xf32, #tpu.memory_space<vmem_shared>>
    tpu.enqueue_indirect_dma source(%dma_start3A_579 : memref<128x32xf32, #tpu.memory_space<vmem>>) target(%dma_start3A_585 : memref<10240x32xf32, #tpu.memory_space<vmem_shared>>) offsets(%dma_start3A_582 : memref<128xi32, #tpu.memory_space<vmem>>) semaphore(%arg21 : memref<!tpu.dma_semaphore, #tpu.memory_space<semaphore_mem>>) {add = true}
    %dma_wait3A_586 = arith.constant 2 : i32
    %dma_wait3A_587 = arith.constant 0 : i32
    %dma_wait3A_588 = arith.constant 0 : i32
    %dma_wait3A_589 = tpu.memref_slice %arg9[%dma_wait3A_586, %dma_wait3A_587, %dma_wait3A_588] : memref<8x128x32xf32, #tpu.memory_space<vmem>> -> memref<1x128x32xf32, #tpu.memory_space<vmem>>
    %dma_wait3A_590 = tpu.memref_squeeze %dma_wait3A_589 : memref<1x128x32xf32, #tpu.memory_space<vmem>> -> memref<128x32xf32, #tpu.memory_space<vmem>>
    %dma_wait3A_591 = arith.constant 0 : i32
    %dma_wait3A_592 = arith.constant 0 : i32
    %dma_wait3A_593 = tpu.memref_slice %arg11[%dma_wait3A_591, %dma_wait3A_592] : memref<10240x32xf32, #tpu.memory_space<vmem_shared>> -> memref<128x32xf32, #tpu.memory_space<vmem_shared>>
    %dma_wait3A_594 = arith.constant 0 : i32
    %dma_wait3A_595 = arith.constant 0 : i32
    %dma_wait3A_596 = tpu.memref_slice %arg9[%dma_wait3A_586, %dma_wait3A_594, %dma_wait3A_595] : memref<8x128x32xf32, #tpu.memory_space<vmem>> -> memref<1x128x32xf32, #tpu.memory_space<vmem>>
    %dma_wait3A_597 = tpu.memref_squeeze %dma_wait3A_596 : memref<1x128x32xf32, #tpu.memory_space<vmem>> -> memref<128x32xf32, #tpu.memory_space<vmem>>
    %dma_wait3A_598 = arith.constant 0 : i32
    %dma_wait3A_599 = arith.constant 0 : i32
    %dma_wait3A_600 = tpu.memref_slice %arg11[%dma_wait3A_598, %dma_wait3A_599] : memref<10240x32xf32, #tpu.memory_space<vmem_shared>> -> memref<128x32xf32, #tpu.memory_space<vmem_shared>>
    tpu.wait_dma2 semaphore(%arg14 : memref<!tpu.dma_semaphore, #tpu.memory_space<semaphore_mem>>) src(%dma_wait3A_600 : memref<128x32xf32, #tpu.memory_space<vmem_shared>>) dst(%dma_wait3A_597 : memref<128x32xf32, #tpu.memory_space<vmem>>)
    %dma_start3A_601 = arith.constant 2 : i32
    %dma_start3A_602 = arith.constant 154 : i32
    %dma_start3A_603 = arith.constant 0 : i32
    %dma_start3A_604 = arith.constant 0 : i32
    %dma_start3A_605 = tpu.memref_slice %arg9[%dma_start3A_601, %dma_start3A_603, %dma_start3A_604] : memref<8x128x32xf32, #tpu.memory_space<vmem>> -> memref<1x128x32xf32, #tpu.memory_space<vmem>>
    %dma_start3A_606 = tpu.memref_squeeze %dma_start3A_605 : memref<1x128x32xf32, #tpu.memory_space<vmem>> -> memref<128x32xf32, #tpu.memory_space<vmem>>
    %dma_start3A_607 = arith.constant 0 : i32
    %dma_start3A_608 = tpu.memref_slice %arg8[%dma_start3A_602, %dma_start3A_607] : memref<160x128xi32, #tpu.memory_space<vmem>> -> memref<1x128xi32, #tpu.memory_space<vmem>>
    %dma_start3A_609 = tpu.memref_squeeze %dma_start3A_608 : memref<1x128xi32, #tpu.memory_space<vmem>> -> memref<128xi32, #tpu.memory_space<vmem>>
    %dma_start3A_610 = arith.constant 0 : i32
    %dma_start3A_611 = arith.constant 0 : i32
    %dma_start3A_612 = tpu.memref_slice %arg10[%dma_start3A_610, %dma_start3A_611] : memref<10240x32xf32, #tpu.memory_space<vmem_shared>> -> memref<10240x32xf32, #tpu.memory_space<vmem_shared>>
    tpu.enqueue_indirect_dma source(%dma_start3A_606 : memref<128x32xf32, #tpu.memory_space<vmem>>) target(%dma_start3A_612 : memref<10240x32xf32, #tpu.memory_space<vmem_shared>>) offsets(%dma_start3A_609 : memref<128xi32, #tpu.memory_space<vmem>>) semaphore(%arg22 : memref<!tpu.dma_semaphore, #tpu.memory_space<semaphore_mem>>) {add = true}
    %dma_wait3A_613 = arith.constant 3 : i32
    %dma_wait3A_614 = arith.constant 0 : i32
    %dma_wait3A_615 = arith.constant 0 : i32
    %dma_wait3A_616 = tpu.memref_slice %arg9[%dma_wait3A_613, %dma_wait3A_614, %dma_wait3A_615] : memref<8x128x32xf32, #tpu.memory_space<vmem>> -> memref<1x128x32xf32, #tpu.memory_space<vmem>>
    %dma_wait3A_617 = tpu.memref_squeeze %dma_wait3A_616 : memref<1x128x32xf32, #tpu.memory_space<vmem>> -> memref<128x32xf32, #tpu.memory_space<vmem>>
    %dma_wait3A_618 = arith.constant 0 : i32
    %dma_wait3A_619 = arith.constant 0 : i32
    %dma_wait3A_620 = tpu.memref_slice %arg11[%dma_wait3A_618, %dma_wait3A_619] : memref<10240x32xf32, #tpu.memory_space<vmem_shared>> -> memref<128x32xf32, #tpu.memory_space<vmem_shared>>
    %dma_wait3A_621 = arith.constant 0 : i32
    %dma_wait3A_622 = arith.constant 0 : i32
    %dma_wait3A_623 = tpu.memref_slice %arg9[%dma_wait3A_613, %dma_wait3A_621, %dma_wait3A_622] : memref<8x128x32xf32, #tpu.memory_space<vmem>> -> memref<1x128x32xf32, #tpu.memory_space<vmem>>
    %dma_wait3A_624 = tpu.memref_squeeze %dma_wait3A_623 : memref<1x128x32xf32, #tpu.memory_space<vmem>> -> memref<128x32xf32, #tpu.memory_space<vmem>>
    %dma_wait3A_625 = arith.constant 0 : i32
    %dma_wait3A_626 = arith.constant 0 : i32
    %dma_wait3A_627 = tpu.memref_slice %arg11[%dma_wait3A_625, %dma_wait3A_626] : memref<10240x32xf32, #tpu.memory_space<vmem_shared>> -> memref<128x32xf32, #tpu.memory_space<vmem_shared>>
    tpu.wait_dma2 semaphore(%arg15 : memref<!tpu.dma_semaphore, #tpu.memory_space<semaphore_mem>>) src(%dma_wait3A_627 : memref<128x32xf32, #tpu.memory_space<vmem_shared>>) dst(%dma_wait3A_624 : memref<128x32xf32, #tpu.memory_space<vmem>>)
    %dma_start3A_628 = arith.constant 3 : i32
    %dma_start3A_629 = arith.constant 155 : i32
    %dma_start3A_630 = arith.constant 0 : i32
    %dma_start3A_631 = arith.constant 0 : i32
    %dma_start3A_632 = tpu.memref_slice %arg9[%dma_start3A_628, %dma_start3A_630, %dma_start3A_631] : memref<8x128x32xf32, #tpu.memory_space<vmem>> -> memref<1x128x32xf32, #tpu.memory_space<vmem>>
    %dma_start3A_633 = tpu.memref_squeeze %dma_start3A_632 : memref<1x128x32xf32, #tpu.memory_space<vmem>> -> memref<128x32xf32, #tpu.memory_space<vmem>>
    %dma_start3A_634 = arith.constant 0 : i32
    %dma_start3A_635 = tpu.memref_slice %arg8[%dma_start3A_629, %dma_start3A_634] : memref<160x128xi32, #tpu.memory_space<vmem>> -> memref<1x128xi32, #tpu.memory_space<vmem>>
    %dma_start3A_636 = tpu.memref_squeeze %dma_start3A_635 : memref<1x128xi32, #tpu.memory_space<vmem>> -> memref<128xi32, #tpu.memory_space<vmem>>
    %dma_start3A_637 = arith.constant 0 : i32
    %dma_start3A_638 = arith.constant 0 : i32
    %dma_start3A_639 = tpu.memref_slice %arg10[%dma_start3A_637, %dma_start3A_638] : memref<10240x32xf32, #tpu.memory_space<vmem_shared>> -> memref<10240x32xf32, #tpu.memory_space<vmem_shared>>
    tpu.enqueue_indirect_dma source(%dma_start3A_633 : memref<128x32xf32, #tpu.memory_space<vmem>>) target(%dma_start3A_639 : memref<10240x32xf32, #tpu.memory_space<vmem_shared>>) offsets(%dma_start3A_636 : memref<128xi32, #tpu.memory_space<vmem>>) semaphore(%arg23 : memref<!tpu.dma_semaphore, #tpu.memory_space<semaphore_mem>>) {add = true}
    %dma_wait3A_640 = arith.constant 4 : i32
    %dma_wait3A_641 = arith.constant 0 : i32
    %dma_wait3A_642 = arith.constant 0 : i32
    %dma_wait3A_643 = tpu.memref_slice %arg9[%dma_wait3A_640, %dma_wait3A_641, %dma_wait3A_642] : memref<8x128x32xf32, #tpu.memory_space<vmem>> -> memref<1x128x32xf32, #tpu.memory_space<vmem>>
    %dma_wait3A_644 = tpu.memref_squeeze %dma_wait3A_643 : memref<1x128x32xf32, #tpu.memory_space<vmem>> -> memref<128x32xf32, #tpu.memory_space<vmem>>
    %dma_wait3A_645 = arith.constant 0 : i32
    %dma_wait3A_646 = arith.constant 0 : i32
    %dma_wait3A_647 = tpu.memref_slice %arg11[%dma_wait3A_645, %dma_wait3A_646] : memref<10240x32xf32, #tpu.memory_space<vmem_shared>> -> memref<128x32xf32, #tpu.memory_space<vmem_shared>>
    %dma_wait3A_648 = arith.constant 0 : i32
    %dma_wait3A_649 = arith.constant 0 : i32
    %dma_wait3A_650 = tpu.memref_slice %arg9[%dma_wait3A_640, %dma_wait3A_648, %dma_wait3A_649] : memref<8x128x32xf32, #tpu.memory_space<vmem>> -> memref<1x128x32xf32, #tpu.memory_space<vmem>>
    %dma_wait3A_651 = tpu.memref_squeeze %dma_wait3A_650 : memref<1x128x32xf32, #tpu.memory_space<vmem>> -> memref<128x32xf32, #tpu.memory_space<vmem>>
    %dma_wait3A_652 = arith.constant 0 : i32
    %dma_wait3A_653 = arith.constant 0 : i32
    %dma_wait3A_654 = tpu.memref_slice %arg11[%dma_wait3A_652, %dma_wait3A_653] : memref<10240x32xf32, #tpu.memory_space<vmem_shared>> -> memref<128x32xf32, #tpu.memory_space<vmem_shared>>
    tpu.wait_dma2 semaphore(%arg16 : memref<!tpu.dma_semaphore, #tpu.memory_space<semaphore_mem>>) src(%dma_wait3A_654 : memref<128x32xf32, #tpu.memory_space<vmem_shared>>) dst(%dma_wait3A_651 : memref<128x32xf32, #tpu.memory_space<vmem>>)
    %dma_start3A_655 = arith.constant 4 : i32
    %dma_start3A_656 = arith.constant 156 : i32
    %dma_start3A_657 = arith.constant 0 : i32
    %dma_start3A_658 = arith.constant 0 : i32
    %dma_start3A_659 = tpu.memref_slice %arg9[%dma_start3A_655, %dma_start3A_657, %dma_start3A_658] : memref<8x128x32xf32, #tpu.memory_space<vmem>> -> memref<1x128x32xf32, #tpu.memory_space<vmem>>
    %dma_start3A_660 = tpu.memref_squeeze %dma_start3A_659 : memref<1x128x32xf32, #tpu.memory_space<vmem>> -> memref<128x32xf32, #tpu.memory_space<vmem>>
    %dma_start3A_661 = arith.constant 0 : i32
    %dma_start3A_662 = tpu.memref_slice %arg8[%dma_start3A_656, %dma_start3A_661] : memref<160x128xi32, #tpu.memory_space<vmem>> -> memref<1x128xi32, #tpu.memory_space<vmem>>
    %dma_start3A_663 = tpu.memref_squeeze %dma_start3A_662 : memref<1x128xi32, #tpu.memory_space<vmem>> -> memref<128xi32, #tpu.memory_space<vmem>>
    %dma_start3A_664 = arith.constant 0 : i32
    %dma_start3A_665 = arith.constant 0 : i32
    %dma_start3A_666 = tpu.memref_slice %arg10[%dma_start3A_664, %dma_start3A_665] : memref<10240x32xf32, #tpu.memory_space<vmem_shared>> -> memref<10240x32xf32, #tpu.memory_space<vmem_shared>>
    tpu.enqueue_indirect_dma source(%dma_start3A_660 : memref<128x32xf32, #tpu.memory_space<vmem>>) target(%dma_start3A_666 : memref<10240x32xf32, #tpu.memory_space<vmem_shared>>) offsets(%dma_start3A_663 : memref<128xi32, #tpu.memory_space<vmem>>) semaphore(%arg24 : memref<!tpu.dma_semaphore, #tpu.memory_space<semaphore_mem>>) {add = true}
    %dma_wait3A_667 = arith.constant 5 : i32
    %dma_wait3A_668 = arith.constant 0 : i32
    %dma_wait3A_669 = arith.constant 0 : i32
    %dma_wait3A_670 = tpu.memref_slice %arg9[%dma_wait3A_667, %dma_wait3A_668, %dma_wait3A_669] : memref<8x128x32xf32, #tpu.memory_space<vmem>> -> memref<1x128x32xf32, #tpu.memory_space<vmem>>
    %dma_wait3A_671 = tpu.memref_squeeze %dma_wait3A_670 : memref<1x128x32xf32, #tpu.memory_space<vmem>> -> memref<128x32xf32, #tpu.memory_space<vmem>>
    %dma_wait3A_672 = arith.constant 0 : i32
    %dma_wait3A_673 = arith.constant 0 : i32
    %dma_wait3A_674 = tpu.memref_slice %arg11[%dma_wait3A_672, %dma_wait3A_673] : memref<10240x32xf32, #tpu.memory_space<vmem_shared>> -> memref<128x32xf32, #tpu.memory_space<vmem_shared>>
    %dma_wait3A_675 = arith.constant 0 : i32
    %dma_wait3A_676 = arith.constant 0 : i32
    %dma_wait3A_677 = tpu.memref_slice %arg9[%dma_wait3A_667, %dma_wait3A_675, %dma_wait3A_676] : memref<8x128x32xf32, #tpu.memory_space<vmem>> -> memref<1x128x32xf32, #tpu.memory_space<vmem>>
    %dma_wait3A_678 = tpu.memref_squeeze %dma_wait3A_677 : memref<1x128x32xf32, #tpu.memory_space<vmem>> -> memref<128x32xf32, #tpu.memory_space<vmem>>
    %dma_wait3A_679 = arith.constant 0 : i32
    %dma_wait3A_680 = arith.constant 0 : i32
    %dma_wait3A_681 = tpu.memref_slice %arg11[%dma_wait3A_679, %dma_wait3A_680] : memref<10240x32xf32, #tpu.memory_space<vmem_shared>> -> memref<128x32xf32, #tpu.memory_space<vmem_shared>>
    tpu.wait_dma2 semaphore(%arg17 : memref<!tpu.dma_semaphore, #tpu.memory_space<semaphore_mem>>) src(%dma_wait3A_681 : memref<128x32xf32, #tpu.memory_space<vmem_shared>>) dst(%dma_wait3A_678 : memref<128x32xf32, #tpu.memory_space<vmem>>)
    %dma_start3A_682 = arith.constant 5 : i32
    %dma_start3A_683 = arith.constant 157 : i32
    %dma_start3A_684 = arith.constant 0 : i32
    %dma_start3A_685 = arith.constant 0 : i32
    %dma_start3A_686 = tpu.memref_slice %arg9[%dma_start3A_682, %dma_start3A_684, %dma_start3A_685] : memref<8x128x32xf32, #tpu.memory_space<vmem>> -> memref<1x128x32xf32, #tpu.memory_space<vmem>>
    %dma_start3A_687 = tpu.memref_squeeze %dma_start3A_686 : memref<1x128x32xf32, #tpu.memory_space<vmem>> -> memref<128x32xf32, #tpu.memory_space<vmem>>
    %dma_start3A_688 = arith.constant 0 : i32
    %dma_start3A_689 = tpu.memref_slice %arg8[%dma_start3A_683, %dma_start3A_688] : memref<160x128xi32, #tpu.memory_space<vmem>> -> memref<1x128xi32, #tpu.memory_space<vmem>>
    %dma_start3A_690 = tpu.memref_squeeze %dma_start3A_689 : memref<1x128xi32, #tpu.memory_space<vmem>> -> memref<128xi32, #tpu.memory_space<vmem>>
    %dma_start3A_691 = arith.constant 0 : i32
    %dma_start3A_692 = arith.constant 0 : i32
    %dma_start3A_693 = tpu.memref_slice %arg10[%dma_start3A_691, %dma_start3A_692] : memref<10240x32xf32, #tpu.memory_space<vmem_shared>> -> memref<10240x32xf32, #tpu.memory_space<vmem_shared>>
    tpu.enqueue_indirect_dma source(%dma_start3A_687 : memref<128x32xf32, #tpu.memory_space<vmem>>) target(%dma_start3A_693 : memref<10240x32xf32, #tpu.memory_space<vmem_shared>>) offsets(%dma_start3A_690 : memref<128xi32, #tpu.memory_space<vmem>>) semaphore(%arg25 : memref<!tpu.dma_semaphore, #tpu.memory_space<semaphore_mem>>) {add = true}
    %dma_wait3A_694 = arith.constant 6 : i32
    %dma_wait3A_695 = arith.constant 0 : i32
    %dma_wait3A_696 = arith.constant 0 : i32
    %dma_wait3A_697 = tpu.memref_slice %arg9[%dma_wait3A_694, %dma_wait3A_695, %dma_wait3A_696] : memref<8x128x32xf32, #tpu.memory_space<vmem>> -> memref<1x128x32xf32, #tpu.memory_space<vmem>>
    %dma_wait3A_698 = tpu.memref_squeeze %dma_wait3A_697 : memref<1x128x32xf32, #tpu.memory_space<vmem>> -> memref<128x32xf32, #tpu.memory_space<vmem>>
    %dma_wait3A_699 = arith.constant 0 : i32
    %dma_wait3A_700 = arith.constant 0 : i32
    %dma_wait3A_701 = tpu.memref_slice %arg11[%dma_wait3A_699, %dma_wait3A_700] : memref<10240x32xf32, #tpu.memory_space<vmem_shared>> -> memref<128x32xf32, #tpu.memory_space<vmem_shared>>
    %dma_wait3A_702 = arith.constant 0 : i32
    %dma_wait3A_703 = arith.constant 0 : i32
    %dma_wait3A_704 = tpu.memref_slice %arg9[%dma_wait3A_694, %dma_wait3A_702, %dma_wait3A_703] : memref<8x128x32xf32, #tpu.memory_space<vmem>> -> memref<1x128x32xf32, #tpu.memory_space<vmem>>
    %dma_wait3A_705 = tpu.memref_squeeze %dma_wait3A_704 : memref<1x128x32xf32, #tpu.memory_space<vmem>> -> memref<128x32xf32, #tpu.memory_space<vmem>>
    %dma_wait3A_706 = arith.constant 0 : i32
    %dma_wait3A_707 = arith.constant 0 : i32
    %dma_wait3A_708 = tpu.memref_slice %arg11[%dma_wait3A_706, %dma_wait3A_707] : memref<10240x32xf32, #tpu.memory_space<vmem_shared>> -> memref<128x32xf32, #tpu.memory_space<vmem_shared>>
    tpu.wait_dma2 semaphore(%arg18 : memref<!tpu.dma_semaphore, #tpu.memory_space<semaphore_mem>>) src(%dma_wait3A_708 : memref<128x32xf32, #tpu.memory_space<vmem_shared>>) dst(%dma_wait3A_705 : memref<128x32xf32, #tpu.memory_space<vmem>>)
    %dma_start3A_709 = arith.constant 6 : i32
    %dma_start3A_710 = arith.constant 158 : i32
    %dma_start3A_711 = arith.constant 0 : i32
    %dma_start3A_712 = arith.constant 0 : i32
    %dma_start3A_713 = tpu.memref_slice %arg9[%dma_start3A_709, %dma_start3A_711, %dma_start3A_712] : memref<8x128x32xf32, #tpu.memory_space<vmem>> -> memref<1x128x32xf32, #tpu.memory_space<vmem>>
    %dma_start3A_714 = tpu.memref_squeeze %dma_start3A_713 : memref<1x128x32xf32, #tpu.memory_space<vmem>> -> memref<128x32xf32, #tpu.memory_space<vmem>>
    %dma_start3A_715 = arith.constant 0 : i32
    %dma_start3A_716 = tpu.memref_slice %arg8[%dma_start3A_710, %dma_start3A_715] : memref<160x128xi32, #tpu.memory_space<vmem>> -> memref<1x128xi32, #tpu.memory_space<vmem>>
    %dma_start3A_717 = tpu.memref_squeeze %dma_start3A_716 : memref<1x128xi32, #tpu.memory_space<vmem>> -> memref<128xi32, #tpu.memory_space<vmem>>
    %dma_start3A_718 = arith.constant 0 : i32
    %dma_start3A_719 = arith.constant 0 : i32
    %dma_start3A_720 = tpu.memref_slice %arg10[%dma_start3A_718, %dma_start3A_719] : memref<10240x32xf32, #tpu.memory_space<vmem_shared>> -> memref<10240x32xf32, #tpu.memory_space<vmem_shared>>
    tpu.enqueue_indirect_dma source(%dma_start3A_714 : memref<128x32xf32, #tpu.memory_space<vmem>>) target(%dma_start3A_720 : memref<10240x32xf32, #tpu.memory_space<vmem_shared>>) offsets(%dma_start3A_717 : memref<128xi32, #tpu.memory_space<vmem>>) semaphore(%arg26 : memref<!tpu.dma_semaphore, #tpu.memory_space<semaphore_mem>>) {add = true}
    %dma_wait3A_721 = arith.constant 7 : i32
    %dma_wait3A_722 = arith.constant 0 : i32
    %dma_wait3A_723 = arith.constant 0 : i32
    %dma_wait3A_724 = tpu.memref_slice %arg9[%dma_wait3A_721, %dma_wait3A_722, %dma_wait3A_723] : memref<8x128x32xf32, #tpu.memory_space<vmem>> -> memref<1x128x32xf32, #tpu.memory_space<vmem>>
    %dma_wait3A_725 = tpu.memref_squeeze %dma_wait3A_724 : memref<1x128x32xf32, #tpu.memory_space<vmem>> -> memref<128x32xf32, #tpu.memory_space<vmem>>
    %dma_wait3A_726 = arith.constant 0 : i32
    %dma_wait3A_727 = arith.constant 0 : i32
    %dma_wait3A_728 = tpu.memref_slice %arg11[%dma_wait3A_726, %dma_wait3A_727] : memref<10240x32xf32, #tpu.memory_space<vmem_shared>> -> memref<128x32xf32, #tpu.memory_space<vmem_shared>>
    %dma_wait3A_729 = arith.constant 0 : i32
    %dma_wait3A_730 = arith.constant 0 : i32
    %dma_wait3A_731 = tpu.memref_slice %arg9[%dma_wait3A_721, %dma_wait3A_729, %dma_wait3A_730] : memref<8x128x32xf32, #tpu.memory_space<vmem>> -> memref<1x128x32xf32, #tpu.memory_space<vmem>>
    %dma_wait3A_732 = tpu.memref_squeeze %dma_wait3A_731 : memref<1x128x32xf32, #tpu.memory_space<vmem>> -> memref<128x32xf32, #tpu.memory_space<vmem>>
    %dma_wait3A_733 = arith.constant 0 : i32
    %dma_wait3A_734 = arith.constant 0 : i32
    %dma_wait3A_735 = tpu.memref_slice %arg11[%dma_wait3A_733, %dma_wait3A_734] : memref<10240x32xf32, #tpu.memory_space<vmem_shared>> -> memref<128x32xf32, #tpu.memory_space<vmem_shared>>
    tpu.wait_dma2 semaphore(%arg19 : memref<!tpu.dma_semaphore, #tpu.memory_space<semaphore_mem>>) src(%dma_wait3A_735 : memref<128x32xf32, #tpu.memory_space<vmem_shared>>) dst(%dma_wait3A_732 : memref<128x32xf32, #tpu.memory_space<vmem>>)
    %dma_start3A_736 = arith.constant 7 : i32
    %dma_start3A_737 = arith.constant 159 : i32
    %dma_start3A_738 = arith.constant 0 : i32
    %dma_start3A_739 = arith.constant 0 : i32
    %dma_start3A_740 = tpu.memref_slice %arg9[%dma_start3A_736, %dma_start3A_738, %dma_start3A_739] : memref<8x128x32xf32, #tpu.memory_space<vmem>> -> memref<1x128x32xf32, #tpu.memory_space<vmem>>
    %dma_start3A_741 = tpu.memref_squeeze %dma_start3A_740 : memref<1x128x32xf32, #tpu.memory_space<vmem>> -> memref<128x32xf32, #tpu.memory_space<vmem>>
    %dma_start3A_742 = arith.constant 0 : i32
    %dma_start3A_743 = tpu.memref_slice %arg8[%dma_start3A_737, %dma_start3A_742] : memref<160x128xi32, #tpu.memory_space<vmem>> -> memref<1x128xi32, #tpu.memory_space<vmem>>
    %dma_start3A_744 = tpu.memref_squeeze %dma_start3A_743 : memref<1x128xi32, #tpu.memory_space<vmem>> -> memref<128xi32, #tpu.memory_space<vmem>>
    %dma_start3A_745 = arith.constant 0 : i32
    %dma_start3A_746 = arith.constant 0 : i32
    %dma_start3A_747 = tpu.memref_slice %arg10[%dma_start3A_745, %dma_start3A_746] : memref<10240x32xf32, #tpu.memory_space<vmem_shared>> -> memref<10240x32xf32, #tpu.memory_space<vmem_shared>>
    tpu.enqueue_indirect_dma source(%dma_start3A_741 : memref<128x32xf32, #tpu.memory_space<vmem>>) target(%dma_start3A_747 : memref<10240x32xf32, #tpu.memory_space<vmem_shared>>) offsets(%dma_start3A_744 : memref<128xi32, #tpu.memory_space<vmem>>) semaphore(%arg27 : memref<!tpu.dma_semaphore, #tpu.memory_space<semaphore_mem>>) {add = true}
    %dma_wait3A_748 = arith.constant 0 : i32
    %dma_wait3A_749 = arith.constant 0 : i32
    %dma_wait3A_750 = arith.constant 0 : i32
    %dma_wait3A_751 = tpu.memref_slice %arg9[%dma_wait3A_748, %dma_wait3A_749, %dma_wait3A_750] : memref<8x128x32xf32, #tpu.memory_space<vmem>> -> memref<1x128x32xf32, #tpu.memory_space<vmem>>
    %dma_wait3A_752 = tpu.memref_squeeze %dma_wait3A_751 : memref<1x128x32xf32, #tpu.memory_space<vmem>> -> memref<128x32xf32, #tpu.memory_space<vmem>>
    %dma_wait3A_753 = arith.constant 0 : i32
    %dma_wait3A_754 = arith.constant 0 : i32
    %dma_wait3A_755 = tpu.memref_slice %arg10[%dma_wait3A_753, %dma_wait3A_754] : memref<10240x32xf32, #tpu.memory_space<vmem_shared>> -> memref<128x32xf32, #tpu.memory_space<vmem_shared>>
    %dma_wait3A_756 = arith.constant 0 : i32
    %dma_wait3A_757 = arith.constant 0 : i32
    %dma_wait3A_758 = tpu.memref_slice %arg10[%dma_wait3A_756, %dma_wait3A_757] : memref<10240x32xf32, #tpu.memory_space<vmem_shared>> -> memref<128x32xf32, #tpu.memory_space<vmem_shared>>
    %dma_wait3A_759 = arith.constant 0 : i32
    %dma_wait3A_760 = arith.constant 0 : i32
    %dma_wait3A_761 = tpu.memref_slice %arg9[%dma_wait3A_748, %dma_wait3A_759, %dma_wait3A_760] : memref<8x128x32xf32, #tpu.memory_space<vmem>> -> memref<1x128x32xf32, #tpu.memory_space<vmem>>
    %dma_wait3A_762 = tpu.memref_squeeze %dma_wait3A_761 : memref<1x128x32xf32, #tpu.memory_space<vmem>> -> memref<128x32xf32, #tpu.memory_space<vmem>>
    tpu.wait_dma2 semaphore(%arg20 : memref<!tpu.dma_semaphore, #tpu.memory_space<semaphore_mem>>) src(%dma_wait3A_762 : memref<128x32xf32, #tpu.memory_space<vmem>>) dst(%dma_wait3A_758 : memref<128x32xf32, #tpu.memory_space<vmem_shared>>)
    %dma_wait3A_763 = arith.constant 1 : i32
    %dma_wait3A_764 = arith.constant 0 : i32
    %dma_wait3A_765 = arith.constant 0 : i32
    %dma_wait3A_766 = tpu.memref_slice %arg9[%dma_wait3A_763, %dma_wait3A_764, %dma_wait3A_765] : memref<8x128x32xf32, #tpu.memory_space<vmem>> -> memref<1x128x32xf32, #tpu.memory_space<vmem>>
    %dma_wait3A_767 = tpu.memref_squeeze %dma_wait3A_766 : memref<1x128x32xf32, #tpu.memory_space<vmem>> -> memref<128x32xf32, #tpu.memory_space<vmem>>
    %dma_wait3A_768 = arith.constant 0 : i32
    %dma_wait3A_769 = arith.constant 0 : i32
    %dma_wait3A_770 = tpu.memref_slice %arg10[%dma_wait3A_768, %dma_wait3A_769] : memref<10240x32xf32, #tpu.memory_space<vmem_shared>> -> memref<128x32xf32, #tpu.memory_space<vmem_shared>>
    %dma_wait3A_771 = arith.constant 0 : i32
    %dma_wait3A_772 = arith.constant 0 : i32
    %dma_wait3A_773 = tpu.memref_slice %arg10[%dma_wait3A_771, %dma_wait3A_772] : memref<10240x32xf32, #tpu.memory_space<vmem_shared>> -> memref<128x32xf32, #tpu.memory_space<vmem_shared>>
    %dma_wait3A_774 = arith.constant 0 : i32
    %dma_wait3A_775 = arith.constant 0 : i32
    %dma_wait3A_776 = tpu.memref_slice %arg9[%dma_wait3A_763, %dma_wait3A_774, %dma_wait3A_775] : memref<8x128x32xf32, #tpu.memory_space<vmem>> -> memref<1x128x32xf32, #tpu.memory_space<vmem>>
    %dma_wait3A_777 = tpu.memref_squeeze %dma_wait3A_776 : memref<1x128x32xf32, #tpu.memory_space<vmem>> -> memref<128x32xf32, #tpu.memory_space<vmem>>
    tpu.wait_dma2 semaphore(%arg21 : memref<!tpu.dma_semaphore, #tpu.memory_space<semaphore_mem>>) src(%dma_wait3A_777 : memref<128x32xf32, #tpu.memory_space<vmem>>) dst(%dma_wait3A_773 : memref<128x32xf32, #tpu.memory_space<vmem_shared>>)
    %dma_wait3A_778 = arith.constant 2 : i32
    %dma_wait3A_779 = arith.constant 0 : i32
    %dma_wait3A_780 = arith.constant 0 : i32
    %dma_wait3A_781 = tpu.memref_slice %arg9[%dma_wait3A_778, %dma_wait3A_779, %dma_wait3A_780] : memref<8x128x32xf32, #tpu.memory_space<vmem>> -> memref<1x128x32xf32, #tpu.memory_space<vmem>>
    %dma_wait3A_782 = tpu.memref_squeeze %dma_wait3A_781 : memref<1x128x32xf32, #tpu.memory_space<vmem>> -> memref<128x32xf32, #tpu.memory_space<vmem>>
    %dma_wait3A_783 = arith.constant 0 : i32
    %dma_wait3A_784 = arith.constant 0 : i32
    %dma_wait3A_785 = tpu.memref_slice %arg10[%dma_wait3A_783, %dma_wait3A_784] : memref<10240x32xf32, #tpu.memory_space<vmem_shared>> -> memref<128x32xf32, #tpu.memory_space<vmem_shared>>
    %dma_wait3A_786 = arith.constant 0 : i32
    %dma_wait3A_787 = arith.constant 0 : i32
    %dma_wait3A_788 = tpu.memref_slice %arg10[%dma_wait3A_786, %dma_wait3A_787] : memref<10240x32xf32, #tpu.memory_space<vmem_shared>> -> memref<128x32xf32, #tpu.memory_space<vmem_shared>>
    %dma_wait3A_789 = arith.constant 0 : i32
    %dma_wait3A_790 = arith.constant 0 : i32
    %dma_wait3A_791 = tpu.memref_slice %arg9[%dma_wait3A_778, %dma_wait3A_789, %dma_wait3A_790] : memref<8x128x32xf32, #tpu.memory_space<vmem>> -> memref<1x128x32xf32, #tpu.memory_space<vmem>>
    %dma_wait3A_792 = tpu.memref_squeeze %dma_wait3A_791 : memref<1x128x32xf32, #tpu.memory_space<vmem>> -> memref<128x32xf32, #tpu.memory_space<vmem>>
    tpu.wait_dma2 semaphore(%arg22 : memref<!tpu.dma_semaphore, #tpu.memory_space<semaphore_mem>>) src(%dma_wait3A_792 : memref<128x32xf32, #tpu.memory_space<vmem>>) dst(%dma_wait3A_788 : memref<128x32xf32, #tpu.memory_space<vmem_shared>>)
    %dma_wait3A_793 = arith.constant 3 : i32
    %dma_wait3A_794 = arith.constant 0 : i32
    %dma_wait3A_795 = arith.constant 0 : i32
    %dma_wait3A_796 = tpu.memref_slice %arg9[%dma_wait3A_793, %dma_wait3A_794, %dma_wait3A_795] : memref<8x128x32xf32, #tpu.memory_space<vmem>> -> memref<1x128x32xf32, #tpu.memory_space<vmem>>
    %dma_wait3A_797 = tpu.memref_squeeze %dma_wait3A_796 : memref<1x128x32xf32, #tpu.memory_space<vmem>> -> memref<128x32xf32, #tpu.memory_space<vmem>>
    %dma_wait3A_798 = arith.constant 0 : i32
    %dma_wait3A_799 = arith.constant 0 : i32
    %dma_wait3A_800 = tpu.memref_slice %arg10[%dma_wait3A_798, %dma_wait3A_799] : memref<10240x32xf32, #tpu.memory_space<vmem_shared>> -> memref<128x32xf32, #tpu.memory_space<vmem_shared>>
    %dma_wait3A_801 = arith.constant 0 : i32
    %dma_wait3A_802 = arith.constant 0 : i32
    %dma_wait3A_803 = tpu.memref_slice %arg10[%dma_wait3A_801, %dma_wait3A_802] : memref<10240x32xf32, #tpu.memory_space<vmem_shared>> -> memref<128x32xf32, #tpu.memory_space<vmem_shared>>
    %dma_wait3A_804 = arith.constant 0 : i32
    %dma_wait3A_805 = arith.constant 0 : i32
    %dma_wait3A_806 = tpu.memref_slice %arg9[%dma_wait3A_793, %dma_wait3A_804, %dma_wait3A_805] : memref<8x128x32xf32, #tpu.memory_space<vmem>> -> memref<1x128x32xf32, #tpu.memory_space<vmem>>
    %dma_wait3A_807 = tpu.memref_squeeze %dma_wait3A_806 : memref<1x128x32xf32, #tpu.memory_space<vmem>> -> memref<128x32xf32, #tpu.memory_space<vmem>>
    tpu.wait_dma2 semaphore(%arg23 : memref<!tpu.dma_semaphore, #tpu.memory_space<semaphore_mem>>) src(%dma_wait3A_807 : memref<128x32xf32, #tpu.memory_space<vmem>>) dst(%dma_wait3A_803 : memref<128x32xf32, #tpu.memory_space<vmem_shared>>)
    %dma_wait3A_808 = arith.constant 4 : i32
    %dma_wait3A_809 = arith.constant 0 : i32
    %dma_wait3A_810 = arith.constant 0 : i32
    %dma_wait3A_811 = tpu.memref_slice %arg9[%dma_wait3A_808, %dma_wait3A_809, %dma_wait3A_810] : memref<8x128x32xf32, #tpu.memory_space<vmem>> -> memref<1x128x32xf32, #tpu.memory_space<vmem>>
    %dma_wait3A_812 = tpu.memref_squeeze %dma_wait3A_811 : memref<1x128x32xf32, #tpu.memory_space<vmem>> -> memref<128x32xf32, #tpu.memory_space<vmem>>
    %dma_wait3A_813 = arith.constant 0 : i32
    %dma_wait3A_814 = arith.constant 0 : i32
    %dma_wait3A_815 = tpu.memref_slice %arg10[%dma_wait3A_813, %dma_wait3A_814] : memref<10240x32xf32, #tpu.memory_space<vmem_shared>> -> memref<128x32xf32, #tpu.memory_space<vmem_shared>>
    %dma_wait3A_816 = arith.constant 0 : i32
    %dma_wait3A_817 = arith.constant 0 : i32
    %dma_wait3A_818 = tpu.memref_slice %arg10[%dma_wait3A_816, %dma_wait3A_817] : memref<10240x32xf32, #tpu.memory_space<vmem_shared>> -> memref<128x32xf32, #tpu.memory_space<vmem_shared>>
    %dma_wait3A_819 = arith.constant 0 : i32
    %dma_wait3A_820 = arith.constant 0 : i32
    %dma_wait3A_821 = tpu.memref_slice %arg9[%dma_wait3A_808, %dma_wait3A_819, %dma_wait3A_820] : memref<8x128x32xf32, #tpu.memory_space<vmem>> -> memref<1x128x32xf32, #tpu.memory_space<vmem>>
    %dma_wait3A_822 = tpu.memref_squeeze %dma_wait3A_821 : memref<1x128x32xf32, #tpu.memory_space<vmem>> -> memref<128x32xf32, #tpu.memory_space<vmem>>
    tpu.wait_dma2 semaphore(%arg24 : memref<!tpu.dma_semaphore, #tpu.memory_space<semaphore_mem>>) src(%dma_wait3A_822 : memref<128x32xf32, #tpu.memory_space<vmem>>) dst(%dma_wait3A_818 : memref<128x32xf32, #tpu.memory_space<vmem_shared>>)
    %dma_wait3A_823 = arith.constant 5 : i32
    %dma_wait3A_824 = arith.constant 0 : i32
    %dma_wait3A_825 = arith.constant 0 : i32
    %dma_wait3A_826 = tpu.memref_slice %arg9[%dma_wait3A_823, %dma_wait3A_824, %dma_wait3A_825] : memref<8x128x32xf32, #tpu.memory_space<vmem>> -> memref<1x128x32xf32, #tpu.memory_space<vmem>>
    %dma_wait3A_827 = tpu.memref_squeeze %dma_wait3A_826 : memref<1x128x32xf32, #tpu.memory_space<vmem>> -> memref<128x32xf32, #tpu.memory_space<vmem>>
    %dma_wait3A_828 = arith.constant 0 : i32
    %dma_wait3A_829 = arith.constant 0 : i32
    %dma_wait3A_830 = tpu.memref_slice %arg10[%dma_wait3A_828, %dma_wait3A_829] : memref<10240x32xf32, #tpu.memory_space<vmem_shared>> -> memref<128x32xf32, #tpu.memory_space<vmem_shared>>
    %dma_wait3A_831 = arith.constant 0 : i32
    %dma_wait3A_832 = arith.constant 0 : i32
    %dma_wait3A_833 = tpu.memref_slice %arg10[%dma_wait3A_831, %dma_wait3A_832] : memref<10240x32xf32, #tpu.memory_space<vmem_shared>> -> memref<128x32xf32, #tpu.memory_space<vmem_shared>>
    %dma_wait3A_834 = arith.constant 0 : i32
    %dma_wait3A_835 = arith.constant 0 : i32
    %dma_wait3A_836 = tpu.memref_slice %arg9[%dma_wait3A_823, %dma_wait3A_834, %dma_wait3A_835] : memref<8x128x32xf32, #tpu.memory_space<vmem>> -> memref<1x128x32xf32, #tpu.memory_space<vmem>>
    %dma_wait3A_837 = tpu.memref_squeeze %dma_wait3A_836 : memref<1x128x32xf32, #tpu.memory_space<vmem>> -> memref<128x32xf32, #tpu.memory_space<vmem>>
    tpu.wait_dma2 semaphore(%arg25 : memref<!tpu.dma_semaphore, #tpu.memory_space<semaphore_mem>>) src(%dma_wait3A_837 : memref<128x32xf32, #tpu.memory_space<vmem>>) dst(%dma_wait3A_833 : memref<128x32xf32, #tpu.memory_space<vmem_shared>>)
    %dma_wait3A_838 = arith.constant 6 : i32
    %dma_wait3A_839 = arith.constant 0 : i32
    %dma_wait3A_840 = arith.constant 0 : i32
    %dma_wait3A_841 = tpu.memref_slice %arg9[%dma_wait3A_838, %dma_wait3A_839, %dma_wait3A_840] : memref<8x128x32xf32, #tpu.memory_space<vmem>> -> memref<1x128x32xf32, #tpu.memory_space<vmem>>
    %dma_wait3A_842 = tpu.memref_squeeze %dma_wait3A_841 : memref<1x128x32xf32, #tpu.memory_space<vmem>> -> memref<128x32xf32, #tpu.memory_space<vmem>>
    %dma_wait3A_843 = arith.constant 0 : i32
    %dma_wait3A_844 = arith.constant 0 : i32
    %dma_wait3A_845 = tpu.memref_slice %arg10[%dma_wait3A_843, %dma_wait3A_844] : memref<10240x32xf32, #tpu.memory_space<vmem_shared>> -> memref<128x32xf32, #tpu.memory_space<vmem_shared>>
    %dma_wait3A_846 = arith.constant 0 : i32
    %dma_wait3A_847 = arith.constant 0 : i32
    %dma_wait3A_848 = tpu.memref_slice %arg10[%dma_wait3A_846, %dma_wait3A_847] : memref<10240x32xf32, #tpu.memory_space<vmem_shared>> -> memref<128x32xf32, #tpu.memory_space<vmem_shared>>
    %dma_wait3A_849 = arith.constant 0 : i32
    %dma_wait3A_850 = arith.constant 0 : i32
    %dma_wait3A_851 = tpu.memref_slice %arg9[%dma_wait3A_838, %dma_wait3A_849, %dma_wait3A_850] : memref<8x128x32xf32, #tpu.memory_space<vmem>> -> memref<1x128x32xf32, #tpu.memory_space<vmem>>
    %dma_wait3A_852 = tpu.memref_squeeze %dma_wait3A_851 : memref<1x128x32xf32, #tpu.memory_space<vmem>> -> memref<128x32xf32, #tpu.memory_space<vmem>>
    tpu.wait_dma2 semaphore(%arg26 : memref<!tpu.dma_semaphore, #tpu.memory_space<semaphore_mem>>) src(%dma_wait3A_852 : memref<128x32xf32, #tpu.memory_space<vmem>>) dst(%dma_wait3A_848 : memref<128x32xf32, #tpu.memory_space<vmem_shared>>)
    %dma_wait3A_853 = arith.constant 7 : i32
    %dma_wait3A_854 = arith.constant 0 : i32
    %dma_wait3A_855 = arith.constant 0 : i32
    %dma_wait3A_856 = tpu.memref_slice %arg9[%dma_wait3A_853, %dma_wait3A_854, %dma_wait3A_855] : memref<8x128x32xf32, #tpu.memory_space<vmem>> -> memref<1x128x32xf32, #tpu.memory_space<vmem>>
    %dma_wait3A_857 = tpu.memref_squeeze %dma_wait3A_856 : memref<1x128x32xf32, #tpu.memory_space<vmem>> -> memref<128x32xf32, #tpu.memory_space<vmem>>
    %dma_wait3A_858 = arith.constant 0 : i32
    %dma_wait3A_859 = arith.constant 0 : i32
    %dma_wait3A_860 = tpu.memref_slice %arg10[%dma_wait3A_858, %dma_wait3A_859] : memref<10240x32xf32, #tpu.memory_space<vmem_shared>> -> memref<128x32xf32, #tpu.memory_space<vmem_shared>>
    %dma_wait3A_861 = arith.constant 0 : i32
    %dma_wait3A_862 = arith.constant 0 : i32
    %dma_wait3A_863 = tpu.memref_slice %arg10[%dma_wait3A_861, %dma_wait3A_862] : memref<10240x32xf32, #tpu.memory_space<vmem_shared>> -> memref<128x32xf32, #tpu.memory_space<vmem_shared>>
    %dma_wait3A_864 = arith.constant 0 : i32
    %dma_wait3A_865 = arith.constant 0 : i32
    %dma_wait3A_866 = tpu.memref_slice %arg9[%dma_wait3A_853, %dma_wait3A_864, %dma_wait3A_865] : memref<8x128x32xf32, #tpu.memory_space<vmem>> -> memref<1x128x32xf32, #tpu.memory_space<vmem>>
    %dma_wait3A_867 = tpu.memref_squeeze %dma_wait3A_866 : memref<1x128x32xf32, #tpu.memory_space<vmem>> -> memref<128x32xf32, #tpu.memory_space<vmem>>
    tpu.wait_dma2 semaphore(%arg27 : memref<!tpu.dma_semaphore, #tpu.memory_space<semaphore_mem>>) src(%dma_wait3A_867 : memref<128x32xf32, #tpu.memory_space<vmem>>) dst(%dma_wait3A_863 : memref<128x32xf32, #tpu.memory_space<vmem_shared>>)
    %barrier3A_868 = arith.constant 0 : index
    tpu.barrier barrier_id(%barrier3A_868)
    "tpu.region"() ({
      %run_scoped3A = tpu.sem_alloc : memref<!tpu.dma_semaphore, #tpu.memory_space<semaphore_mem>>
      %dma_start3A_869 = arith.constant 0 : i32
      %dma_start3A_870 = tpu.memref_slice %arg6[%arg0, %mul3A_0, %dma_start3A_869] : memref<2x10240x32xf32, #tpu.memory_space<hbm>> -> memref<1x640x32xf32, #tpu.memory_space<hbm>>
      %dma_start3A_871 = tpu.memref_squeeze %dma_start3A_870 : memref<1x640x32xf32, #tpu.memory_space<hbm>> -> memref<640x32xf32, #tpu.memory_space<hbm>>
      %dma_start3A_872 = arith.constant 0 : i32
      %dma_start3A_873 = tpu.memref_slice %arg10[%mul3A_0, %dma_start3A_872] : memref<10240x32xf32, #tpu.memory_space<vmem_shared>> -> memref<640x32xf32, #tpu.memory_space<vmem_shared>>
      tpu.enqueue_dma source(%dma_start3A_873 : memref<640x32xf32, #tpu.memory_space<vmem_shared>>) target(%dma_start3A_871 : memref<640x32xf32, #tpu.memory_space<hbm>>) target_semaphore(%run_scoped3A : memref<!tpu.dma_semaphore, #tpu.memory_space<semaphore_mem>>)
      %dma_wait3A_874 = arith.constant 0 : i32
      %dma_wait3A_875 = tpu.memref_slice %arg6[%arg0, %mul3A_0, %dma_wait3A_874] : memref<2x10240x32xf32, #tpu.memory_space<hbm>> -> memref<1x640x32xf32, #tpu.memory_space<hbm>>
      %dma_wait3A_876 = tpu.memref_squeeze %dma_wait3A_875 : memref<1x640x32xf32, #tpu.memory_space<hbm>> -> memref<640x32xf32, #tpu.memory_space<hbm>>
      %dma_wait3A_877 = arith.constant 0 : i32
      %dma_wait3A_878 = tpu.memref_slice %arg10[%mul3A_0, %dma_wait3A_877] : memref<10240x32xf32, #tpu.memory_space<vmem_shared>> -> memref<640x32xf32, #tpu.memory_space<vmem_shared>>
      tpu.wait_dma2 semaphore(%run_scoped3A : memref<!tpu.dma_semaphore, #tpu.memory_space<semaphore_mem>>) src(%dma_wait3A_878 : memref<640x32xf32, #tpu.memory_space<vmem_shared>>) dst(%dma_wait3A_876 : memref<640x32xf32, #tpu.memory_space<hbm>>)
      tpu.yield
    }) : () -> ()
    return
  }
}

#map = affine_map<(d0, d1) -> (0, 0, 0)>
#map1 = affine_map<(d0, d1) -> (0)>
#map2 = affine_map<(d0, d1) -> (0, 0)>
module attributes {stable_mosaic.version = 14 : i64} {
  func.func @_deg_call(%arg0: i32, %arg1: i32, %arg2: memref<32x80x128xi32, #tpu.memory_space<hbm>>, %arg3: memref<640xf32, #tpu.memory_space<hbm>>, %arg4: memref<128xf32, #tpu.memory_space<hbm>>, %arg5: memref<2x10240xf32, #tpu.memory_space<hbm>>, %arg6: memref<80x128xi32, #tpu.memory_space<vmem>>, %arg7: memref<128xf32, #tpu.memory_space<vmem>>, %arg8: memref<10240xf32, #tpu.memory_space<vmem_shared>>, %arg9: memref<!tpu.dma_semaphore, #tpu.memory_space<semaphore_mem>>) attributes {dimension_semantics = [#tpu.dimension_semantics<core_parallel>, #tpu.dimension_semantics<subcore_parallel>], iteration_bounds = array<i64: 2, 16>, scalar_prefetch = 0 : i64, scratch_operands = 4 : i64, tpu.core_type = #tpu.core_type<sc_vector_subcore>, window_params = [{transform_indices = #map}, {transform_indices = #map1}, {transform_indices = #map1}, {transform_indices = #map2}]} {
    %mul3A = arith.constant 16 : i32
    %mul3A_0 = arith.muli %arg0, %mul3A : i32
    %add3A = arith.addi %mul3A_0, %arg1 : i32
    %mul3A_1 = arith.constant 640 : i32
    %mul3A_2 = arith.muli %arg1, %mul3A_1 : i32
    "tpu.region"() ({
      %run_scoped3A = tpu.sem_alloc : memref<!tpu.dma_semaphore, #tpu.memory_space<semaphore_mem>>
      %dma_start3A = tpu.memref_slice %arg8[%mul3A_2] : memref<10240xf32, #tpu.memory_space<vmem_shared>> -> memref<640xf32, #tpu.memory_space<vmem_shared>>
      tpu.enqueue_dma source(%arg3 : memref<640xf32, #tpu.memory_space<hbm>>) target(%dma_start3A : memref<640xf32, #tpu.memory_space<vmem_shared>>) target_semaphore(%run_scoped3A : memref<!tpu.dma_semaphore, #tpu.memory_space<semaphore_mem>>)
      %dma_wait3A_16 = tpu.memref_slice %arg8[%mul3A_2] : memref<10240xf32, #tpu.memory_space<vmem_shared>> -> memref<640xf32, #tpu.memory_space<vmem_shared>>
      tpu.wait_dma2 semaphore(%run_scoped3A : memref<!tpu.dma_semaphore, #tpu.memory_space<semaphore_mem>>) src(%arg3 : memref<640xf32, #tpu.memory_space<hbm>>) dst(%dma_wait3A_16 : memref<640xf32, #tpu.memory_space<vmem_shared>>)
      tpu.yield
    }) : () -> ()
    "tpu.region"() ({
      %run_scoped3A = tpu.sem_alloc : memref<!tpu.dma_semaphore, #tpu.memory_space<semaphore_mem>>
      tpu.enqueue_dma source(%arg4 : memref<128xf32, #tpu.memory_space<hbm>>) target(%arg7 : memref<128xf32, #tpu.memory_space<vmem>>) target_semaphore(%run_scoped3A : memref<!tpu.dma_semaphore, #tpu.memory_space<semaphore_mem>>)
      tpu.wait_dma2 semaphore(%run_scoped3A : memref<!tpu.dma_semaphore, #tpu.memory_space<semaphore_mem>>) src(%arg4 : memref<128xf32, #tpu.memory_space<hbm>>) dst(%arg7 : memref<128xf32, #tpu.memory_space<vmem>>)
      tpu.yield
    }) : () -> ()
    "tpu.region"() ({
      %run_scoped3A = tpu.sem_alloc : memref<!tpu.dma_semaphore, #tpu.memory_space<semaphore_mem>>
      %dma_start3A = arith.constant 0 : i32
      %dma_start3A_16 = arith.constant 0 : i32
      %dma_start3A_17 = tpu.memref_slice %arg2[%add3A, %dma_start3A, %dma_start3A_16] : memref<32x80x128xi32, #tpu.memory_space<hbm>> -> memref<1x80x128xi32, #tpu.memory_space<hbm>>
      %dma_start3A_18 = tpu.memref_squeeze %dma_start3A_17 : memref<1x80x128xi32, #tpu.memory_space<hbm>> -> memref<80x128xi32, #tpu.memory_space<hbm>>
      %dma_start3A_19 = arith.constant 0 : i32
      %dma_start3A_20 = arith.constant 0 : i32
      %dma_start3A_21 = tpu.memref_slice %arg2[%add3A, %dma_start3A_19, %dma_start3A_20] : memref<32x80x128xi32, #tpu.memory_space<hbm>> -> memref<1x80x128xi32, #tpu.memory_space<hbm>>
      %dma_start3A_22 = tpu.memref_squeeze %dma_start3A_21 : memref<1x80x128xi32, #tpu.memory_space<hbm>> -> memref<80x128xi32, #tpu.memory_space<hbm>>
      tpu.enqueue_dma source(%dma_start3A_22 : memref<80x128xi32, #tpu.memory_space<hbm>>) target(%arg6 : memref<80x128xi32, #tpu.memory_space<vmem>>) target_semaphore(%run_scoped3A : memref<!tpu.dma_semaphore, #tpu.memory_space<semaphore_mem>>)
      %dma_wait3A_23 = arith.constant 0 : i32
      %dma_wait3A_24 = arith.constant 0 : i32
      %dma_wait3A_25 = tpu.memref_slice %arg2[%add3A, %dma_wait3A_23, %dma_wait3A_24] : memref<32x80x128xi32, #tpu.memory_space<hbm>> -> memref<1x80x128xi32, #tpu.memory_space<hbm>>
      %dma_wait3A_26 = tpu.memref_squeeze %dma_wait3A_25 : memref<1x80x128xi32, #tpu.memory_space<hbm>> -> memref<80x128xi32, #tpu.memory_space<hbm>>
      %dma_wait3A_27 = arith.constant 0 : i32
      %dma_wait3A_28 = arith.constant 0 : i32
      %dma_wait3A_29 = tpu.memref_slice %arg2[%add3A, %dma_wait3A_27, %dma_wait3A_28] : memref<32x80x128xi32, #tpu.memory_space<hbm>> -> memref<1x80x128xi32, #tpu.memory_space<hbm>>
      %dma_wait3A_30 = tpu.memref_squeeze %dma_wait3A_29 : memref<1x80x128xi32, #tpu.memory_space<hbm>> -> memref<80x128xi32, #tpu.memory_space<hbm>>
      tpu.wait_dma2 semaphore(%run_scoped3A : memref<!tpu.dma_semaphore, #tpu.memory_space<semaphore_mem>>) src(%dma_wait3A_30 : memref<80x128xi32, #tpu.memory_space<hbm>>) dst(%arg6 : memref<80x128xi32, #tpu.memory_space<vmem>>)
      tpu.yield
    }) : () -> ()
    %barrier3A = arith.constant 0 : index
    tpu.barrier barrier_id(%barrier3A)
    %scan3A = arith.constant 0 : i32
    %scan3A_3 = arith.constant 0 : i32
    %scan3A_4 = arith.constant 80 : i32
    %scan3A_5 = arith.addi %scan3A_3, %scan3A_4 : i32
    %scan3A_6 = arith.constant 1 : i32
    scf.for %scan3A_16 = %scan3A_3 to %scan3A_5 step %scan3A_6  : i32 {
      %dma_start3A = arith.constant 0 : i32
      %dma_start3A_17 = tpu.memref_slice %arg6[%scan3A_16, %dma_start3A] : memref<80x128xi32, #tpu.memory_space<vmem>> -> memref<1x128xi32, #tpu.memory_space<vmem>>
      %dma_start3A_18 = tpu.memref_squeeze %dma_start3A_17 : memref<1x128xi32, #tpu.memory_space<vmem>> -> memref<128xi32, #tpu.memory_space<vmem>>
      %dma_start3A_19 = arith.constant 0 : i32
      %dma_start3A_20 = tpu.memref_slice %arg8[%dma_start3A_19] : memref<10240xf32, #tpu.memory_space<vmem_shared>> -> memref<10240xf32, #tpu.memory_space<vmem_shared>>
      tpu.enqueue_indirect_dma source(%arg7 : memref<128xf32, #tpu.memory_space<vmem>>) target(%dma_start3A_20 : memref<10240xf32, #tpu.memory_space<vmem_shared>>) offsets(%dma_start3A_18 : memref<128xi32, #tpu.memory_space<vmem>>) semaphore(%arg9 : memref<!tpu.dma_semaphore, #tpu.memory_space<semaphore_mem>>) {add = true}
    }
    %scan3A_7 = arith.constant 80 : i32
    %dma_wait3A = arith.constant 0 : i32
    %dma_wait3A_8 = arith.constant 0 : i32
    %dma_wait3A_9 = tpu.memref_slice %arg2[%add3A, %dma_wait3A, %dma_wait3A_8] : memref<32x80x128xi32, #tpu.memory_space<hbm>> -> memref<1x80x128xi32, #tpu.memory_space<hbm>>
    %dma_wait3A_10 = tpu.memref_squeeze %dma_wait3A_9 : memref<1x80x128xi32, #tpu.memory_space<hbm>> -> memref<80x128xi32, #tpu.memory_space<hbm>>
    %dma_wait3A_11 = arith.constant 0 : i32
    %dma_wait3A_12 = arith.constant 0 : i32
    %dma_wait3A_13 = tpu.memref_slice %arg2[%add3A, %dma_wait3A_11, %dma_wait3A_12] : memref<32x80x128xi32, #tpu.memory_space<hbm>> -> memref<1x80x128xi32, #tpu.memory_space<hbm>>
    %dma_wait3A_14 = tpu.memref_squeeze %dma_wait3A_13 : memref<1x80x128xi32, #tpu.memory_space<hbm>> -> memref<80x128xi32, #tpu.memory_space<hbm>>
    tpu.wait_dma2 semaphore(%arg9 : memref<!tpu.dma_semaphore, #tpu.memory_space<semaphore_mem>>) src(%dma_wait3A_14 : memref<80x128xi32, #tpu.memory_space<hbm>>) dst(%arg6 : memref<80x128xi32, #tpu.memory_space<vmem>>)
    %barrier3A_15 = arith.constant 0 : index
    tpu.barrier barrier_id(%barrier3A_15)
    "tpu.region"() ({
      %run_scoped3A = tpu.sem_alloc : memref<!tpu.dma_semaphore, #tpu.memory_space<semaphore_mem>>
      %dma_start3A = tpu.memref_slice %arg5[%arg0, %mul3A_2] : memref<2x10240xf32, #tpu.memory_space<hbm>> -> memref<1x640xf32, #tpu.memory_space<hbm>>
      %dma_start3A_16 = tpu.memref_squeeze %dma_start3A : memref<1x640xf32, #tpu.memory_space<hbm>> -> memref<640xf32, #tpu.memory_space<hbm>>
      %dma_start3A_17 = tpu.memref_slice %arg8[%mul3A_2] : memref<10240xf32, #tpu.memory_space<vmem_shared>> -> memref<640xf32, #tpu.memory_space<vmem_shared>>
      tpu.enqueue_dma source(%dma_start3A_17 : memref<640xf32, #tpu.memory_space<vmem_shared>>) target(%dma_start3A_16 : memref<640xf32, #tpu.memory_space<hbm>>) target_semaphore(%run_scoped3A : memref<!tpu.dma_semaphore, #tpu.memory_space<semaphore_mem>>)
      %dma_wait3A_18 = tpu.memref_slice %arg5[%arg0, %mul3A_2] : memref<2x10240xf32, #tpu.memory_space<hbm>> -> memref<1x640xf32, #tpu.memory_space<hbm>>
      %dma_wait3A_19 = tpu.memref_squeeze %dma_wait3A_18 : memref<1x640xf32, #tpu.memory_space<hbm>> -> memref<640xf32, #tpu.memory_space<hbm>>
      %dma_wait3A_20 = tpu.memref_slice %arg8[%mul3A_2] : memref<10240xf32, #tpu.memory_space<vmem_shared>> -> memref<640xf32, #tpu.memory_space<vmem_shared>>
      tpu.wait_dma2 semaphore(%run_scoped3A : memref<!tpu.dma_semaphore, #tpu.memory_space<semaphore_mem>>) src(%dma_wait3A_20 : memref<640xf32, #tpu.memory_space<vmem_shared>>) dst(%dma_wait3A_19 : memref<640xf32, #tpu.memory_space<hbm>>)
      tpu.yield
    }) : () -> ()
    return
  }
}

module attributes {stable_mosaic.version = 14 : i64} {
  func.func @_gru_body(%arg0: i32, %arg1: memref<12x2000x128xf32, #tpu.memory_space<vmem>>, %arg2: memref<192x128xf32, #tpu.memory_space<vmem>>, %arg3: memref<192x64xf32, #tpu.memory_space<vmem>>, %arg4: memref<1x192xf32, #tpu.memory_space<vmem>>, %arg5: memref<1x192xf32, #tpu.memory_space<vmem>>, %arg6: memref<64x64xf32, #tpu.memory_space<vmem>>, %arg7: memref<2000x1xf32, #tpu.memory_space<vmem>>, %arg8: memref<2000x1xf32, #tpu.memory_space<vmem>>, %arg9: memref<2x2000x32xf32, #tpu.memory_space<vmem>>, %arg10: memref<2000x1xf32, #tpu.memory_space<vmem>>, %arg11: memref<12x2000x192xf32, #tpu.memory_space<vmem>>) attributes {dimension_semantics = [#tpu.dimension_semantics<arbitrary>], iteration_bounds = array<i64: 5>, scalar_prefetch = 0 : i64, scratch_operands = 1 : i64, tpu.core_type = #tpu.core_type<tc>, window_params = [{transform_indices = @transform_0, window_bounds = array<i64: 12, 2000, 128>}, {pipeline_mode = #tpu.pipeline_mode<synchronous>, transform_indices = @transform_1, window_bounds = array<i64: 192, 128>}, {pipeline_mode = #tpu.pipeline_mode<synchronous>, transform_indices = @transform_2, window_bounds = array<i64: 192, 64>}, {pipeline_mode = #tpu.pipeline_mode<synchronous>, transform_indices = @transform_3, window_bounds = array<i64: 1, 192>}, {pipeline_mode = #tpu.pipeline_mode<synchronous>, transform_indices = @transform_4, window_bounds = array<i64: 1, 192>}, {pipeline_mode = #tpu.pipeline_mode<synchronous>, transform_indices = @transform_5, window_bounds = array<i64: 64, 64>}, {transform_indices = @transform_6, window_bounds = array<i64: 2000, 1>}, {transform_indices = @transform_7, window_bounds = array<i64: 2000, 1>}, {transform_indices = @transform_8, window_bounds = array<i64: 2, 2000, 32>}, {transform_indices = @transform_9, window_bounds = array<i64: 2000, 1>}]} {
    %get3A = arith.constant 0 : index
    %get3A_0 = arith.constant 0 : index
    %get3A_1 = arith.constant 0 : index
    %get3A_2 = vector.load %arg1[%get3A, %get3A_0, %get3A_1] : memref<12x2000x128xf32, #tpu.memory_space<vmem>>, vector<12x2000x128xf32>
    %reshape3A = vector.shape_cast %get3A_2 : vector<12x2000x128xf32> to vector<24000x128xf32>
    %get3A_3 = arith.constant 0 : index
    %get3A_4 = arith.constant 0 : index
    %get3A_5 = vector.load %arg2[%get3A_3, %get3A_4] : memref<192x128xf32, #tpu.memory_space<vmem>>, vector<192x128xf32>
    %dot_general3A = arith.constant dense<0.000000e+00> : vector<24000x192xf32>
    %dot_general3A_6 = tpu.matmul %reshape3A, %get3A_5, %dot_general3A {dimension_numbers = #tpu.dot_dimension_numbers<[1], [1], [0], [0], [0, 0, 1, 0], [], []>, transpose_lhs_hint = false} : vector<24000x128xf32>, vector<192x128xf32>, vector<24000x192xf32> -> vector<24000x192xf32>
    %get3A_7 = arith.constant 0 : index
    %get3A_8 = arith.constant 0 : index
    %get3A_9 = vector.load %arg4[%get3A_7, %get3A_8] : memref<1x192xf32, #tpu.memory_space<vmem>>, vector<1x192xf32>
    %add3A = vector.broadcast %get3A_9 : vector<1x192xf32> to vector<24000x192xf32>
    %add3A_10 = arith.addf %dot_general3A_6, %add3A : vector<24000x192xf32>
    %reshape3A_11 = vector.shape_cast %add3A_10 : vector<24000x192xf32> to vector<12x2000x192xf32>
    %swap3A = arith.constant 0 : index
    %swap3A_12 = arith.constant 0 : index
    %swap3A_13 = arith.constant 0 : index
    %swap3A_14 = vector.load %arg11[%swap3A, %swap3A_12, %swap3A_13] : memref<12x2000x192xf32, #tpu.memory_space<vmem>>, vector<12x2000x192xf32>
    tpu.vector_store %arg11[%swap3A, %swap3A_12, %swap3A_13], %reshape3A_11 {strides = array<i32>} : memref<12x2000x192xf32, #tpu.memory_space<vmem>>, vector<12x2000x192xf32>,
    %get3A_15 = arith.constant 0 : index
    %get3A_16 = arith.constant 0 : index
    %get3A_17 = vector.load %arg3[%get3A_15, %get3A_16] : memref<192x64xf32, #tpu.memory_space<vmem>>, vector<192x64xf32>
    %get3A_18 = arith.constant 0 : index
    %get3A_19 = arith.constant 0 : index
    %get3A_20 = vector.load %arg5[%get3A_18, %get3A_19] : memref<1x192xf32, #tpu.memory_space<vmem>>, vector<1x192xf32>
    %broadcast_in_dim3A = arith.constant 0.000000e+00 : f32
    %broadcast_in_dim3A_21 = vector.broadcast %broadcast_in_dim3A : f32 to vector<2000x64xf32>
    %scan3A = arith.constant 0 : i32
    %scan3A_22 = arith.constant 12 : i32
    %scan3A_23 = arith.addi %scan3A, %scan3A_22 : i32
    %scan3A_24 = arith.constant 1 : i32
    %scan3A_25 = scf.for %scan3A_53 = %scan3A to %scan3A_23 step %scan3A_24 iter_args(%scan3A_54 = %broadcast_in_dim3A_21) -> (vector<2000x64xf32>)  : i32 {
      %get3A_55 = arith.index_cast %scan3A_53 : i32 to index
      %get3A_56 = arith.constant 0 : index
      %get3A_57 = arith.constant 0 : index
      %get3A_58 = vector.load %arg11[%get3A_55, %get3A_56, %get3A_57] : memref<12x2000x192xf32, #tpu.memory_space<vmem>>, vector<1x2000x192xf32>
      %get3A_59 = vector.shape_cast %get3A_58 : vector<1x2000x192xf32> to vector<2000x192xf32>
      %dot_general3A_60 = arith.constant dense<0.000000e+00> : vector<2000x192xf32>
      %dot_general3A_61 = tpu.matmul %scan3A_54, %get3A_17, %dot_general3A_60 {dimension_numbers = #tpu.dot_dimension_numbers<[1], [1], [0], [0], [0, 0, 1, 0], [], []>, transpose_lhs_hint = false} : vector<2000x64xf32>, vector<192x64xf32>, vector<2000x192xf32> -> vector<2000x192xf32>
      %add3A_62 = vector.broadcast %get3A_20 : vector<1x192xf32> to vector<2000x192xf32>
      %add3A_63 = arith.addf %dot_general3A_61, %add3A_62 : vector<2000x192xf32>
      %slice3A_64 = vector.extract_strided_slice %get3A_59 {offsets = [0, 0], sizes = [2000, 64], strides = [1, 1]} : vector<2000x192xf32> to vector<2000x64xf32>
      %slice3A_65 = vector.extract_strided_slice %add3A_63 {offsets = [0, 0], sizes = [2000, 64], strides = [1, 1]} : vector<2000x192xf32> to vector<2000x64xf32>
      %add3A_66 = arith.addf %slice3A_64, %slice3A_65 : vector<2000x64xf32>
      %logistic3A = arith.negf %add3A_66 : vector<2000x64xf32>
      %logistic3A_67 = math.exp %logistic3A : vector<2000x64xf32>
      %logistic3A_68 = arith.constant 1.000000e+00 : f32
      %logistic3A_69 = vector.broadcast %logistic3A_68 : f32 to vector<2000x64xf32>
      %logistic3A_70 = arith.addf %logistic3A_69, %logistic3A_67 : vector<2000x64xf32>
      %logistic3A_71 = arith.divf %logistic3A_69, %logistic3A_70 : vector<2000x64xf32>
      %slice3A_72 = vector.extract_strided_slice %get3A_59 {offsets = [0, 64], sizes = [2000, 64], strides = [1, 1]} : vector<2000x192xf32> to vector<2000x64xf32>
      %slice3A_73 = vector.extract_strided_slice %add3A_63 {offsets = [0, 64], sizes = [2000, 64], strides = [1, 1]} : vector<2000x192xf32> to vector<2000x64xf32>
      %add3A_74 = arith.addf %slice3A_72, %slice3A_73 : vector<2000x64xf32>
      %logistic3A_75 = arith.negf %add3A_74 : vector<2000x64xf32>
      %logistic3A_76 = math.exp %logistic3A_75 : vector<2000x64xf32>
      %logistic3A_77 = arith.constant 1.000000e+00 : f32
      %logistic3A_78 = vector.broadcast %logistic3A_77 : f32 to vector<2000x64xf32>
      %logistic3A_79 = arith.addf %logistic3A_78, %logistic3A_76 : vector<2000x64xf32>
      %logistic3A_80 = arith.divf %logistic3A_78, %logistic3A_79 : vector<2000x64xf32>
      %slice3A_81 = vector.extract_strided_slice %get3A_59 {offsets = [0, 128], sizes = [2000, 64], strides = [1, 1]} : vector<2000x192xf32> to vector<2000x64xf32>
      %slice3A_82 = vector.extract_strided_slice %add3A_63 {offsets = [0, 128], sizes = [2000, 64], strides = [1, 1]} : vector<2000x192xf32> to vector<2000x64xf32>
      %mul3A_83 = arith.mulf %logistic3A_71, %slice3A_82 : vector<2000x64xf32>
      %add3A_84 = arith.addf %slice3A_81, %mul3A_83 : vector<2000x64xf32>
      %tanh3A = math.tanh %add3A_84 : vector<2000x64xf32>
      %sub3A = arith.constant 1.000000e+00 : f32
      %sub3A_85 = vector.broadcast %sub3A : f32 to vector<2000x64xf32>
      %sub3A_86 = arith.subf %sub3A_85, %logistic3A_80 : vector<2000x64xf32>
      %mul3A_87 = arith.mulf %sub3A_86, %tanh3A : vector<2000x64xf32>
      %mul3A_88 = arith.mulf %logistic3A_80, %scan3A_54 : vector<2000x64xf32>
      %add3A_89 = arith.addf %mul3A_87, %mul3A_88 : vector<2000x64xf32>
      scf.yield %add3A_89 : vector<2000x64xf32>
    }
    %scan3A_26 = arith.constant 12 : i32
    %get3A_27 = arith.constant 0 : index
    %get3A_28 = arith.constant 0 : index
    %get3A_29 = vector.load %arg6[%get3A_27, %get3A_28] : memref<64x64xf32, #tpu.memory_space<vmem>>, vector<64x64xf32>
    %dot_general3A_30 = arith.constant dense<0.000000e+00> : vector<2000x64xf32>
    %dot_general3A_31 = tpu.matmul %scan3A_25, %get3A_29, %dot_general3A_30 {dimension_numbers = #tpu.dot_dimension_numbers<[1], [0], [0], [1], [0, 0, 1, 1], [], []>, transpose_lhs_hint = false} : vector<2000x64xf32>, vector<64x64xf32>, vector<2000x64xf32> -> vector<2000x64xf32>
    %get3A_32 = arith.constant 0 : index
    %get3A_33 = arith.constant 0 : index
    %get3A_34 = vector.load %arg7[%get3A_32, %get3A_33] : memref<2000x1xf32, #tpu.memory_space<vmem>>, vector<2000x1xf32>
    %get3A_35 = arith.constant 0 : index
    %get3A_36 = arith.constant 0 : index
    %get3A_37 = vector.load %arg8[%get3A_35, %get3A_36] : memref<2000x1xf32, #tpu.memory_space<vmem>>, vector<2000x1xf32>
    %add3A_38 = arith.addf %get3A_34, %get3A_37 : vector<2000x1xf32>
    %add3A_39 = arith.constant 1.000000e+00 : f32
    %add3A_40 = vector.broadcast %add3A_39 : f32 to vector<2000x1xf32>
    %add3A_41 = arith.addf %add3A_38, %add3A_40 : vector<2000x1xf32>
    %rsqrt3A = math.rsqrt %add3A_41 : vector<2000x1xf32>
    %mul3A = vector.broadcast %rsqrt3A : vector<2000x1xf32> to vector<2000x64xf32>
    %mul3A_42 = arith.mulf %dot_general3A_31, %mul3A : vector<2000x64xf32>
    %slice3A = vector.extract_strided_slice %mul3A_42 {offsets = [0, 0], sizes = [2000, 32], strides = [1, 1]} : vector<2000x64xf32> to vector<2000x32xf32>
    %slice3A_43 = vector.extract_strided_slice %mul3A_42 {offsets = [0, 32], sizes = [2000, 32], strides = [1, 1]} : vector<2000x64xf32> to vector<2000x32xf32>
    %stack3A = vector.shape_cast %slice3A : vector<2000x32xf32> to vector<1x2000x32xf32>
    %stack3A_44 = vector.shape_cast %slice3A_43 : vector<2000x32xf32> to vector<1x2000x32xf32>
    %stack3A_45 = tpu.concatenate %stack3A, %stack3A_44 in 0 : vector<1x2000x32xf32>, vector<1x2000x32xf32> -> vector<2x2000x32xf32>
    %swap3A_46 = arith.constant 0 : index
    %swap3A_47 = arith.constant 0 : index
    %swap3A_48 = arith.constant 0 : index
    %swap3A_49 = vector.load %arg9[%swap3A_46, %swap3A_47, %swap3A_48] : memref<2x2000x32xf32, #tpu.memory_space<vmem>>, vector<2x2000x32xf32>
    tpu.vector_store %arg9[%swap3A_46, %swap3A_47, %swap3A_48], %stack3A_45 {strides = array<i32>} : memref<2x2000x32xf32, #tpu.memory_space<vmem>>, vector<2x2000x32xf32>,
    %swap3A_50 = arith.constant 0 : index
    %swap3A_51 = arith.constant 0 : index
    %swap3A_52 = vector.load %arg10[%swap3A_50, %swap3A_51] : memref<2000x1xf32, #tpu.memory_space<vmem>>, vector<2000x1xf32>
    tpu.vector_store %arg10[%swap3A_50, %swap3A_51], %rsqrt3A {strides = array<i32>} : memref<2000x1xf32, #tpu.memory_space<vmem>>, vector<2000x1xf32>,
    return
  }
  func.func @transform_0(%arg0: i32) -> (i32, i32, i32) {
    %c0_i32 = arith.constant 0 : i32
    %c0_i32_0 = arith.constant 0 : i32
    %c0_i32_1 = arith.constant 0 : i32
    return %c0_i32, %arg0, %c0_i32_0 : i32, i32, i32
  }
  func.func @transform_1(%arg0: i32) -> (i32, i32) {
    %c0_i32 = arith.constant 0 : i32
    %c0_i32_0 = arith.constant 0 : i32
    %c0_i32_1 = arith.constant 0 : i32
    return %c0_i32, %c0_i32_0 : i32, i32
  }
  func.func @transform_2(%arg0: i32) -> (i32, i32) {
    %c0_i32 = arith.constant 0 : i32
    %c0_i32_0 = arith.constant 0 : i32
    %c0_i32_1 = arith.constant 0 : i32
    return %c0_i32, %c0_i32_0 : i32, i32
  }
  func.func @transform_3(%arg0: i32) -> (i32, i32) {
    %c0_i32 = arith.constant 0 : i32
    %c0_i32_0 = arith.constant 0 : i32
    %c0_i32_1 = arith.constant 0 : i32
    return %c0_i32, %c0_i32_0 : i32, i32
  }
  func.func @transform_4(%arg0: i32) -> (i32, i32) {
    %c0_i32 = arith.constant 0 : i32
    %c0_i32_0 = arith.constant 0 : i32
    %c0_i32_1 = arith.constant 0 : i32
    return %c0_i32, %c0_i32_0 : i32, i32
  }
  func.func @transform_5(%arg0: i32) -> (i32, i32) {
    %c0_i32 = arith.constant 0 : i32
    %c0_i32_0 = arith.constant 0 : i32
    %c0_i32_1 = arith.constant 0 : i32
    return %c0_i32, %c0_i32_0 : i32, i32
  }
  func.func @transform_6(%arg0: i32) -> (i32, i32) {
    %c0_i32 = arith.constant 0 : i32
    %c0_i32_0 = arith.constant 0 : i32
    return %arg0, %c0_i32 : i32, i32
  }
  func.func @transform_7(%arg0: i32) -> (i32, i32) {
    %c0_i32 = arith.constant 0 : i32
    %c0_i32_0 = arith.constant 0 : i32
    return %arg0, %c0_i32 : i32, i32
  }
  func.func @transform_8(%arg0: i32) -> (i32, i32, i32) {
    %c0_i32 = arith.constant 0 : i32
    %c0_i32_0 = arith.constant 0 : i32
    %c0_i32_1 = arith.constant 0 : i32
    return %c0_i32, %arg0, %c0_i32_0 : i32, i32, i32
  }
  func.func @transform_9(%arg0: i32) -> (i32, i32) {
    %c0_i32 = arith.constant 0 : i32
    %c0_i32_0 = arith.constant 0 : i32
    return %arg0, %c0_i32 : i32, i32
  }
}

module attributes {stable_mosaic.version = 14 : i64} {
  func.func @_combine_body(%arg0: i32, %arg1: memref<2x2000x32xf32, #tpu.memory_space<vmem>>, %arg2: memref<2x2000x32xf32, #tpu.memory_space<vmem>>, %arg3: memref<2000x1xf32, #tpu.memory_space<vmem>>, %arg4: memref<1x64xf32, #tpu.memory_space<vmem>>, %arg5: memref<2000x64xf32, #tpu.memory_space<vmem>>) attributes {dimension_semantics = [#tpu.dimension_semantics<arbitrary>], iteration_bounds = array<i64: 5>, scalar_prefetch = 0 : i64, scratch_operands = 0 : i64, tpu.core_type = #tpu.core_type<tc>, window_params = [{transform_indices = @transform_0, window_bounds = array<i64: 2, 2000, 32>}, {transform_indices = @transform_1, window_bounds = array<i64: 2, 2000, 32>}, {transform_indices = @transform_2, window_bounds = array<i64: 2000, 1>}, {pipeline_mode = #tpu.pipeline_mode<synchronous>, transform_indices = @transform_3, window_bounds = array<i64: 1, 64>}, {transform_indices = @transform_4, window_bounds = array<i64: 2000, 64>}]} {
    %get3A = arith.constant 0 : index
    %get3A_0 = arith.constant 0 : index
    %get3A_1 = arith.constant 0 : index
    %get3A_2 = vector.load %arg1[%get3A, %get3A_0, %get3A_1] : memref<2x2000x32xf32, #tpu.memory_space<vmem>>, vector<2x2000x32xf32>
    %get3A_3 = arith.constant 0 : index
    %get3A_4 = arith.constant 0 : index
    %get3A_5 = arith.constant 0 : index
    %get3A_6 = vector.load %arg2[%get3A_3, %get3A_4, %get3A_5] : memref<2x2000x32xf32, #tpu.memory_space<vmem>>, vector<2x2000x32xf32>
    %slice3A = vector.extract_strided_slice %get3A_2 {offsets = [0, 0, 0], sizes = [1, 2000, 32], strides = [1, 1, 1]} : vector<2x2000x32xf32> to vector<1x2000x32xf32>
    %squeeze3A = vector.shape_cast %slice3A : vector<1x2000x32xf32> to vector<2000x32xf32>
    %slice3A_7 = vector.extract_strided_slice %get3A_6 {offsets = [0, 0, 0], sizes = [1, 2000, 32], strides = [1, 1, 1]} : vector<2x2000x32xf32> to vector<1x2000x32xf32>
    %squeeze3A_8 = vector.shape_cast %slice3A_7 : vector<1x2000x32xf32> to vector<2000x32xf32>
    %add3A = arith.addf %squeeze3A, %squeeze3A_8 : vector<2000x32xf32>
    %slice3A_9 = vector.extract_strided_slice %get3A_2 {offsets = [1, 0, 0], sizes = [1, 2000, 32], strides = [1, 1, 1]} : vector<2x2000x32xf32> to vector<1x2000x32xf32>
    %squeeze3A_10 = vector.shape_cast %slice3A_9 : vector<1x2000x32xf32> to vector<2000x32xf32>
    %slice3A_11 = vector.extract_strided_slice %get3A_6 {offsets = [1, 0, 0], sizes = [1, 2000, 32], strides = [1, 1, 1]} : vector<2x2000x32xf32> to vector<1x2000x32xf32>
    %squeeze3A_12 = vector.shape_cast %slice3A_11 : vector<1x2000x32xf32> to vector<2000x32xf32>
    %add3A_13 = arith.addf %squeeze3A_10, %squeeze3A_12 : vector<2000x32xf32>
    %concatenate3A = tpu.concatenate %add3A, %add3A_13 in 1 : vector<2000x32xf32>, vector<2000x32xf32> -> vector<2000x64xf32>
    %get3A_14 = arith.constant 0 : index
    %get3A_15 = arith.constant 0 : index
    %get3A_16 = vector.load %arg3[%get3A_14, %get3A_15] : memref<2000x1xf32, #tpu.memory_space<vmem>>, vector<2000x1xf32>
    %mul3A = vector.broadcast %get3A_16 : vector<2000x1xf32> to vector<2000x64xf32>
    %mul3A_17 = arith.mulf %concatenate3A, %mul3A : vector<2000x64xf32>
    %get3A_18 = arith.constant 0 : index
    %get3A_19 = arith.constant 0 : index
    %get3A_20 = vector.load %arg4[%get3A_18, %get3A_19] : memref<1x64xf32, #tpu.memory_space<vmem>>, vector<1x64xf32>
    %add3A_21 = vector.broadcast %get3A_20 : vector<1x64xf32> to vector<2000x64xf32>
    %add3A_22 = arith.addf %mul3A_17, %add3A_21 : vector<2000x64xf32>
    %swap3A = arith.constant 0 : index
    %swap3A_23 = arith.constant 0 : index
    %swap3A_24 = vector.load %arg5[%swap3A, %swap3A_23] : memref<2000x64xf32, #tpu.memory_space<vmem>>, vector<2000x64xf32>
    tpu.vector_store %arg5[%swap3A, %swap3A_23], %add3A_22 {strides = array<i32>} : memref<2000x64xf32, #tpu.memory_space<vmem>>, vector<2000x64xf32>,
    return
  }
  func.func @transform_0(%arg0: i32) -> (i32, i32, i32) {
    %c0_i32 = arith.constant 0 : i32
    %c0_i32_0 = arith.constant 0 : i32
    %c0_i32_1 = arith.constant 0 : i32
    return %c0_i32, %arg0, %c0_i32_0 : i32, i32, i32
  }
  func.func @transform_1(%arg0: i32) -> (i32, i32, i32) {
    %c0_i32 = arith.constant 0 : i32
    %c0_i32_0 = arith.constant 0 : i32
    %c0_i32_1 = arith.constant 0 : i32
    return %c0_i32, %arg0, %c0_i32_0 : i32, i32, i32
  }
  func.func @transform_2(%arg0: i32) -> (i32, i32) {
    %c0_i32 = arith.constant 0 : i32
    %c0_i32_0 = arith.constant 0 : i32
    return %arg0, %c0_i32 : i32, i32
  }
  func.func @transform_3(%arg0: i32) -> (i32, i32) {
    %c0_i32 = arith.constant 0 : i32
    %c0_i32_0 = arith.constant 0 : i32
    %c0_i32_1 = arith.constant 0 : i32
    return %c0_i32, %c0_i32_0 : i32, i32
  }
  func.func @transform_4(%arg0: i32) -> (i32, i32) {
    %c0_i32 = arith.constant 0 : i32
    %c0_i32_0 = arith.constant 0 : i32
    return %arg0, %c0_i32 : i32, i32
  }
}

</mosaic_0001>

<sc_bundles>
// kernel: kernel.6.cloned.1.call-start
scs
__scs_entry_jumppad:
0x0: {  	(pc) =	sbr.rel $0x88, $3  }
0x1: {  	(tag) =	ssettag $0x0;
	lr =	simm.s32 $0x1  }
0x2: {  	[smem:$0x3F99] =	sst lr;
	_ =	strace $0xD0000000  }
0x3: {  	_ = 	snop  }
0x4: {  	_ = 	snop  }
0x5: {  	_ = 	snop  }
0x6: {  	_ = 	snop  }
0x7: {  	_ = 	snop  }
__scs_overlays_trampoline_lowered:
0x8: {  	[smem:$0x3FA8] =	sst s0  }
0x9: {  	[smem:$0x3FA9] =	sst s1  }
0xa: {  	[smem:$0x3FAA] =	sst s2  }
0xb: {  	[smem:$0x3FAB] =	sst s3  }
0xc: {  	[smem:$0x3FAC] =	sst s4  }
0xd: {  	[smem:$0x3FAD] =	sst s5  }
0xe: {  	[smem:$0x3FAE] =	sst s6  }
0xf: {  	[smem:$0x3FAF] =	sst s7  }
0x10: {  	[smem:$0x3FB0] =	sst s8  }
0x11: {  	[smem:$0x3FB1] =	sst s9;
	s0 =	simm.s32 @!p0 $0x0  }
0x12: {  	s1 =	sld [smem:$0x3F97];
	s0 =	simm.s32 @p0 $0x1  }
0x13: {  	[smem:$0x3FB2] =	sst s0;
	s0 =	simm.s32 @!p1 $0x0  }
0x14: {  	s2 =	sld [smem:$0x3F96];
	s0 =	simm.s32 @p1 $0x1  }
0x15: {  	[smem:$0x3FB3] =	sst s0;
	s0 =	simm.s32 @!p2 $0x0  }
0x16: {  	s3 =	sld [smem:$0x3FDB];
	s0 =	simm.s32 @p2 $0x1  }
0x17: {  	s4 =	simm.s32 $0x1BF5;
	[smem:$0x3FB5] =	sst s0  }
0x18: {  	s0 =	sld [smem:$0x3F98];
	_ =	swait.ge [sflag:s4], $0x0  }
0x19: {  	s7 =	sld [smem:$0x3F99]  }
0x1a: {  	s8 =	sadd.s32 $0xFFFFE003, lr  }
0x1b: {  	s9 =	sadd.s32 $0xFFFFFEF7, lr;
	s5 =	simm.s32 $0xFFFFFFFF;
	p2 =	slt.u32 s8, $0xFFFFF086  }
0x1c: {  	p1 =	slt.u32 s9, $0xF7A;
	s5 =	simm.s32 @!p2 $0x0  }
0x1d: {  	s5 =	simm.s32 @p1 $0x1;
	p0 =	seq.s32 s7, s2  }
0x1e: {  	s7 =	smul.u32 @!p0 $0xF7A, s2;
	p2 =	seq.s32 @!p0 s5, $0x0  }
0x1f: {  	s9 =	smul.u32 $0xF7A, s1;
	s8 =	simm.s32 @!p0 $0x1BF5;
	p2 =	por !p2, p0  }
0x20: {  	[sflag:s8] =	ssyncset.s32 @!p0 $0xFFFFF086;
	s6 =	sadd.s32 @!p0 s3, s7;
	s7 =	simm.s32 @!p0 $0x108  }
0x21: {  	s3 =	sadd.s32 s3, s9;
	s6 =	sadd.s32 @!p0 $0x88, s6;
	s7 =	simm.s32 @p2 $0x1082  }
0x22: {  	[simem:s7], [sflag:s8] =	dma.local @!p0 [hbm:s6], $0xF7A  }
0x23: {  	s9 =	sor.u32 $0xD0000000, s2;
	s6 =	simm.s32 $0x108;
	_ =	swait.ge @!p0 [sflag:s8], $0x0  }
0x24: {  	s3 =	sadd.s32 $0x88, s3;
	s6 =	simm.s32 @!p1 $0x1082;
	[sflag:s4] =	ssyncset.s32 $0xFFFFF086  }
0x25: {  	[simem:s6], [sflag:s4] =	dma.local [hbm:s3], $0xF7A  }
0x26: {  	[smem:$0x3F99] =	sst s1;
	(tag) =	ssettag s2;
	_ =	strace s9  }
0x27: {  	s1 =	sld [smem:$0x3FA9]  }
0x28: {  	s2 =	sld [smem:$0x3FAA]  }
0x29: {  	s4 =	sld [smem:$0x3FAC]  }
0x2a: {  	p0 =	seq.s32 s5, $0x0;
	s5 =	sld [smem:$0x3FAD]  }
0x2b: {  	s6 =	sld [smem:$0x3FAE]  }
0x2c: {  	s7 =	sld [smem:$0x3FAF]  }
0x2d: {  	s3 =	simm.s32 $0x108;
	s8 =	sld [smem:$0x3FB0]  }
0x2e: {  	s3 =	simm.s32 @!p0 $0x1082;
	s9 =	sld [smem:$0x3FB1]  }
0x2f: {  	lr =	sadd.s32 s0, s3;
	s0 =	sld [smem:$0x3FA8]  }
0x30: {  	s3 =	sld [smem:$0x3FAB]  }
0x31: {  	[smem:$0x3FB4] =	sst s10  }
0x32: {  	s10 =	sld [smem:$0x3FB2];
	_ =	sdelay $0x3  }
0x33: {  	p0 =	seq.s32 s10, $0x1;
	s10 =	sld [smem:$0x3FB4];
	_ =	sdelay $0x3  }
0x34: {  	[smem:$0x3FB4] =	sst s10  }
0x35: {  	s10 =	sld [smem:$0x3FB3];
	_ =	sdelay $0x3  }
0x36: {  	p1 =	seq.s32 s10, $0x1;
	s10 =	sld [smem:$0x3FB4];
	_ =	sdelay $0x3  }
0x37: {  	[smem:$0x3FB4] =	sst s10  }
0x38: {  	s10 =	sld [smem:$0x3FB5]  }
0x39: {  	_ = 	snop;
	(pc) =	sbr.ind lr, $3  }
0x3a: {  	_ = 	snop  }
0x3b: {  	_ = 	snop  }
0x3c: {  	p2 =	seq.s32 s10, $0x1;
	s10 =	sld [smem:$0x3FB4]  }
0x3d: {  	_ =	shalt  }
0x3e: {  	_ =	shalt  }
0x3f: {  	_ =	shalt  }
0x40: {  	_ =	shalt  }
0x41: {  	_ =	shalt  }
0x42: {  	_ =	shalt  }
0x43: {  	_ =	shalt  }
0x44: {  	_ =	shalt  }
0x45: {  	_ =	shalt  }
0x46: {  	_ =	shalt  }
0x47: {  	_ =	shalt  }
0x48: {  	_ =	shalt  }
0x49: {  	_ =	shalt  }
0x4a: {  	_ =	shalt  }
0x4b: {  	_ =	shalt  }
0x4c: {  	_ =	shalt  }
0x4d: {  	_ =	shalt  }
0x4e: {  	_ =	shalt  }
0x4f: {  	_ =	shalt  }
0x50: {  	_ =	shalt  }
0x51: {  	_ =	shalt  }
0x52: {  	_ =	shalt  }
0x53: {  	_ =	shalt  }
0x54: {  	_ =	shalt  }
0x55: {  	_ =	shalt  }
0x56: {  	_ =	shalt  }
0x57: {  	_ =	shalt  }
0x58: {  	_ =	shalt  }
0x59: {  	_ =	shalt  }
0x5a: {  	_ =	shalt  }
0x5b: {  	_ =	shalt  }
0x5c: {  	_ =	shalt  }
0x5d: {  	_ =	shalt  }
0x5e: {  	_ =	shalt  }
0x5f: {  	_ =	shalt  }
0x60: {  	_ =	shalt  }
0x61: {  	_ =	shalt  }
0x62: {  	_ =	shalt  }
0x63: {  	_ =	shalt  }
0x64: {  	_ =	shalt  }
0x65: {  	_ =	shalt  }
0x66: {  	_ =	shalt  }
0x67: {  	_ =	shalt  }
0x68: {  	_ =	shalt  }
0x69: {  	_ =	shalt  }
0x6a: {  	_ =	shalt  }
0x6b: {  	_ =	shalt  }
0x6c: {  	_ =	shalt  }
0x6d: {  	_ =	shalt  }
0x6e: {  	_ =	shalt  }
0x6f: {  	_ =	shalt  }
0x70: {  	_ =	shalt  }
0x71: {  	_ =	shalt  }
0x72: {  	_ =	shalt  }
0x73: {  	_ =	shalt  }
0x74: {  	_ =	shalt  }
0x75: {  	_ =	shalt  }
0x76: {  	_ =	shalt  }
0x77: {  	_ =	shalt  }
0x78: {  	_ =	shalt  }
0x79: {  	_ =	shalt  }
0x7a: {  	_ =	shalt  }
0x7b: {  	_ =	shalt  }
0x7c: {  	_ =	shalt  }
0x7d: {  	_ =	shalt  }
0x7e: {  	_ =	shalt  }
0x7f: {  	_ =	shalt  }
0x80: {  	_ =	shalt  }
0x81: {  	_ =	shalt  }
0x82: {  	_ =	shalt  }
0x83: {  	_ =	shalt  }
0x84: {  	_ =	shalt  }
0x85: {  	_ =	shalt  }
0x86: {  	_ =	shalt  }
0x87: {  	_ =	shalt  }
.Lfunc_end0:
.L_simem_size_0:
called_computation_lowered:
.L_overlay_start_0:
0x88: {  	s2 =	sld [smem:$0x3FD9]  }
0x89: {  	s3 =	sld [smem:$0x3FFE];
	_ =	sdelay $0x1  }
0x8a: {  	s1 =	srdreg.scid  }
0x8b: {  	s0 =	sand.u32 $0x1, s1  }
0x8c: {  	s16 =	sshll.u32 s0, $0xA;
	s2 =	sadd.s32 s3, s2  }
0x8d: {  	s2 =	sadd.s32 s2, s16  }
0x8e: {  	[smem:$0x3FC0] =	sst s2  }
0x8f: {  	_ = 	snop  }
0x90: {  	(tm) =	ssettm $0x1  }
0x91: {  	s17 =	sld [smem:$0x3FFB];
	_ =	sdelay $0x3  }
0x92: {  	_ =	strace s17  }
0x93: {  	s2 =	sld [smem:$0x3FFC];
	_ =	sdelay $0x3  }
0x94: {  	_ =	strace s2  }
0x95: {  	s2 =	sld [smem:$0x3FFD];
	_ =	sdelay $0x3  }
0x96: {  	_ =	strace s2  }
0x97: {  	_ =	strace $0x8FFFFFFF  }
0x98: {  	s18 =	sld [smem:$0x3FDB];
	_ =	sdelay $0x1  }
0x99: {  	s19 =	simm.s32 $_scs_section_size  }
0x9a: {  	s4 =	simm.s32 $_size__tile_overlayer_lowered;
	s5 =	simm.s32 $_tile_overlayer_lowered  }
0x9b: {  	s22 =	simm.s32 $0x1BFF;
	s21 =	sshll.u32 s5, $0x1;
	s2 =	sadd.s32 s19, s18  }
0x9c: {  	s6 =	simm.s32 $0x0;
	s20 =	sshll.u32 s4, $0x1;
	s4 =	sadd.s32 s21, s2  }
0x9d: {  	[timem:s6], [sflag:s22] =	dma.local [hbm:s4], s20  }
0x9e: {  	_ =	swait.ge [sflag:s22], s20  }
0x9f: {  	s3 =	ssub.s32 $0x0, s20;
	[sflag:s22] =	ssyncset.done $0x0  }
0xa0: {  	[sflag:s22] =	ssyncadd.s32 s3;
	_ =	sdelay $0x1  }
0xa1: {  	s23 =	simm.s32 $0x1B8B  }
0xa2: {  	_ =	swait.ge [sflag:s23], $0x1  }
0xa3: {  	[sflag:s23] =	ssyncset.done $0x0  }
0xa4: {  	s25 =	simm.s32 $0x1B8E;
	s24 =	sld [smem:$0x3FFE];
	[sflag:s23] =	ssyncadd.s32 $0xFFFFFFFF  }
0xa5: {  	s26 =	simm.s32 $execute0_lowered;
	[smem:$0x3FD2] =	sst s25  }
0xa6: {  	s4 =	sshll.u32 s26, $0x1;
	_ =	strace $0x80000046;
	[dreg:$0x1] =	wrdreg $0xFFFFFFFF  }
0xa7: {  	s28 =	simm.s32 $_size_execute0_lowered;
	s2 =	sadd.s32 s2, s4;
	[dreg:$0x0] =	wrdreg $0x0  }
0xa8: {  	s4 =	sshll.u32 s28, $0x1;
	[dreg:$0x2] =	wrdreg s2  }
0xa9: {  	[dreg:$0x3] =	wrdreg s4  }
0xaa: {  	[dreg:$0x4] =	wrdreg $0xC0  }
0xab: {  	_ =	task [dreg:s6], $0x5FFFF  }
0xac: {  	[dreg:$0x1] =	wrdreg $0xFFFFFFFF  }
0xad: {  	[dreg:$0x0] =	wrdreg $0x60  }
0xae: {  	[dreg:$0x2] =	wrdreg s24  }
0xaf: {  	[dreg:$0x3] =	wrdreg $0x28800  }
0xb0: {  	[dreg:$0x4] =	wrdreg $0x9  }
0xb1: {  	_ =	task.clear_ibuf [dreg:s6], $0x5FFFF;
	_ =	strace $0x90000046  }
0xb2: {  	s29 =	simm.s32 $0x9;
	_ =	strace $0x80000048  }
0xb3: {  	_ =	swait.ge [sflag:s29], $0x1  }
0xb4: {  	[sflag:s29] =	ssyncadd.s32 $0xFFFFFFFF  }
0xb5: {  	_ =	strace $0x90000048  }
0xb6: {  	_ =	sfence  }
0xb7: {  	s30 =	sld [smem:$0x0];
	_ =	sdelay $0x2  }
0xb8: {  	s31 =	sshll.u32 s1, $0xD;
	s1 =	sshrl.u32 s1, $0x2  }
0xb9: {  	s3 =	sand.u32 $0x4000, s31;
	s1 =	sadd.s32 s1, s30  }
0xba: {  	s0 =	sor.u32 s3, s0;
	s1 =	sshll.u32 s1, $0x11  }
0xbb: {  	s0 =	sor.u32 s1, s0  }
0xbc: {  	s0 =	sadd.s32 $0x8F2B, s0  }
0xbd: {  	[sflag:s0] =	ssyncadd.remote.s32 $0x1  }
0xbe: {  	_ =	sfence.sel $0xFFFF  }
0xbf: {  	[dreg:$0x0] =	wrdreg $0xFFFFFFFF;
	(pc) =	sbr.abs _section_cstart, $3  }
0xc0: {  	[dreg:$0x1] =	wrdreg $0xFFFFFFFF  }
0xc1: {  	_ =	task.clear_ibuf [dreg:s6], $0x2FFFF;
	_ =	strace $0x9FFFFFFF  }
0xc2: {  	(tm) =	ssettm $0x7FFFFFFF  }
0xc3: {  	_ =	shalt  }
tec
execute0_lowered:
.L_overlay_start_1:
0x0: {  	(tag) =	ssettag $0x1  }
0x1: {  	s0 =	srdreg.scid;
	s7 =	rddreg [dreg:$0x0]  }
0x2: {  	s2 =	rddreg [dreg:$0x1];
	s3 =	simm.s32 $0x0;
	s14 =	simm.s32 $0x1  }
0x3: {  	s15 =	simm.s32 $0x0;
	s6 =	sand.u32 $0x1, s0;
	s0 =	stileid.u32  }
0x4: {  	[smem:$0x7FF] =	sst s3;
	s1 =	sshll.u32 s6, $0x4;
	s8 =	smul.u32 $0x280, s0  }
0x5: {  	s5 =	smul.u32 $0x2800, s6;
	s6 =	ssub.s32 $0x2, s6;
	s1 =	sor.u32 s0, s1  }
0x6: {  	s11 =	sshll.u32 s0, $0x6;
	s31 =	sshrl.u32 s6, $0x1;
	s4 =	smul.u32 $0x500, s1  }
0x7: {  	s1 =	rddreg [dreg:$0x2];
	_ =	strace $0x80000047;
	s10 =	sadd.s32 s8, s5  }
0x8: {  	s5 =	sadd.s32 $0xB000, s7;
	s12 =	ssub.s32 s6, s31;
	s13 =	sadd.s32 s8, s2  }
0x9: {  	s6 =	sor.u32 $0x1C02, s11;
	s11 =	simm.s32 $0x2;
	s10 =	sshrl.u32 s10, $0x3  }
0xa: {  	s9 =	sadd.s32 s4, s7;
	s4 =	sadd.s32 $0xB200, s7;
	s10 =	sadd.s32 s10, s7  }
0xb: {  	s7 =	sadd.s32 $0x1000, s9;
	s8 =	sadd.s32 $0xB400, s10;
	s9 =	smax.u32 s12, $0x1  }
0xc: {  	s10 =	sshrl.u32 s13, $0x3;
	s12 =	simm.s32 $0x2800;
	s13 =	simm.s32 $0x80  }
.LBB2_1:
0xd: {  	[spmem:s10], [sflag:s6] =	dma.local [hbm:s4], $0x50  }
0xe: {  	_ =	swait.ge [sflag:s11], $0x50  }
0xf: {  	[sflag:s11] =	ssyncset.done $0x0  }
0x10: {  	[sflag:s11] =	ssyncadd.s32 $0xFFFFFFB0  }
0x11: {  	[tilespmem:s12], [sflag:$0x2] =	stream.linear.gather [hbm4b:s5+s3], $0x80, $0x38;
	[tilespmem:$0x2B00] =	vst v63  }
0x12: {  	_ =	swait.ge [sflag:s11], $0x80  }
0x13: {  	[sflag:s11] =	ssyncset.done $0x0  }
0x14: {  	[sflag:s11] =	ssyncadd.s32 $0xFFFFFF80  }
0x15: {  	[tilespmem:s3], [sflag:$0x2] =	stream.linear.gather [hbm4b:s7+s3], $0x2800, $0x38;
	[tilespmem:$0x2B00] =	vst v63  }
0x16: {  	_ =	swait.ge [sflag:s11], $0x2800  }
0x17: {  	[sflag:s11] =	ssyncset.done $0x0  }
0x18: {  	[sflag:s11] =	ssyncadd.s32 $0xFFFFD800  }
0x19: {  	s16 =	simm.s32 $0x200;
	s17 =	simm.s32 $0x0;
	[bflag:$0x0] =	sbarrier.arrive $0xFFFF  }
.LBB2_2:
0x1a: {  	[spmem:s2] =	stream.indirect.scatter.add.f32 [tilespmem:s12], [sflag:$0x1], $0x1, s17, s13, $0xb8;
	[tilespmem:$0x2B00] =	vst v63  }
0x1b: {  	s17 =	smov.u32 s16;
	p0 =	sne.s32 s16, $0x9E00  }
.Ltmp0:
0x1c: {  	s16 =	sadd.s32 $0x200, s16;
	(pc) =	sbr.rel @p0 .LBB2_2-.Ltmp0, $2  }
0x1d: {  	_ =	sdelay $0x2  }
0x1e: {  	s17 =	sshra.s32 s17, $0x2  }
0x1f: {  	[spmem:s2] =	stream.indirect.scatter.add.f32 [tilespmem:s12], [sflag:$0x1], $0x1, s17, s13, $0xb8;
	[tilespmem:$0x2B00] =	vst v63  }
0x20: {  	_ =	swait.ge [sflag:s14], $0x2800  }
0x21: {  	s15 =	sadd.s32 $0x1, s15;
	[sflag:s14] =	ssyncset.done $0x0  }
0x22: {  	p0 =	sne.s32 s15, s9;
	[sflag:s14] =	ssyncadd.s32 $0xFFFFD800  }
.Ltmp1:
0x23: {  	[bflag:$0x0] =	sbarrier.arrive $0xFFFF;
	(pc) =	sbr.rel @p0 .LBB2_1-.Ltmp1, $4  }
0x24: {  	[hbm:s8], [sflag:s6] =	dma.local [spmem:s10], $0x50  }
0x25: {  	_ =	swait.ge [sflag:s11], $0x50  }
0x26: {  	[sflag:s11] =	ssyncset.done $0x0  }
0x27: {  	[sflag:s11] =	ssyncadd.s32 $0xFFFFFFB0  }
0x28: {  	_ =	sfence.sel $0x180000  }
0x29: {  	[bflag:$0x0] =	sbarrier.arrive $0xFFFF  }
0x2a: {  	p0 =	sne.s32 s0, $0x0;
	_ =	strace $0x90000047  }
0x2b: {  	s0 =	sadd.s32 @!p0 $0x100000, s1;
	[bflag:$0x2] =	sbarrier.arrive $0xFFFF  }
0x2c: {  	[sflag:s0] =	ssyncadd.tile.s32 @!p0 $0x1;
	_ =	shalt  }
.Lfunc_end2:
_tile_overlayer_lowered:
.L_overlay_start_2:
0x2d: {  	(tag) =	ssettag $0x2  }
0x2e: {  	s0 =	rddreg [dreg:$0x0];
	s2 =	stileid.u32  }
0x2f: {  	s1 =	rddreg [dreg:$0x1];
	p0 =	sne.s32 s2, $0x0  }
0x30: {  	s3 =	rddreg [dreg:$0x2];
	[bflag:$0x3] =	sbarrier.arrive $0xFFFF;
	s2 =	simm.s32 @!p0 $0x1C02  }
0x31: {  	[timem:s3], [sflag:s2] =	dma.local @!p0 [hbm:s0], s1  }
0x32: {  	s0 =	simm.s32 @!p0 $0x2  }
0x33: {  	_ =	swait.ge @!p0 [sflag:s0], s1  }
0x34: {  	s1 =	ssub.s32 @!p0 $0x0, s1;
	[sflag:s0] =	ssyncset.done @!p0 $0x0  }
0x35: {  	[sflag:s0] =	ssyncadd.s32 @!p0 s1  }
0x36: {  	[bflag:$0x3] =	sbarrier.arrive $0xFFFF  }
0x37: {  	_ =	shalt  }

// kernel: kernel.9.cloned.1.call-start
scs
__scs_entry_jumppad:
0x0: {  	(pc) =	sbr.rel $0x88, $3  }
0x1: {  	(tag) =	ssettag $0x0;
	lr =	simm.s32 $0x1  }
0x2: {  	[smem:$0x3F99] =	sst lr;
	_ =	strace $0xD0000000  }
0x3: {  	_ = 	snop  }
0x4: {  	_ = 	snop  }
0x5: {  	_ = 	snop  }
0x6: {  	_ = 	snop  }
0x7: {  	_ = 	snop  }
__scs_overlays_trampoline_lowered:
0x8: {  	[smem:$0x3FA8] =	sst s0  }
0x9: {  	[smem:$0x3FA9] =	sst s1  }
0xa: {  	[smem:$0x3FAA] =	sst s2  }
0xb: {  	[smem:$0x3FAB] =	sst s3  }
0xc: {  	[smem:$0x3FAC] =	sst s4  }
0xd: {  	[smem:$0x3FAD] =	sst s5  }
0xe: {  	[smem:$0x3FAE] =	sst s6  }
0xf: {  	[smem:$0x3FAF] =	sst s7  }
0x10: {  	[smem:$0x3FB0] =	sst s8  }
0x11: {  	[smem:$0x3FB1] =	sst s9;
	s0 =	simm.s32 @!p0 $0x0  }
0x12: {  	s1 =	sld [smem:$0x3F97];
	s0 =	simm.s32 @p0 $0x1  }
0x13: {  	[smem:$0x3FB2] =	sst s0;
	s0 =	simm.s32 @!p1 $0x0  }
0x14: {  	s2 =	sld [smem:$0x3F96];
	s0 =	simm.s32 @p1 $0x1  }
0x15: {  	[smem:$0x3FB3] =	sst s0;
	s0 =	simm.s32 @!p2 $0x0  }
0x16: {  	s3 =	sld [smem:$0x3FDB];
	s0 =	simm.s32 @p2 $0x1  }
0x17: {  	s4 =	simm.s32 $0x1BF5;
	[smem:$0x3FB5] =	sst s0  }
0x18: {  	s0 =	sld [smem:$0x3F98];
	_ =	swait.ge [sflag:s4], $0x0  }
0x19: {  	s7 =	sld [smem:$0x3F99]  }
0x1a: {  	s8 =	sadd.s32 $0xFFFFE003, lr  }
0x1b: {  	s9 =	sadd.s32 $0xFFFFFEF7, lr;
	s5 =	simm.s32 $0xFFFFFFFF;
	p2 =	slt.u32 s8, $0xFFFFF086  }
0x1c: {  	p1 =	slt.u32 s9, $0xF7A;
	s5 =	simm.s32 @!p2 $0x0  }
0x1d: {  	s5 =	simm.s32 @p1 $0x1;
	p0 =	seq.s32 s7, s2  }
0x1e: {  	s7 =	smul.u32 @!p0 $0xF7A, s2;
	p2 =	seq.s32 @!p0 s5, $0x0  }
0x1f: {  	s9 =	smul.u32 $0xF7A, s1;
	s8 =	simm.s32 @!p0 $0x1BF5;
	p2 =	por !p2, p0  }
0x20: {  	[sflag:s8] =	ssyncset.s32 @!p0 $0xFFFFF086;
	s6 =	sadd.s32 @!p0 s3, s7;
	s7 =	simm.s32 @!p0 $0x108  }
0x21: {  	s3 =	sadd.s32 s3, s9;
	s6 =	sadd.s32 @!p0 $0x88, s6;
	s7 =	simm.s32 @p2 $0x1082  }
0x22: {  	[simem:s7], [sflag:s8] =	dma.local @!p0 [hbm:s6], $0xF7A  }
0x23: {  	s9 =	sor.u32 $0xD0000000, s2;
	s6 =	simm.s32 $0x108;
	_ =	swait.ge @!p0 [sflag:s8], $0x0  }
0x24: {  	s3 =	sadd.s32 $0x88, s3;
	s6 =	simm.s32 @!p1 $0x1082;
	[sflag:s4] =	ssyncset.s32 $0xFFFFF086  }
0x25: {  	[simem:s6], [sflag:s4] =	dma.local [hbm:s3], $0xF7A  }
0x26: {  	[smem:$0x3F99] =	sst s1;
	(tag) =	ssettag s2;
	_ =	strace s9  }
0x27: {  	s1 =	sld [smem:$0x3FA9]  }
0x28: {  	s2 =	sld [smem:$0x3FAA]  }
0x29: {  	s4 =	sld [smem:$0x3FAC]  }
0x2a: {  	p0 =	seq.s32 s5, $0x0;
	s5 =	sld [smem:$0x3FAD]  }
0x2b: {  	s6 =	sld [smem:$0x3FAE]  }
0x2c: {  	s7 =	sld [smem:$0x3FAF]  }
0x2d: {  	s3 =	simm.s32 $0x108;
	s8 =	sld [smem:$0x3FB0]  }
0x2e: {  	s3 =	simm.s32 @!p0 $0x1082;
	s9 =	sld [smem:$0x3FB1]  }
0x2f: {  	lr =	sadd.s32 s0, s3;
	s0 =	sld [smem:$0x3FA8]  }
0x30: {  	s3 =	sld [smem:$0x3FAB]  }
0x31: {  	[smem:$0x3FB4] =	sst s10  }
0x32: {  	s10 =	sld [smem:$0x3FB2];
	_ =	sdelay $0x3  }
0x33: {  	p0 =	seq.s32 s10, $0x1;
	s10 =	sld [smem:$0x3FB4];
	_ =	sdelay $0x3  }
0x34: {  	[smem:$0x3FB4] =	sst s10  }
0x35: {  	s10 =	sld [smem:$0x3FB3];
	_ =	sdelay $0x3  }
0x36: {  	p1 =	seq.s32 s10, $0x1;
	s10 =	sld [smem:$0x3FB4];
	_ =	sdelay $0x3  }
0x37: {  	[smem:$0x3FB4] =	sst s10  }
0x38: {  	s10 =	sld [smem:$0x3FB5]  }
0x39: {  	_ = 	snop;
	(pc) =	sbr.ind lr, $3  }
0x3a: {  	_ = 	snop  }
0x3b: {  	_ = 	snop  }
0x3c: {  	p2 =	seq.s32 s10, $0x1;
	s10 =	sld [smem:$0x3FB4]  }
0x3d: {  	_ =	shalt  }
0x3e: {  	_ =	shalt  }
0x3f: {  	_ =	shalt  }
0x40: {  	_ =	shalt  }
0x41: {  	_ =	shalt  }
0x42: {  	_ =	shalt  }
0x43: {  	_ =	shalt  }
0x44: {  	_ =	shalt  }
0x45: {  	_ =	shalt  }
0x46: {  	_ =	shalt  }
0x47: {  	_ =	shalt  }
0x48: {  	_ =	shalt  }
0x49: {  	_ =	shalt  }
0x4a: {  	_ =	shalt  }
0x4b: {  	_ =	shalt  }
0x4c: {  	_ =	shalt  }
0x4d: {  	_ =	shalt  }
0x4e: {  	_ =	shalt  }
0x4f: {  	_ =	shalt  }
0x50: {  	_ =	shalt  }
0x51: {  	_ =	shalt  }
0x52: {  	_ =	shalt  }
0x53: {  	_ =	shalt  }
0x54: {  	_ =	shalt  }
0x55: {  	_ =	shalt  }
0x56: {  	_ =	shalt  }
0x57: {  	_ =	shalt  }
0x58: {  	_ =	shalt  }
0x59: {  	_ =	shalt  }
0x5a: {  	_ =	shalt  }
0x5b: {  	_ =	shalt  }
0x5c: {  	_ =	shalt  }
0x5d: {  	_ =	shalt  }
0x5e: {  	_ =	shalt  }
0x5f: {  	_ =	shalt  }
0x60: {  	_ =	shalt  }
0x61: {  	_ =	shalt  }
0x62: {  	_ =	shalt  }
0x63: {  	_ =	shalt  }
0x64: {  	_ =	shalt  }
0x65: {  	_ =	shalt  }
0x66: {  	_ =	shalt  }
0x67: {  	_ =	shalt  }
0x68: {  	_ =	shalt  }
0x69: {  	_ =	shalt  }
0x6a: {  	_ =	shalt  }
0x6b: {  	_ =	shalt  }
0x6c: {  	_ =	shalt  }
0x6d: {  	_ =	shalt  }
0x6e: {  	_ =	shalt  }
0x6f: {  	_ =	shalt  }
0x70: {  	_ =	shalt  }
0x71: {  	_ =	shalt  }
0x72: {  	_ =	shalt  }
0x73: {  	_ =	shalt  }
0x74: {  	_ =	shalt  }
0x75: {  	_ =	shalt  }
0x76: {  	_ =	shalt  }
0x77: {  	_ =	shalt  }
0x78: {  	_ =	shalt  }
0x79: {  	_ =	shalt  }
0x7a: {  	_ =	shalt  }
0x7b: {  	_ =	shalt  }
0x7c: {  	_ =	shalt  }
0x7d: {  	_ =	shalt  }
0x7e: {  	_ =	shalt  }
0x7f: {  	_ =	shalt  }
0x80: {  	_ =	shalt  }
0x81: {  	_ =	shalt  }
0x82: {  	_ =	shalt  }
0x83: {  	_ =	shalt  }
0x84: {  	_ =	shalt  }
0x85: {  	_ =	shalt  }
0x86: {  	_ =	shalt  }
0x87: {  	_ =	shalt  }
.Lfunc_end0:
.L_simem_size_0:
called_computation.1_lowered:
.L_overlay_start_0:
0x88: {  	s2 =	sld [smem:$0x3FD9]  }
0x89: {  	s3 =	sld [smem:$0x3FFE];
	_ =	sdelay $0x1  }
0x8a: {  	s1 =	srdreg.scid  }
0x8b: {  	s0 =	sand.u32 $0x1, s1  }
0x8c: {  	s17 =	sshll.u32 s0, $0xA;
	s2 =	sadd.s32 s3, s2  }
0x8d: {  	s2 =	sadd.s32 s2, s17  }
0x8e: {  	[smem:$0x3FC0] =	sst s2  }
0x8f: {  	_ = 	snop  }
0x90: {  	s2 =	sld [smem:$0x3FD0];
	(tm) =	ssettm $0x1  }
0x91: {  	s18 =	sld [smem:$0x3FFB];
	_ =	sdelay $0x3  }
0x92: {  	_ =	strace s18  }
0x93: {  	s3 =	sld [smem:$0x3FFC];
	_ =	sdelay $0x3  }
0x94: {  	_ =	strace s3  }
0x95: {  	s3 =	sld [smem:$0x3FFD];
	_ =	sdelay $0x3  }
0x96: {  	_ =	strace s3  }
0x97: {  	_ =	strace $0x8FFFFFFF  }
0x98: {  	s19 =	sld [smem:$0x3FDB];
	_ =	sdelay $0x1  }
0x99: {  	s4 =	simm.s32 $_scs_section_size  }
0x9a: {  	s5 =	simm.s32 $_size__tile_overlayer_lowered;
	s6 =	simm.s32 $_tile_overlayer_lowered  }
0x9b: {  	s22 =	simm.s32 $0x1BFF;
	s21 =	sshll.u32 s6, $0x1;
	s3 =	sadd.s32 s4, s19  }
0x9c: {  	s7 =	simm.s32 $0x0;
	s20 =	sshll.u32 s5, $0x1;
	s5 =	sadd.s32 s21, s3  }
0x9d: {  	[timem:s7], [sflag:s22] =	dma.local [hbm:s5], s20  }
0x9e: {  	_ =	swait.ge [sflag:s22], s20  }
0x9f: {  	s4 =	ssub.s32 $0x0, s20;
	[sflag:s22] =	ssyncset.done $0x0  }
0xa0: {  	[sflag:s22] =	ssyncadd.s32 s4;
	_ =	sdelay $0x1  }
0xa1: {  	s23 =	simm.s32 $0x1B8B  }
0xa2: {  	_ =	swait.ge [sflag:s23], $0x1  }
0xa3: {  	[sflag:s23] =	ssyncset.done $0x0  }
0xa4: {  	s25 =	simm.s32 $0x1B8E;
	s24 =	sld [smem:$0x3FFE];
	[sflag:s23] =	ssyncadd.s32 $0xFFFFFFFF  }
0xa5: {  	s26 =	simm.s32 $execute0_lowered;
	[smem:$0x3FD2] =	sst s25  }
0xa6: {  	s5 =	sshll.u32 s26, $0x1;
	_ =	strace $0x80000049;
	[dreg:$0x1] =	wrdreg $0xFFFFFFFF  }
0xa7: {  	s28 =	simm.s32 $_size_execute0_lowered;
	s3 =	sadd.s32 s3, s5;
	[dreg:$0x0] =	wrdreg $0x0  }
0xa8: {  	s5 =	sshll.u32 s28, $0x1;
	[dreg:$0x2] =	wrdreg s3  }
0xa9: {  	[dreg:$0x3] =	wrdreg s5  }
0xaa: {  	[dreg:$0x4] =	wrdreg $0xC0  }
0xab: {  	_ =	task [dreg:s7], $0x5FFFF  }
0xac: {  	[dreg:$0x1] =	wrdreg $0xFFFFFFFF  }
0xad: {  	[dreg:$0x0] =	wrdreg $0x60  }
0xae: {  	[dreg:$0x2] =	wrdreg s2  }
0xaf: {  	[dreg:$0x3] =	wrdreg s24  }
0xb0: {  	[dreg:$0x4] =	wrdreg $0x170000  }
0xb1: {  	[dreg:$0x5] =	wrdreg $0x120000  }
0xb2: {  	[dreg:$0x6] =	wrdreg $0x9  }
0xb3: {  	_ =	task.clear_ibuf [dreg:s7], $0x7FFFF;
	_ =	strace $0x90000049  }
0xb4: {  	s29 =	simm.s32 $0x9;
	_ =	strace $0x8000004B  }
0xb5: {  	_ =	swait.ge [sflag:s29], $0x1  }
0xb6: {  	[sflag:s29] =	ssyncadd.s32 $0xFFFFFFFF  }
0xb7: {  	_ =	strace $0x9000004B  }
0xb8: {  	_ =	sfence  }
0xb9: {  	s30 =	sld [smem:$0x0];
	_ =	sdelay $0x2  }
0xba: {  	s31 =	sshll.u32 s1, $0xD;
	s1 =	sshrl.u32 s1, $0x2  }
0xbb: {  	s3 =	sand.u32 $0x4000, s31;
	s1 =	sadd.s32 s1, s30  }
0xbc: {  	s0 =	sor.u32 s3, s0;
	s1 =	sshll.u32 s1, $0x11  }
0xbd: {  	s0 =	sor.u32 s1, s0  }
0xbe: {  	s0 =	sadd.s32 $0x8F2B, s0  }
0xbf: {  	[sflag:s0] =	ssyncadd.remote.s32 $0x1  }
0xc0: {  	_ =	sfence.sel $0xFFFF  }
0xc1: {  	[dreg:$0x0] =	wrdreg $0xFFFFFFFF;
	(pc) =	sbr.abs _section_cstart, $3  }
0xc2: {  	[dreg:$0x1] =	wrdreg $0xFFFFFFFF  }
0xc3: {  	_ =	task.clear_ibuf [dreg:s7], $0x2FFFF;
	_ =	strace $0x9FFFFFFF  }
0xc4: {  	(tm) =	ssettm $0x7FFFFFFF  }
0xc5: {  	_ =	shalt  }
tec
execute0_lowered:
.L_overlay_start_1:
0x0: {  	(tag) =	ssettag $0x1  }
0x1: {  	s0 =	rddreg [dreg:$0x0]  }
0x2: {  	s1 =	rddreg [dreg:$0x1]  }
0x3: {  	s2 =	rddreg [dreg:$0x2];
	s4 =	srdreg.scid  }
0x4: {  	s3 =	rddreg [dreg:$0x3];
	s9 =	stileid.u32;
	s7 =	simm.s32 $0x0  }
0x5: {  	s16 =	simm.s32 $0x80;
	s17 =	simm.s32 $0xA000;
	s18 =	simm.s32 $0xB000  }
0x6: {  	s29 =	simm.s32 $0x10000;
	s30 =	simm.s32 $0x1;
	s31 =	simm.s32 $0xA  }
0x7: {  	s28 =	simm.s32 $0x5;
	s15 =	simm.s32 $0xD;
	s11 =	simm.s32 $0xF  }
0x8: {  	s12 =	simm.s32 $0x10;
	s13 =	simm.s32 $0x0;
	s6 =	smul.u32 $0x5000, s9  }
0x9: {  	s4 =	sand.u32 $0x1, s4;
	[smem:$0x7FF] =	sst s7;
	s19 =	smul.u32 $0xA00, s9  }
0xa: {  	s10 =	sadd.s32 $0x1F000, s1;
	s9 =	sshll.u32 s9, $0x6;
	s5 =	smul.u32 $0x50000, s4  }
0xb: {  	_ =	strace $0x8000004A;
	s4 =	ssub.s32 $0x2, s4;
	[dreg:$0x5] =	wrdreg s10  }
0xc: {  	s9 =	sor.u32 $0x1C11, s9;
	s10 =	simm.s32 $0x8;
	s8 =	sadd.s32 s19, s1  }
0xd: {  	s20 =	sshrl.u32 s4, $0x1;
	s21 =	sadd.s32 s6, s2;
	[dreg:$0x7] =	wrdreg s9  }
0xe: {  	s0 =	sadd.s32 s0, s19;
	s19 =	simm.s32 $0xB;
	s9 =	simm.s32 $0xE  }
0xf: {  	s5 =	sadd.s32 s6, s5;
	s4 =	ssub.s32 s4, s20;
	s6 =	sadd.s32 s6, s3  }
0x10: {  	[dreg:$0x8] =	wrdreg s0;
	s23 =	sadd.s32 $0x1000, s8;
	s26 =	sshrl.u32 s21, $0x3  }
0x11: {  	s20 =	simm.s32 $0xC000;
	s0 =	simm.s32 $0x11000;
	s21 =	simm.s32 $0x9  }
0x12: {  	s8 =	simm.s32 $0x7;
	s5 =	sshrl.u32 s5, $0x3;
	[dreg:$0x9] =	wrdreg s23  }
0x13: {  	s25 =	smax.u32 s4, $0x1;
	[dreg:$0xc] =	wrdreg s26;
	s14 =	sshrl.u32 s6, $0x3  }
0x14: {  	s26 =	simm.s32 $0xF000;
	s23 =	simm.s32 $0x4;
	s6 =	simm.s32 $0x6  }
0x15: {  	s1 =	sadd.s32 s5, s1;
	[dreg:$0xb] =	wrdreg s25;
	s25 =	simm.s32 $0x3  }
0x16: {  	s5 =	simm.s32 $0xC;
	[dreg:$0xd] =	wrdreg s14;
	s22 =	sadd.s32 $0xB000, s1  }
0x17: {  	s24 =	sadd.s32 $0x1FA00, s1;
	s1 =	simm.s32 $0x2;
	[dreg:$0x6] =	wrdreg s22  }
0x18: {  	[dreg:$0xa] =	wrdreg s24;
	s22 =	simm.s32 $0xD000;
	s24 =	simm.s32 $0xE000  }
.LBB2_1:
0x19: {  	[dreg:$0xe] =	wrdreg s13  }
0x1a: {  	s7 =	rddreg [dreg:$0x6]  }
0x1b: {  	s14 =	rddreg [dreg:$0xc]  }
0x1c: {  	s4 =	simm.s32 $0x11;
	s13 =	rddreg [dreg:$0x7]  }
0x1d: {  	[spmem:s14], [sflag:s13] =	dma.local [hbm:s7], $0xA00  }
0x1e: {  	_ =	swait.ge [sflag:s4], $0xA00  }
0x1f: {  	[sflag:s4] =	ssyncset.done $0x0;
	s7 =	rddreg [dreg:$0x5]  }
0x20: {  	s14 =	rddreg [dreg:$0xd];
	[sflag:s4] =	ssyncadd.s32 $0xFFFFF600  }
0x21: {  	[spmem:s14], [sflag:s13] =	dma.local [hbm:s7], $0xA00  }
0x22: {  	_ =	swait.ge [sflag:s4], $0xA00  }
0x23: {  	[sflag:s4] =	ssyncset.done $0x0  }
0x24: {  	s7 =	simm.s32 $0x0;
	s14 =	rddreg [dreg:$0x8];
	[sflag:s4] =	ssyncadd.s32 $0xFFFFF600  }
0x25: {  	[tilespmem:s7], [sflag:$0x11] =	stream.linear.gather [hbm4b:s14+s7], $0x5000, $0x38;
	[tilespmem:$0x1C000] =	vst v63  }
0x26: {  	_ =	swait.ge [sflag:s4], $0x5000  }
0x27: {  	[sflag:s4] =	ssyncset.done $0x0  }
0x28: {  	s14 =	simm.s32 $0x5000;
	s13 =	rddreg [dreg:$0x9];
	[sflag:s4] =	ssyncadd.s32 $0xFFFFB000  }
0x29: {  	[tilespmem:s14], [sflag:$0x11] =	stream.linear.gather [hbm4b:s13+s7], $0x5000, $0x38;
	[tilespmem:$0x1C000] =	vst v63  }
0x2a: {  	_ =	swait.ge [sflag:s4], $0x5000  }
0x2b: {  	[sflag:s4] =	ssyncset.done $0x0  }
0x2c: {  	[sflag:s4] =	ssyncadd.s32 $0xFFFFB000  }
0x2d: {  	[bflag:$0x0] =	sbarrier.arrive $0xFFFF  }
0x2e: {  	[tilespmem:s17], [sflag:$0x1] =	stream.indirect.gather [spmem:s2], $0x20, s7, s16, $0xb8;
	[tilespmem:$0x1C000] =	vst v63  }
0x2f: {  	_ = 	snop  }
0x30: {  	[tilespmem:s18], [sflag:$0x2] =	stream.indirect.gather [spmem:s2], $0x20, s16, s16, $0xb8;
	[tilespmem:$0x1C000] =	vst v63  }
0x31: {  	s7 =	simm.s32 $0x100  }
0x32: {  	[tilespmem:s20], [sflag:$0x3] =	stream.indirect.gather [spmem:s2], $0x20, s7, s16, $0xb8;
	[tilespmem:$0x1C000] =	vst v63  }
0x33: {  	s13 =	simm.s32 $0x180  }
0x34: {  	[tilespmem:s22], [sflag:$0x4] =	stream.indirect.gather [spmem:s2], $0x20, s13, s16, $0xb8;
	[tilespmem:$0x1C000] =	vst v63  }
0x35: {  	s7 =	simm.s32 $0x200  }
0x36: {  	[tilespmem:s24], [sflag:$0x5] =	stream.indirect.gather [spmem:s2], $0x20, s7, s16, $0xb8;
	[tilespmem:$0x1C000] =	vst v63  }
0x37: {  	s13 =	simm.s32 $0x280  }
0x38: {  	[tilespmem:s26], [sflag:$0x6] =	stream.indirect.gather [spmem:s2], $0x20, s13, s16, $0xb8;
	[tilespmem:$0x1C000] =	vst v63  }
0x39: {  	s7 =	simm.s32 $0x300  }
0x3a: {  	[tilespmem:s29], [sflag:$0x7] =	stream.indirect.gather [spmem:s2], $0x20, s7, s16, $0xb8;
	[tilespmem:$0x1C000] =	vst v63  }
0x3b: {  	_ =	swait.ge [sflag:s30], $0x1000  }
0x3c: {  	[sflag:s30] =	ssyncset.done $0x0  }
0x3d: {  	[sflag:s30] =	ssyncadd.s32 $0xFFFFF000  }
0x3e: {  	[spmem:s3] =	stream.indirect.scatter.add.f32 [tilespmem:s17], [sflag:$0x9], $0x20, s14, s16, $0xb8;
	[tilespmem:$0x1C000] =	vst v63  }
0x3f: {  	s13 =	simm.s32 $0x380  }
0x40: {  	[tilespmem:s0], [sflag:$0x8] =	stream.indirect.gather [spmem:s2], $0x20, s13, s16, $0xb8;
	[tilespmem:$0x1C000] =	vst v63  }
0x41: {  	_ =	swait.ge [sflag:s1], $0x1000  }
0x42: {  	[sflag:s1] =	ssyncset.done $0x0  }
0x43: {  	s14 =	simm.s32 $0x5080;
	[sflag:s1] =	ssyncadd.s32 $0xFFFFF000  }
0x44: {  	[spmem:s3] =	stream.indirect.scatter.add.f32 [tilespmem:s18], [sflag:$0xA], $0x20, s14, s16, $0xb8;
	[tilespmem:$0x1C000] =	vst v63  }
0x45: {  	_ =	swait.ge [sflag:s21], $0x1000  }
0x46: {  	[sflag:s21] =	ssyncset.done $0x0  }
0x47: {  	s7 =	simm.s32 $0x400;
	[sflag:s21] =	ssyncadd.s32 $0xFFFFF000  }
0x48: {  	[tilespmem:s17], [sflag:$0x1] =	stream.indirect.gather [spmem:s2], $0x20, s7, s16, $0xb8;
	[tilespmem:$0x1C000] =	vst v63  }
0x49: {  	_ =	swait.ge [sflag:s25], $0x1000  }
0x4a: {  	[sflag:s25] =	ssyncset.done $0x0  }
0x4b: {  	s13 =	simm.s32 $0x5100;
	[sflag:s25] =	ssyncadd.s32 $0xFFFFF000  }
0x4c: {  	[spmem:s3] =	stream.indirect.scatter.add.f32 [tilespmem:s20], [sflag:$0xB], $0x20, s13, s16, $0xb8;
	[tilespmem:$0x1C000] =	vst v63  }
0x4d: {  	_ =	swait.ge [sflag:s31], $0x1000  }
0x4e: {  	[sflag:s31] =	ssyncset.done $0x0  }
0x4f: {  	s14 =	simm.s32 $0x480;
	[sflag:s31] =	ssyncadd.s32 $0xFFFFF000  }
0x50: {  	[tilespmem:s18], [sflag:$0x2] =	stream.indirect.gather [spmem:s2], $0x20, s14, s16, $0xb8;
	[tilespmem:$0x1C000] =	vst v63  }
0x51: {  	_ =	swait.ge [sflag:s23], $0x1000  }
0x52: {  	[sflag:s23] =	ssyncset.done $0x0  }
0x53: {  	s7 =	simm.s32 $0x5180;
	[sflag:s23] =	ssyncadd.s32 $0xFFFFF000  }
0x54: {  	[spmem:s3] =	stream.indirect.scatter.add.f32 [tilespmem:s22], [sflag:$0xC], $0x20, s7, s16, $0xb8;
	[tilespmem:$0x1C000] =	vst v63  }
0x55: {  	_ =	swait.ge [sflag:s19], $0x1000  }
0x56: {  	[sflag:s19] =	ssyncset.done $0x0  }
0x57: {  	s13 =	simm.s32 $0x500;
	[sflag:s19] =	ssyncadd.s32 $0xFFFFF000  }
0x58: {  	[tilespmem:s20], [sflag:$0x3] =	stream.indirect.gather [spmem:s2], $0x20, s13, s16, $0xb8;
	[tilespmem:$0x1C000] =	vst v63  }
0x59: {  	_ =	swait.ge [sflag:s28], $0x1000  }
0x5a: {  	[sflag:s28] =	ssyncset.done $0x0  }
0x5b: {  	s14 =	simm.s32 $0x5200;
	[sflag:s28] =	ssyncadd.s32 $0xFFFFF000  }
0x5c: {  	[spmem:s3] =	stream.indirect.scatter.add.f32 [tilespmem:s24], [sflag:$0xD], $0x20, s14, s16, $0xb8;
	[tilespmem:$0x1C000] =	vst v63  }
0x5d: {  	_ =	swait.ge [sflag:s5], $0x1000  }
0x5e: {  	[sflag:s5] =	ssyncset.done $0x0  }
0x5f: {  	s7 =	simm.s32 $0x580;
	[sflag:s5] =	ssyncadd.s32 $0xFFFFF000  }
0x60: {  	[tilespmem:s22], [sflag:$0x4] =	stream.indirect.gather [spmem:s2], $0x20, s7, s16, $0xb8;
	[tilespmem:$0x1C000] =	vst v63  }
0x61: {  	_ =	swait.ge [sflag:s6], $0x1000  }
0x62: {  	[sflag:s6] =	ssyncset.done $0x0  }
0x63: {  	s13 =	simm.s32 $0x5280;
	[sflag:s6] =	ssyncadd.s32 $0xFFFFF000  }
0x64: {  	[spmem:s3] =	stream.indirect.scatter.add.f32 [tilespmem:s26], [sflag:$0xE], $0x20, s13, s16, $0xb8;
	[tilespmem:$0x1C000] =	vst v63  }
0x65: {  	_ =	swait.ge [sflag:s15], $0x1000  }
0x66: {  	[sflag:s15] =	ssyncset.done $0x0  }
0x67: {  	s14 =	simm.s32 $0x600;
	[sflag:s15] =	ssyncadd.s32 $0xFFFFF000  }
0x68: {  	[tilespmem:s24], [sflag:$0x5] =	stream.indirect.gather [spmem:s2], $0x20, s14, s16, $0xb8;
	[tilespmem:$0x1C000] =	vst v63  }
0x69: {  	_ =	swait.ge [sflag:s8], $0x1000  }
0x6a: {  	[sflag:s8] =	ssyncset.done $0x0  }
0x6b: {  	s7 =	simm.s32 $0x5300;
	[sflag:s8] =	ssyncadd.s32 $0xFFFFF000  }
0x6c: {  	[spmem:s3] =	stream.indirect.scatter.add.f32 [tilespmem:s29], [sflag:$0xF], $0x20, s7, s16, $0xb8;
	[tilespmem:$0x1C000] =	vst v63  }
0x6d: {  	_ =	swait.ge [sflag:s9], $0x1000  }
0x6e: {  	[sflag:s9] =	ssyncset.done $0x0  }
0x6f: {  	s13 =	simm.s32 $0x680;
	[sflag:s9] =	ssyncadd.s32 $0xFFFFF000  }
0x70: {  	[tilespmem:s26], [sflag:$0x6] =	stream.indirect.gather [spmem:s2], $0x20, s13, s16, $0xb8;
	[tilespmem:$0x1C000] =	vst v63  }
0x71: {  	_ =	swait.ge [sflag:s10], $0x1000  }
0x72: {  	[sflag:s10] =	ssyncset.done $0x0  }
0x73: {  	s14 =	simm.s32 $0x5380;
	[sflag:s10] =	ssyncadd.s32 $0xFFFFF000  }
0x74: {  	[spmem:s3] =	stream.indirect.scatter.add.f32 [tilespmem:s0], [sflag:$0x10], $0x20, s14, s16, $0xb8;
	[tilespmem:$0x1C000] =	vst v63  }
0x75: {  	_ =	swait.ge [sflag:s11], $0x1000  }
0x76: {  	[sflag:s11] =	ssyncset.done $0x0  }
0x77: {  	s4 =	simm.s32 $0x700;
	[sflag:s11] =	ssyncadd.s32 $0xFFFFF000  }
0x78: {  	[tilespmem:s29], [sflag:$0x7] =	stream.indirect.gather [spmem:s2], $0x20, s4, s16, $0xb8;
	[tilespmem:$0x1C000] =	vst v63  }
0x79: {  	_ =	swait.ge [sflag:s30], $0x1000  }
0x7a: {  	[sflag:s30] =	ssyncset.done $0x0  }
0x7b: {  	s13 =	simm.s32 $0x5400;
	[sflag:s30] =	ssyncadd.s32 $0xFFFFF000  }
0x7c: {  	[spmem:s3] =	stream.indirect.scatter.add.f32 [tilespmem:s17], [sflag:$0x9], $0x20, s13, s16, $0xb8;
	[tilespmem:$0x1C000] =	vst v63  }
0x7d: {  	_ =	swait.ge [sflag:s12], $0x1000  }
0x7e: {  	[sflag:s12] =	ssyncset.done $0x0  }
0x7f: {  	s14 =	simm.s32 $0x780;
	[sflag:s12] =	ssyncadd.s32 $0xFFFFF000  }
0x80: {  	[tilespmem:s0], [sflag:$0x8] =	stream.indirect.gather [spmem:s2], $0x20, s14, s16, $0xb8;
	[tilespmem:$0x1C000] =	vst v63  }
0x81: {  	_ =	swait.ge [sflag:s1], $0x1000  }
0x82: {  	[sflag:s1] =	ssyncset.done $0x0  }
0x83: {  	s4 =	simm.s32 $0x5480;
	[sflag:s1] =	ssyncadd.s32 $0xFFFFF000  }
0x84: {  	[spmem:s3] =	stream.indirect.scatter.add.f32 [tilespmem:s18], [sflag:$0xA], $0x20, s4, s16, $0xb8;
	[tilespmem:$0x1C000] =	vst v63  }
0x85: {  	_ =	swait.ge [sflag:s21], $0x1000  }
0x86: {  	[sflag:s21] =	ssyncset.done $0x0  }
0x87: {  	s13 =	simm.s32 $0x800;
	[sflag:s21] =	ssyncadd.s32 $0xFFFFF000  }
0x88: {  	[tilespmem:s17], [sflag:$0x1] =	stream.indirect.gather [spmem:s2], $0x20, s13, s16, $0xb8;
	[tilespmem:$0x1C000] =	vst v63  }
0x89: {  	_ =	swait.ge [sflag:s25], $0x1000  }
0x8a: {  	[sflag:s25] =	ssyncset.done $0x0  }
0x8b: {  	s14 =	simm.s32 $0x5500;
	[sflag:s25] =	ssyncadd.s32 $0xFFFFF000  }
0x8c: {  	[spmem:s3] =	stream.indirect.scatter.add.f32 [tilespmem:s20], [sflag:$0xB], $0x20, s14, s16, $0xb8;
	[tilespmem:$0x1C000] =	vst v63  }
0x8d: {  	_ =	swait.ge [sflag:s31], $0x1000  }
0x8e: {  	[sflag:s31] =	ssyncset.done $0x0  }
0x8f: {  	s4 =	simm.s32 $0x880;
	[sflag:s31] =	ssyncadd.s32 $0xFFFFF000  }
0x90: {  	[tilespmem:s18], [sflag:$0x2] =	stream.indirect.gather [spmem:s2], $0x20, s4, s16, $0xb8;
	[tilespmem:$0x1C000] =	vst v63  }
0x91: {  	_ =	swait.ge [sflag:s23], $0x1000  }
0x92: {  	[sflag:s23] =	ssyncset.done $0x0  }
0x93: {  	s13 =	simm.s32 $0x5580;
	[sflag:s23] =	ssyncadd.s32 $0xFFFFF000  }
0x94: {  	[spmem:s3] =	stream.indirect.scatter.add.f32 [tilespmem:s22], [sflag:$0xC], $0x20, s13, s16, $0xb8;
	[tilespmem:$0x1C000] =	vst v63  }
0x95: {  	_ =	swait.ge [sflag:s19], $0x1000  }
0x96: {  	[sflag:s19] =	ssyncset.done $0x0  }
0x97: {  	s14 =	simm.s32 $0x900;
	[sflag:s19] =	ssyncadd.s32 $0xFFFFF000  }
0x98: {  	[tilespmem:s20], [sflag:$0x3] =	stream.indirect.gather [spmem:s2], $0x20, s14, s16, $0xb8;
	[tilespmem:$0x1C000] =	vst v63  }
0x99: {  	_ =	swait.ge [sflag:s28], $0x1000  }
0x9a: {  	[sflag:s28] =	ssyncset.done $0x0  }
0x9b: {  	s4 =	simm.s32 $0x5600;
	[sflag:s28] =	ssyncadd.s32 $0xFFFFF000  }
0x9c: {  	[spmem:s3] =	stream.indirect.scatter.add.f32 [tilespmem:s24], [sflag:$0xD], $0x20, s4, s16, $0xb8;
	[tilespmem:$0x1C000] =	vst v63  }
0x9d: {  	_ =	swait.ge [sflag:s5], $0x1000  }
0x9e: {  	[sflag:s5] =	ssyncset.done $0x0  }
0x9f: {  	s13 =	simm.s32 $0x980;
	[sflag:s5] =	ssyncadd.s32 $0xFFFFF000  }
0xa0: {  	[tilespmem:s22], [sflag:$0x4] =	stream.indirect.gather [spmem:s2], $0x20, s13, s16, $0xb8;
	[tilespmem:$0x1C000] =	vst v63  }
0xa1: {  	_ =	swait.ge [sflag:s6], $0x1000  }
0xa2: {  	[sflag:s6] =	ssyncset.done $0x0  }
0xa3: {  	s14 =	simm.s32 $0x5680;
	[sflag:s6] =	ssyncadd.s32 $0xFFFFF000  }
0xa4: {  	[spmem:s3] =	stream.indirect.scatter.add.f32 [tilespmem:s26], [sflag:$0xE], $0x20, s14, s16, $0xb8;
	[tilespmem:$0x1C000] =	vst v63  }
0xa5: {  	_ =	swait.ge [sflag:s15], $0x1000  }
0xa6: {  	[sflag:s15] =	ssyncset.done $0x0  }
0xa7: {  	s4 =	simm.s32 $0xA00;
	[sflag:s15] =	ssyncadd.s32 $0xFFFFF000  }
0xa8: {  	[tilespmem:s24], [sflag:$0x5] =	stream.indirect.gather [spmem:s2], $0x20, s4, s16, $0xb8;
	[tilespmem:$0x1C000] =	vst v63  }
0xa9: {  	_ =	swait.ge [sflag:s8], $0x1000  }
0xaa: {  	[sflag:s8] =	ssyncset.done $0x0  }
0xab: {  	s13 =	simm.s32 $0x5700;
	[sflag:s8] =	ssyncadd.s32 $0xFFFFF000  }
0xac: {  	[spmem:s3] =	stream.indirect.scatter.add.f32 [tilespmem:s29], [sflag:$0xF], $0x20, s13, s16, $0xb8;
	[tilespmem:$0x1C000] =	vst v63  }
0xad: {  	_ =	swait.ge [sflag:s9], $0x1000  }
0xae: {  	[sflag:s9] =	ssyncset.done $0x0  }
0xaf: {  	s14 =	simm.s32 $0xA80;
	[sflag:s9] =	ssyncadd.s32 $0xFFFFF000  }
0xb0: {  	[tilespmem:s26], [sflag:$0x6] =	stream.indirect.gather [spmem:s2], $0x20, s14, s16, $0xb8;
	[tilespmem:$0x1C000] =	vst v63  }
0xb1: {  	_ =	swait.ge [sflag:s10], $0x1000  }
0xb2: {  	[sflag:s10] =	ssyncset.done $0x0  }
0xb3: {  	s7 =	simm.s32 $0x5780;
	s14 =	simm.s32 $0x1000;
	[sflag:s10] =	ssyncadd.s32 $0xFFFFF000  }
.LBB2_2:
0xb4: {  	[spmem:s3] =	stream.indirect.scatter.add.f32 [tilespmem:s0], [sflag:$0x10], $0x20, s7, s16, $0xb8;
	[tilespmem:$0x1C000] =	vst v63  }
0xb5: {  	s7 =	smov.u32 s14  }
0xb6: {  	p0 =	sne.s32 s14, $0x11000;
	s14 =	sadd.s32 $0x1000, s14;
	_ =	swait.ge [sflag:s11], $0x1000  }
0xb7: {  	s7 =	sshra.s32 s7, $0x2;
	[sflag:s11] =	ssyncset.done $0x0  }
0xb8: {  	s13 =	sadd.s32 $0x700, s7;
	[sflag:s11] =	ssyncadd.s32 $0xFFFFF000  }
0xb9: {  	[tilespmem:s29], [sflag:$0x7] =	stream.indirect.gather [spmem:s2], $0x20, s13, s16, $0xb8;
	[tilespmem:$0x1C000] =	vst v63  }
0xba: {  	_ =	swait.ge [sflag:s30], $0x1000  }
0xbb: {  	[sflag:s30] =	ssyncset.done $0x0  }
0xbc: {  	s13 =	sadd.s32 $0x5400, s7;
	[sflag:s30] =	ssyncadd.s32 $0xFFFFF000  }
0xbd: {  	[spmem:s3] =	stream.indirect.scatter.add.f32 [tilespmem:s17], [sflag:$0x9], $0x20, s13, s16, $0xb8;
	[tilespmem:$0x1C000] =	vst v63  }
0xbe: {  	_ =	swait.ge [sflag:s12], $0x1000  }
0xbf: {  	[sflag:s12] =	ssyncset.done $0x0  }
0xc0: {  	s13 =	sadd.s32 $0x780, s7;
	[sflag:s12] =	ssyncadd.s32 $0xFFFFF000  }
0xc1: {  	[tilespmem:s0], [sflag:$0x8] =	stream.indirect.gather [spmem:s2], $0x20, s13, s16, $0xb8;
	[tilespmem:$0x1C000] =	vst v63  }
0xc2: {  	_ =	swait.ge [sflag:s1], $0x1000  }
0xc3: {  	[sflag:s1] =	ssyncset.done $0x0  }
0xc4: {  	s13 =	sadd.s32 $0x5480, s7;
	[sflag:s1] =	ssyncadd.s32 $0xFFFFF000  }
0xc5: {  	[spmem:s3] =	stream.indirect.scatter.add.f32 [tilespmem:s18], [sflag:$0xA], $0x20, s13, s16, $0xb8;
	[tilespmem:$0x1C000] =	vst v63  }
0xc6: {  	_ =	swait.ge [sflag:s21], $0x1000  }
0xc7: {  	[sflag:s21] =	ssyncset.done $0x0  }
0xc8: {  	s13 =	sadd.s32 $0x800, s7;
	[sflag:s21] =	ssyncadd.s32 $0xFFFFF000  }
0xc9: {  	[tilespmem:s17], [sflag:$0x1] =	stream.indirect.gather [spmem:s2], $0x20, s13, s16, $0xb8;
	[tilespmem:$0x1C000] =	vst v63  }
0xca: {  	_ =	swait.ge [sflag:s25], $0x1000  }
0xcb: {  	[sflag:s25] =	ssyncset.done $0x0  }
0xcc: {  	s13 =	sadd.s32 $0x5500, s7;
	[sflag:s25] =	ssyncadd.s32 $0xFFFFF000  }
0xcd: {  	[spmem:s3] =	stream.indirect.scatter.add.f32 [tilespmem:s20], [sflag:$0xB], $0x20, s13, s16, $0xb8;
	[tilespmem:$0x1C000] =	vst v63  }
0xce: {  	_ =	swait.ge [sflag:s31], $0x1000  }
0xcf: {  	[sflag:s31] =	ssyncset.done $0x0  }
0xd0: {  	s13 =	sadd.s32 $0x880, s7;
	[sflag:s31] =	ssyncadd.s32 $0xFFFFF000  }
0xd1: {  	[tilespmem:s18], [sflag:$0x2] =	stream.indirect.gather [spmem:s2], $0x20, s13, s16, $0xb8;
	[tilespmem:$0x1C000] =	vst v63  }
0xd2: {  	_ =	swait.ge [sflag:s23], $0x1000  }
0xd3: {  	[sflag:s23] =	ssyncset.done $0x0  }
0xd4: {  	s13 =	sadd.s32 $0x5580, s7;
	[sflag:s23] =	ssyncadd.s32 $0xFFFFF000  }
0xd5: {  	[spmem:s3] =	stream.indirect.scatter.add.f32 [tilespmem:s22], [sflag:$0xC], $0x20, s13, s16, $0xb8;
	[tilespmem:$0x1C000] =	vst v63  }
0xd6: {  	_ =	swait.ge [sflag:s19], $0x1000  }
0xd7: {  	[sflag:s19] =	ssyncset.done $0x0  }
0xd8: {  	s13 =	sadd.s32 $0x900, s7;
	[sflag:s19] =	ssyncadd.s32 $0xFFFFF000  }
0xd9: {  	[tilespmem:s20], [sflag:$0x3] =	stream.indirect.gather [spmem:s2], $0x20, s13, s16, $0xb8;
	[tilespmem:$0x1C000] =	vst v63  }
0xda: {  	_ =	swait.ge [sflag:s28], $0x1000  }
0xdb: {  	[sflag:s28] =	ssyncset.done $0x0  }
0xdc: {  	s13 =	sadd.s32 $0x5600, s7;
	[sflag:s28] =	ssyncadd.s32 $0xFFFFF000  }
0xdd: {  	[spmem:s3] =	stream.indirect.scatter.add.f32 [tilespmem:s24], [sflag:$0xD], $0x20, s13, s16, $0xb8;
	[tilespmem:$0x1C000] =	vst v63  }
0xde: {  	_ =	swait.ge [sflag:s5], $0x1000  }
0xdf: {  	[sflag:s5] =	ssyncset.done $0x0  }
0xe0: {  	s13 =	sadd.s32 $0x980, s7;
	[sflag:s5] =	ssyncadd.s32 $0xFFFFF000  }
0xe1: {  	[tilespmem:s22], [sflag:$0x4] =	stream.indirect.gather [spmem:s2], $0x20, s13, s16, $0xb8;
	[tilespmem:$0x1C000] =	vst v63  }
0xe2: {  	_ =	swait.ge [sflag:s6], $0x1000  }
0xe3: {  	[sflag:s6] =	ssyncset.done $0x0  }
0xe4: {  	s13 =	sadd.s32 $0x5680, s7;
	[sflag:s6] =	ssyncadd.s32 $0xFFFFF000  }
0xe5: {  	[spmem:s3] =	stream.indirect.scatter.add.f32 [tilespmem:s26], [sflag:$0xE], $0x20, s13, s16, $0xb8;
	[tilespmem:$0x1C000] =	vst v63  }
0xe6: {  	_ =	swait.ge [sflag:s15], $0x1000  }
0xe7: {  	[sflag:s15] =	ssyncset.done $0x0  }
0xe8: {  	s13 =	sadd.s32 $0xA00, s7;
	[sflag:s15] =	ssyncadd.s32 $0xFFFFF000  }
0xe9: {  	[tilespmem:s24], [sflag:$0x5] =	stream.indirect.gather [spmem:s2], $0x20, s13, s16, $0xb8;
	[tilespmem:$0x1C000] =	vst v63  }
0xea: {  	_ =	swait.ge [sflag:s8], $0x1000  }
0xeb: {  	[sflag:s8] =	ssyncset.done $0x0  }
0xec: {  	s13 =	sadd.s32 $0x5700, s7;
	[sflag:s8] =	ssyncadd.s32 $0xFFFFF000  }
0xed: {  	[spmem:s3] =	stream.indirect.scatter.add.f32 [tilespmem:s29], [sflag:$0xF], $0x20, s13, s16, $0xb8;
	[tilespmem:$0x1C000] =	vst v63  }
0xee: {  	_ =	swait.ge [sflag:s9], $0x1000  }
0xef: {  	[sflag:s9] =	ssyncset.done $0x0  }
.Ltmp0:
0xf0: {  	s13 =	sadd.s32 $0xA80, s7;
	[sflag:s9] =	ssyncadd.s32 $0xFFFFF000;
	(pc) =	sbr.rel @p0 .LBB2_2-.Ltmp0, $4  }
0xf1: {  	[tilespmem:s26], [sflag:$0x6] =	stream.indirect.gather [spmem:s2], $0x20, s13, s16, $0xb8;
	[tilespmem:$0x1C000] =	vst v63  }
0xf2: {  	_ =	swait.ge [sflag:s10], $0x1000  }
0xf3: {  	[sflag:s10] =	ssyncset.done $0x0  }
0xf4: {  	s7 =	sadd.s32 $0x5780, s7;
	[sflag:s10] =	ssyncadd.s32 $0xFFFFF000  }
0xf5: {  	[spmem:s3] =	stream.indirect.scatter.add.f32 [tilespmem:s0], [sflag:$0x10], $0x20, s7, s16, $0xb8;
	[tilespmem:$0x1C000] =	vst v63  }
0xf6: {  	_ =	swait.ge [sflag:s11], $0x1000  }
0xf7: {  	[sflag:s11] =	ssyncset.done $0x0  }
0xf8: {  	s4 =	simm.s32 $0x4F00;
	[sflag:s11] =	ssyncadd.s32 $0xFFFFF000  }
0xf9: {  	[tilespmem:s29], [sflag:$0x7] =	stream.indirect.gather [spmem:s2], $0x20, s4, s16, $0xb8;
	[tilespmem:$0x1C000] =	vst v63  }
0xfa: {  	_ =	swait.ge [sflag:s30], $0x1000  }
0xfb: {  	[sflag:s30] =	ssyncset.done $0x0  }
0xfc: {  	s7 =	simm.s32 $0x9C00;
	[sflag:s30] =	ssyncadd.s32 $0xFFFFF000  }
0xfd: {  	[spmem:s3] =	stream.indirect.scatter.add.f32 [tilespmem:s17], [sflag:$0x9], $0x20, s7, s16, $0xb8;
	[tilespmem:$0x1C000] =	vst v63  }
0xfe: {  	_ =	swait.ge [sflag:s12], $0x1000  }
0xff: {  	[sflag:s12] =	ssyncset.done $0x0  }
0x100: {  	s13 =	simm.s32 $0x4F80;
	[sflag:s12] =	ssyncadd.s32 $0xFFFFF000  }
0x101: {  	[tilespmem:s0], [sflag:$0x8] =	stream.indirect.gather [spmem:s2], $0x20, s13, s16, $0xb8;
	[tilespmem:$0x1C000] =	vst v63  }
0x102: {  	_ =	swait.ge [sflag:s1], $0x1000  }
0x103: {  	[sflag:s1] =	ssyncset.done $0x0  }
0x104: {  	s14 =	simm.s32 $0x9C80;
	[sflag:s1] =	ssyncadd.s32 $0xFFFFF000  }
0x105: {  	[spmem:s3] =	stream.indirect.scatter.add.f32 [tilespmem:s18], [sflag:$0xA], $0x20, s14, s16, $0xb8;
	[tilespmem:$0x1C000] =	vst v63  }
0x106: {  	_ =	swait.ge [sflag:s25], $0x1000  }
0x107: {  	[sflag:s25] =	ssyncset.done $0x0  }
0x108: {  	s7 =	simm.s32 $0x9D00;
	[sflag:s25] =	ssyncadd.s32 $0xFFFFF000  }
0x109: {  	[spmem:s3] =	stream.indirect.scatter.add.f32 [tilespmem:s20], [sflag:$0xB], $0x20, s7, s16, $0xb8;
	[tilespmem:$0x1C000] =	vst v63  }
0x10a: {  	_ =	swait.ge [sflag:s23], $0x1000  }
0x10b: {  	[sflag:s23] =	ssyncset.done $0x0  }
0x10c: {  	s13 =	simm.s32 $0x9D80;
	[sflag:s23] =	ssyncadd.s32 $0xFFFFF000  }
0x10d: {  	[spmem:s3] =	stream.indirect.scatter.add.f32 [tilespmem:s22], [sflag:$0xC], $0x20, s13, s16, $0xb8;
	[tilespmem:$0x1C000] =	vst v63  }
0x10e: {  	_ =	swait.ge [sflag:s28], $0x1000  }
0x10f: {  	[sflag:s28] =	ssyncset.done $0x0  }
0x110: {  	s14 =	simm.s32 $0x9E00;
	[sflag:s28] =	ssyncadd.s32 $0xFFFFF000  }
0x111: {  	[spmem:s3] =	stream.indirect.scatter.add.f32 [tilespmem:s24], [sflag:$0xD], $0x20, s14, s16, $0xb8;
	[tilespmem:$0x1C000] =	vst v63  }
0x112: {  	_ =	swait.ge [sflag:s6], $0x1000  }
0x113: {  	[sflag:s6] =	ssyncset.done $0x0  }
0x114: {  	s7 =	simm.s32 $0x9E80;
	[sflag:s6] =	ssyncadd.s32 $0xFFFFF000  }
0x115: {  	[spmem:s3] =	stream.indirect.scatter.add.f32 [tilespmem:s26], [sflag:$0xE], $0x20, s7, s16, $0xb8;
	[tilespmem:$0x1C000] =	vst v63  }
0x116: {  	_ =	swait.ge [sflag:s8], $0x1000  }
0x117: {  	[sflag:s8] =	ssyncset.done $0x0  }
0x118: {  	s13 =	simm.s32 $0x9F00;
	[sflag:s8] =	ssyncadd.s32 $0xFFFFF000  }
0x119: {  	[spmem:s3] =	stream.indirect.scatter.add.f32 [tilespmem:s29], [sflag:$0xF], $0x20, s13, s16, $0xb8;
	[tilespmem:$0x1C000] =	vst v63  }
0x11a: {  	_ =	swait.ge [sflag:s10], $0x1000  }
0x11b: {  	[sflag:s10] =	ssyncset.done $0x0  }
0x11c: {  	s14 =	simm.s32 $0x9F80;
	[sflag:s10] =	ssyncadd.s32 $0xFFFFF000  }
0x11d: {  	[spmem:s3] =	stream.indirect.scatter.add.f32 [tilespmem:s0], [sflag:$0x10], $0x20, s14, s16, $0xb8;
	[tilespmem:$0x1C000] =	vst v63  }
0x11e: {  	_ =	swait.ge [sflag:s21], $0x1000  }
0x11f: {  	[sflag:s21] =	ssyncset.done $0x0  }
0x120: {  	[sflag:s21] =	ssyncadd.s32 $0xFFFFF000  }
0x121: {  	_ =	swait.ge [sflag:s31], $0x1000  }
0x122: {  	[sflag:s31] =	ssyncset.done $0x0  }
0x123: {  	[sflag:s31] =	ssyncadd.s32 $0xFFFFF000  }
0x124: {  	_ =	swait.ge [sflag:s19], $0x1000  }
0x125: {  	[sflag:s19] =	ssyncset.done $0x0  }
0x126: {  	[sflag:s19] =	ssyncadd.s32 $0xFFFFF000  }
0x127: {  	_ =	swait.ge [sflag:s5], $0x1000  }
0x128: {  	[sflag:s5] =	ssyncset.done $0x0  }
0x129: {  	[sflag:s5] =	ssyncadd.s32 $0xFFFFF000  }
0x12a: {  	_ =	swait.ge [sflag:s15], $0x1000  }
0x12b: {  	[sflag:s15] =	ssyncset.done $0x0  }
0x12c: {  	[sflag:s15] =	ssyncadd.s32 $0xFFFFF000  }
0x12d: {  	_ =	swait.ge [sflag:s9], $0x1000  }
0x12e: {  	[sflag:s9] =	ssyncset.done $0x0  }
0x12f: {  	[sflag:s9] =	ssyncadd.s32 $0xFFFFF000  }
0x130: {  	_ =	swait.ge [sflag:s11], $0x1000  }
0x131: {  	[sflag:s11] =	ssyncset.done $0x0  }
0x132: {  	[sflag:s11] =	ssyncadd.s32 $0xFFFFF000  }
0x133: {  	_ =	swait.ge [sflag:s12], $0x1000  }
0x134: {  	[sflag:s12] =	ssyncset.done $0x0  }
0x135: {  	[sflag:s12] =	ssyncadd.s32 $0xFFFFF000  }
0x136: {  	[bflag:$0x0] =	sbarrier.arrive $0xFFFF  }
0x137: {  	s7 =	rddreg [dreg:$0x7]  }
0x138: {  	s13 =	rddreg [dreg:$0xa]  }
0x139: {  	s4 =	simm.s32 $0x11;
	s14 =	rddreg [dreg:$0xd]  }
0x13a: {  	[hbm:s13], [sflag:s7] =	dma.local [spmem:s14], $0xA00  }
0x13b: {  	_ =	swait.ge [sflag:s4], $0xA00  }
0x13c: {  	s13 =	rddreg [dreg:$0xe]  }
0x13d: {  	s14 =	rddreg [dreg:$0xb];
	s13 =	sadd.s32 $0x1, s13  }
0x13e: {  	p0 =	sne.s32 s13, s14  }
.Ltmp1:
0x13f: {  	_ = 	snop;
	(pc) =	sbr.rel @p0 .LBB2_1-.Ltmp1, $3  }
0x140: {  	_ =	sdelay $0x1  }
0x141: {  	[sflag:s4] =	ssyncset.done $0x0  }
0x142: {  	[sflag:s4] =	ssyncadd.s32 $0xFFFFF600  }
0x143: {  	_ =	sfence.sel $0x180000  }
0x144: {  	[bflag:$0x0] =	sbarrier.arrive $0xFFFF  }
0x145: {  	_ =	strace $0x9000004A  }
0x146: {  	s0 =	stileid.u32;
	[bflag:$0x2] =	sbarrier.arrive $0xFFFF  }
0x147: {  	p0 =	sne.s32 s0, $0x0;
	s0 =	rddreg [dreg:$0x4]  }
0x148: {  	s0 =	sadd.s32 @!p0 $0x100000, s0  }
0x149: {  	[sflag:s0] =	ssyncadd.tile.s32 @!p0 $0x1;
	_ =	shalt  }
.Lfunc_end2:
_tile_overlayer_lowered:
.L_overlay_start_2:
0x14a: {  	(tag) =	ssettag $0x2  }
0x14b: {  	s0 =	rddreg [dreg:$0x0];
	s2 =	stileid.u32  }
0x14c: {  	s1 =	rddreg [dreg:$0x1];
	p0 =	sne.s32 s2, $0x0  }
0x14d: {  	s3 =	rddreg [dreg:$0x2];
	[bflag:$0x3] =	sbarrier.arrive $0xFFFF;
	s2 =	simm.s32 @!p0 $0x1C11  }
0x14e: {  	[timem:s3], [sflag:s2] =	dma.local @!p0 [hbm:s0], s1  }
0x14f: {  	s0 =	simm.s32 @!p0 $0x11  }
0x150: {  	_ =	swait.ge @!p0 [sflag:s0], s1  }
0x151: {  	s1 =	ssub.s32 @!p0 $0x0, s1;
	[sflag:s0] =	ssyncset.done @!p0 $0x0  }
0x152: {  	[sflag:s0] =	ssyncadd.s32 @!p0 s1  }
0x153: {  	[bflag:$0x3] =	sbarrier.arrive $0xFFFF  }
0x154: {  	_ =	shalt  }

</sc_bundles>
